<compile_context>
chip_gen: v7x
topology: tpu7x:2x2x1
jax: 0.10.2.dev20260603
libtpu: 0.0.44.dev20260713+nightly
codegen_flags: <defaults>
</compile_context>

<pallas_src>
import jax
import jax.numpy as jnp
from jax.experimental import pallas as pl
from jax.experimental.pallas import tpu as pltpu
from jax.experimental.pallas import tpu_sc as plsc

_CHUNK = 128
_GATHER_WINDOW = 128
_HEAD_BLOCKS = 8


def _sc_gather(table, idx):
    n = idx.shape[0]
    e = table.shape[1]
    idx2 = idx.reshape(1, n)
    mesh = plsc.VectorSubcoreMesh(core_axis_name="core",
                                  subcore_axis_name="subcore")

    @pl.kernel(out_type=jax.ShapeDtypeStruct((n, e), table.dtype), mesh=mesh)
    def _gather_kernel(tab_hbm, i_hbm, o_hbm):
        def body(i_vmem, o_vmem):
            pltpu.sync_copy(tab_hbm.at[i_vmem.at[0]], o_vmem)

        pltpu.emit_pipeline(
            body,
            grid=(n // _GATHER_WINDOW,),
            in_specs=[pl.BlockSpec((1, _GATHER_WINDOW),
                                   index_map=lambda i: (0, i))],
            out_specs=[pl.BlockSpec((_GATHER_WINDOW, e),
                                    index_map=lambda i: (i, 0))],
            core_axis_name=("core", "subcore"),
            dimension_semantics=(pltpu.PARALLEL,),
        )(i_hbm, o_hbm)

    return _gather_kernel(table, idx2)


def _dot(a, b):
    return jax.lax.dot_general(a.astype(jnp.bfloat16), b.astype(jnp.bfloat16),
                               (((1,), (0,)), ((), ())),
                               preferred_element_type=jnp.float32)


def _sig(x):
    return 0.5 * jnp.tanh(0.5 * x) + 0.5


def _lstm_cell(gates, cv, h):
    ig = gates[:, :h]
    fg = gates[:, h:2 * h]
    gg = gates[:, 2 * h:3 * h]
    og = gates[:, 3 * h:]
    cc = _sig(fg) * cv + _sig(ig) * jnp.tanh(gg)
    hh = _sig(og) * jnp.tanh(cc)
    return hh, cc


def _lstm_body(embeds_ref, wih0_ref, whh0_ref, bias0_ref,
               wih1_ref, whh1_ref, bias1_ref,
               ys1_ref, hn_ref, cn_ref, x_scr, ys0_scr):
    nlayers, b, h = hn_ref.shape
    sb = embeds_ref.shape[0]
    nchunks = sb // (_CHUNK * b)

    def run_layer(src_ref, wih_ref, whh_ref, bias_ref, dst_ref, layer_idx):
        def chunk(k, hc):
            r0 = k * (_CHUNK * b)
            x_scr[...] = (_dot(src_ref[pl.ds(r0, _CHUNK * b), :],
                                wih_ref[...]) +
                          bias_ref[...]).astype(x_scr.dtype)

            def step(i, hc2):
                hv, cv = hc2
                gates = x_scr[pl.ds(i * b, b), :] + _dot(hv, whh_ref[...])
                hh, cc = _lstm_cell(gates, cv, h)
                dst_ref[pl.ds(r0 + i * b, b), :] = hh.astype(dst_ref.dtype)
                return (hh, cc)

            return jax.lax.fori_loop(0, _CHUNK, step, hc, unroll=16)

        zero = jnp.zeros((b, h), jnp.float32)
        hT, cT = jax.lax.fori_loop(0, nchunks, chunk, (zero, zero))
        hn_ref[layer_idx] = hT
        cn_ref[layer_idx] = cT

    run_layer(embeds_ref, wih0_ref, whh0_ref, bias0_ref, ys0_scr, 0)
    run_layer(ys0_scr, wih1_ref, whh1_ref, bias1_ref, ys1_ref, 1)


def _head_body(ys_ref, w1_ref, b1_ref, w2_ref, b2_ref, out_ref):
    ys_t = ys_ref[...].T
    t = _dot(w1_ref[...], ys_t) + b1_ref[...]
    t = _dot(w2_ref[...], t.astype(jnp.bfloat16)) + b2_ref[...]
    t = jnp.maximum(t, 0.0)
    m = jnp.max(t, axis=0, keepdims=True)
    lse = m + jnp.log(jnp.sum(jnp.exp(t - m), axis=0, keepdims=True))
    out_ref[...] = t - lse


def kernel(input, embedding, W_ih_0, W_hh_0, b_ih_0, b_hh_0,
           W_ih_1, W_hh_1, b_ih_1, b_hh_1, W1, b1, W2, b2):
    s, b = input.shape
    v, e = embedding.shape
    h = W_hh_0.shape[1]
    sb = s * b

    idx = input.reshape(-1).astype(jnp.int32)
    embeds = _sc_gather(embedding, idx)

    bias0 = (b_ih_0 + b_hh_0).reshape(1, -1)
    bias1 = (b_ih_1 + b_hh_1).reshape(1, -1)

    ys1, h_n, c_n = pl.pallas_call(
        _lstm_body,
        out_shape=[
            jax.ShapeDtypeStruct((sb, h), jnp.bfloat16),
            jax.ShapeDtypeStruct((2, b, h), jnp.float32),
            jax.ShapeDtypeStruct((2, b, h), jnp.float32),
        ],
        scratch_shapes=[
            pltpu.VMEM((_CHUNK * b, 4 * h), jnp.bfloat16),
            pltpu.VMEM((sb, h), jnp.bfloat16),
        ],
    )(embeds, W_ih_0.astype(jnp.bfloat16).T, W_hh_0.astype(jnp.bfloat16).T,
      bias0, W_ih_1.astype(jnp.bfloat16).T, W_hh_1.astype(jnp.bfloat16).T,
      bias1)

    rows = sb // _HEAD_BLOCKS
    out_t = pl.pallas_call(
        _head_body,
        grid=(_HEAD_BLOCKS,),
        in_specs=[
            pl.BlockSpec((rows, h), lambda i: (i, 0)),
            pl.BlockSpec((W1.shape[0], h), lambda i: (0, 0)),
            pl.BlockSpec((W1.shape[0], 1), lambda i: (0, 0)),
            pl.BlockSpec((v, W1.shape[0]), lambda i: (0, 0)),
            pl.BlockSpec((v, 1), lambda i: (0, 0)),
        ],
        out_specs=pl.BlockSpec((v, rows), lambda i: (0, i)),
        out_shape=jax.ShapeDtypeStruct((v, sb), jnp.float32),
    )(ys1, W1.astype(jnp.bfloat16), b1.reshape(-1, 1),
      W2.astype(jnp.bfloat16), b2.reshape(-1, 1))

    return (out_t.T, (h_n, c_n))

# --- scband reference (transcript-rebuilt; emitter-appended) ---
"""Pipeline reference for scband-nerualnetwork-hw-3-44633300140544 (READ-ONLY COPY).

The authoritative reference and input builder live on the scoring server;
editing this copy changes nothing except your own understanding.
"""

import jax, jax.numpy as jnp
import numpy as np

SEQ, BATCH = 128, 32
VOCAB, EMBED, HIDDEN, NUM_LAYERS = 1000, 256, 512, 2


def setup_inputs(seed: int = 0) -> dict:
    key = jax.random.key(seed)
    ks = jax.random.split(key, 16)
    s = 0.05
    inp = {}
    inp["input"] = jax.random.randint(ks[0], (SEQ, BATCH), 0, VOCAB)
    inp["embedding"] = jax.random.normal(ks[1], (VOCAB, EMBED), dtype=jnp.float32) * s
    inp["W_ih_0"] = jax.random.normal(ks[2], (4 * HIDDEN, EMBED), dtype=jnp.float32) * s
    inp["W_hh_0"] = jax.random.normal(ks[3], (4 * HIDDEN, HIDDEN), dtype=jnp.float32) * s
    inp["b_ih_0"] = jax.random.normal(ks[4], (4 * HIDDEN,), dtype=jnp.float32) * s
    inp["b_hh_0"] = jax.random.normal(ks[5], (4 * HIDDEN,), dtype=jnp.float32) * s
    inp["W_ih_1"] = jax.random.normal(ks[6], (4 * HIDDEN, HIDDEN), dtype=jnp.float32) * s
    inp["W_hh_1"] = jax.random.normal(ks[7], (4 * HIDDEN, HIDDEN), dtype=jnp.float32) * s
    inp["b_ih_1"] = jax.random.normal(ks[8], (4 * HIDDEN,), dtype=jnp.float32) * s
    inp["b_hh_1"] = jax.random.normal(ks[9], (4 * HIDDEN,), dtype=jnp.float32) * s
    inp["W1"] = jax.random.normal(ks[10], (256, HIDDEN), dtype=jnp.float32) * s
    inp["b1"] = jax.random.normal(ks[11], (256,), dtype=jnp.float32) * s
    inp["W2"] = jax.random.normal(ks[12], (VOCAB, 256), dtype=jnp.float32) * s
    inp["b2"] = jax.random.normal(ks[13], (VOCAB,), dtype=jnp.float32) * s
    return inp


def _lstm_layer(x_seq, h0, c0, W_ih, W_hh, b_ih, b_hh):
    # PyTorch gate order: i, f, g, o
    def step(carry, x_t):
        h, c = carry
        gates = x_t @ W_ih.T + b_ih + h @ W_hh.T + b_hh
        i, f, g, o = jnp.split(gates, 4, axis=-1)
        c = jax.nn.sigmoid(f) * c + jax.nn.sigmoid(i) * jnp.tanh(g)
        h = jax.nn.sigmoid(o) * jnp.tanh(c)
        return (h, c), h
    (hT, cT), ys = jax.lax.scan(step, (h0, c0), x_seq)
    return ys, hT, cT


def reference(input, embedding, W_ih_0, W_hh_0, b_ih_0, b_hh_0, W_ih_1, W_hh_1, b_ih_1, b_hh_1, W1, b1, W2, b2):
    seq_len, batch = input.shape
    h0 = jnp.zeros((batch, HIDDEN), dtype=jnp.float32)
    c0 = jnp.zeros((batch, HIDDEN), dtype=jnp.float32)
    embeds = jnp.take(embedding, input, axis=0)  # [S, B, E]
    x, h1, c1 = _lstm_layer(embeds, h0, c0, W_ih_0, W_hh_0, b_ih_0, b_hh_0)
    x, h2, c2 = _lstm_layer(x, h0, c0, W_ih_1, W_hh_1, b_ih_1, b_hh_1)
    h_n = jnp.stack([h1, h2], axis=0)
    c_n = jnp.stack([c1, c2], axis=0)
    out = x.reshape(seq_len * batch, HIDDEN) @ W1.T + b1
    out = out @ W2.T + b2
    out = jax.nn.relu(out)
    out = jax.nn.log_softmax(out, axis=1)  # nn.LogSoftmax() legacy default dim=1 for 2D
    return (out, (h_n, c_n))

if __name__ == "__main__":
    import jax
    _d = setup_inputs()
    print(jax.jit(kernel)(*tuple(_d.values())))

</pallas_src>

<mosaic_0001>
#map = affine_map<(d0, d1) -> (0, 0)>
module attributes {stable_mosaic.version = 14 : i64} {
  func.func @_gather_kernel(%arg0: i32, %arg1: i32, %arg2: memref<1000x256xf32, #tpu.memory_space<hbm>>, %arg3: memref<1x4096xi32, #tpu.memory_space<hbm>>, %arg4: memref<4096x256xf32, #tpu.memory_space<hbm>>) attributes {dimension_semantics = [#tpu.dimension_semantics<core_parallel>, #tpu.dimension_semantics<subcore_parallel>], iteration_bounds = array<i64: 2, 16>, scalar_prefetch = 0 : i64, scratch_operands = 0 : i64, tpu.core_type = #tpu.core_type<sc_vector_subcore>, window_params = [{transform_indices = #map}, {transform_indices = #map}, {transform_indices = #map}]} {
    %mul3A = arith.constant 1 : i32
    %mul3A_0 = arith.muli %arg1, %mul3A : i32
    %add3A = arith.constant 0 : i32
    %add3A_1 = arith.addi %add3A, %mul3A_0 : i32
    %mul3A_2 = arith.constant 16 : i32
    %mul3A_3 = arith.muli %arg0, %mul3A_2 : i32
    %add3A_4 = arith.addi %add3A_1, %mul3A_3 : i32
    %mul3A_5 = arith.constant 1 : i32
    %mul3A_6 = arith.muli %add3A_4, %mul3A_5 : i32
    "tpu.region"() ({
      %run_scoped3A = memref.alloca() : memref<2x1x128xi32, #tpu.memory_space<vmem>>
      %run_scoped3A_7 = tpu.sem_alloc : memref<2x!tpu.dma_semaphore, #tpu.memory_space<semaphore_mem>>
      %run_scoped3A_8 = memref.alloca() : memref<2x128x256xf32, #tpu.memory_space<vmem>>
      %run_scoped3A_9 = tpu.sem_alloc : memref<2x!tpu.dma_semaphore, #tpu.memory_space<semaphore_mem>>
      %add3A_10 = arith.constant 0 : i32
      %add3A_11 = arith.addi %add3A_10, %mul3A_6 : i32
      %select_n3A = arith.constant true
      %select_n3A_12 = arith.constant 0 : i32
      %select_n3A_13 = arith.constant -1 : i32
      %select_n3A_14 = arith.select %select_n3A, %select_n3A_13, %select_n3A_12 : i32
      %eq3A = arith.constant -1 : i32
      %eq3A_15 = arith.cmpi eq, %select_n3A_14, %eq3A : i32
      %select_n3A_16 = arith.constant 0 : i32
      %select_n3A_17 = arith.select %eq3A_15, %select_n3A_16, %select_n3A_14 : i32
      %add3A_18 = arith.constant 0 : i32
      %add3A_19 = arith.addi %add3A_18, %mul3A_6 : i32
      %select_n3A_20 = arith.constant true
      %select_n3A_21 = arith.constant 0 : i32
      %select_n3A_22 = arith.constant 1 : i32
      %select_n3A_23 = arith.select %select_n3A_20, %select_n3A_22, %select_n3A_21 : i32
      %eq3A_24 = arith.constant 1 : i32
      %eq3A_25 = arith.cmpi eq, %select_n3A_23, %eq3A_24 : i32
      %select_n3A_26 = arith.constant 0 : i32
      %select_n3A_27 = arith.select %eq3A_25, %select_n3A_26, %select_n3A_23 : i32
      %add3A_28 = arith.constant 0 : i32
      %add3A_29 = arith.addi %add3A_28, %mul3A_6 : i32
      %select_n3A_30 = arith.constant true
      %select_n3A_31 = arith.constant 0 : i32
      %select_n3A_32 = arith.constant 1 : i32
      %select_n3A_33 = arith.select %select_n3A_30, %select_n3A_32, %select_n3A_31 : i32
      %eq3A_34 = arith.constant 1 : i32
      %eq3A_35 = arith.cmpi eq, %select_n3A_33, %eq3A_34 : i32
      %select_n3A_36 = arith.constant 0 : i32
      %select_n3A_37 = arith.select %eq3A_35, %select_n3A_36, %select_n3A_33 : i32
      %add3A_38 = arith.constant 0 : i32
      %add3A_39 = arith.addi %add3A_38, %mul3A_6 : i32
      "tpu.trace_start"() <{level = 10 : i32, message = "ep_initialize_0"}> : () -> ()
      %rem3A = arith.constant 0 : i32
      %rem3A_40 = arith.constant 2 : i32
      %rem3A_41 = arith.remui %rem3A, %rem3A_40 : i32
      %mul3A_42 = arith.constant 128 : i32
      %mul3A_43 = arith.muli %mul3A_42, %add3A_11 : i32
      %dma_start3A = arith.constant 0 : i32
      %dma_start3A_44 = arith.constant 0 : i32
      %dma_start3A_45 = tpu.memref_slice %run_scoped3A[%rem3A_41, %dma_start3A, %dma_start3A_44] : memref<2x1x128xi32, #tpu.memory_space<vmem>> -> memref<1x1x128xi32, #tpu.memory_space<vmem>>
      %dma_start3A_46 = tpu.memref_squeeze %dma_start3A_45 : memref<1x1x128xi32, #tpu.memory_space<vmem>> -> memref<1x128xi32, #tpu.memory_space<vmem>>
      %dma_start3A_47 = arith.constant 0 : i32
      %dma_start3A_48 = tpu.memref_slice %arg3[%dma_start3A_47, %mul3A_43] : memref<1x4096xi32, #tpu.memory_space<hbm>> -> memref<1x128xi32, #tpu.memory_space<hbm>>
      %dma_start3A_49 = tpu.memref_slice %run_scoped3A_7[%rem3A_41] : memref<2x!tpu.dma_semaphore, #tpu.memory_space<semaphore_mem>> -> memref<1x!tpu.dma_semaphore, #tpu.memory_space<semaphore_mem>>
      %dma_start3A_50 = tpu.memref_squeeze %dma_start3A_49 : memref<1x!tpu.dma_semaphore, #tpu.memory_space<semaphore_mem>> -> memref<!tpu.dma_semaphore, #tpu.memory_space<semaphore_mem>>
      %dma_start3A_51 = arith.constant 0 : i32
      %dma_start3A_52 = arith.constant 0 : i32
      %dma_start3A_53 = tpu.memref_slice %run_scoped3A[%rem3A_41, %dma_start3A_51, %dma_start3A_52] : memref<2x1x128xi32, #tpu.memory_space<vmem>> -> memref<1x1x128xi32, #tpu.memory_space<vmem>>
      %dma_start3A_54 = tpu.memref_squeeze %dma_start3A_53 : memref<1x1x128xi32, #tpu.memory_space<vmem>> -> memref<1x128xi32, #tpu.memory_space<vmem>>
      %dma_start3A_55 = arith.constant 0 : i32
      %dma_start3A_56 = tpu.memref_slice %arg3[%dma_start3A_55, %mul3A_43] : memref<1x4096xi32, #tpu.memory_space<hbm>> -> memref<1x128xi32, #tpu.memory_space<hbm>>
      tpu.enqueue_dma source(%dma_start3A_56 : memref<1x128xi32, #tpu.memory_space<hbm>>) target(%dma_start3A_54 : memref<1x128xi32, #tpu.memory_space<vmem>>) target_semaphore(%dma_start3A_50 : memref<!tpu.dma_semaphore, #tpu.memory_space<semaphore_mem>>)
      %add3A_57 = arith.constant 0 : i32
      %add3A_58 = arith.constant 1 : i32
      %add3A_59 = arith.addi %add3A_57, %add3A_58 : i32
      %select_n3A_60 = arith.constant true
      %select_n3A_61 = arith.constant 0 : i32
      %select_n3A_62 = arith.select %select_n3A_60, %add3A_59, %select_n3A_61 : i32
      "tpu.trace_stop"() : () -> ()
      %scan3A = arith.constant 0 : i32
      %scan3A_63 = arith.constant 0 : i32
      %scan3A_64 = arith.constant 0 : i32
      %scan3A_65 = arith.constant 0 : i32
      %scan3A_66 = arith.constant 0 : i32
      %eq3A_67 = arith.constant 0 : i32
      %eq3A_68 = arith.cmpi eq, %scan3A_66, %eq3A_67 : i32
      %eq3A_69 = arith.constant 0 : i32
      %eq3A_70 = arith.cmpi eq, %scan3A_66, %eq3A_69 : i32
      %add3A_71 = arith.constant 0 : i32
      %add3A_72 = arith.addi %add3A_71, %mul3A_6 : i32
      %select_n3A_73 = arith.constant true
      %select_n3A_74 = arith.constant 0 : i32
      %select_n3A_75 = arith.constant -1 : i32
      %select_n3A_76 = arith.select %select_n3A_73, %select_n3A_75, %select_n3A_74 : i32
      %eq3A_77 = arith.constant -1 : i32
      %eq3A_78 = arith.cmpi eq, %select_n3A_76, %eq3A_77 : i32
      %select_n3A_79 = arith.constant 0 : i32
      %select_n3A_80 = arith.select %eq3A_78, %select_n3A_79, %select_n3A_76 : i32
      %add3A_81 = arith.constant 0 : i32
      %add3A_82 = arith.addi %add3A_81, %mul3A_6 : i32
      %select_n3A_83 = arith.constant true
      %select_n3A_84 = arith.constant 0 : i32
      %select_n3A_85 = arith.constant 1 : i32
      %select_n3A_86 = arith.select %select_n3A_83, %select_n3A_85, %select_n3A_84 : i32
      %eq3A_87 = arith.constant 1 : i32
      %eq3A_88 = arith.cmpi eq, %select_n3A_86, %eq3A_87 : i32
      %select_n3A_89 = arith.constant 0 : i32
      %select_n3A_90 = arith.select %eq3A_88, %select_n3A_89, %select_n3A_86 : i32
      %add3A_91 = arith.constant 0 : i32
      %add3A_92 = arith.addi %add3A_91, %mul3A_6 : i32
      %select_n3A_93 = arith.constant true
      %select_n3A_94 = arith.constant 0 : i32
      %select_n3A_95 = arith.constant 1 : i32
      %select_n3A_96 = arith.select %select_n3A_93, %select_n3A_95, %select_n3A_94 : i32
      %eq3A_97 = arith.constant 1 : i32
      %eq3A_98 = arith.cmpi eq, %select_n3A_96, %eq3A_97 : i32
      %select_n3A_99 = arith.constant 0 : i32
      %select_n3A_100 = arith.select %eq3A_98, %select_n3A_99, %select_n3A_96 : i32
      %add3A_101 = arith.constant 0 : i32
      %add3A_102 = arith.addi %add3A_101, %mul3A_6 : i32
      %ne3A = arith.cmpi ne, %add3A_72, %add3A_92 : i32
      %or3A = arith.constant false
      %or3A_103 = arith.ori %or3A, %ne3A : i1
      %ge3A = arith.constant 0 : i32
      %ge3A_104 = arith.cmpi sge, %scan3A_66, %ge3A : i32
      %not3A = arith.constant true
      %not3A_105 = arith.xori %ge3A_104, %not3A : i1
      %and3A = arith.andi %or3A_103, %not3A_105 : i1
      %convert_element_type3A = arith.extui %and3A : i1 to i32
      %cond3A = arith.constant 0 : i32
      %cond3A_106 = arith.cmpi ne, %convert_element_type3A, %cond3A : i32
      scf.if %cond3A_106 {
        "tpu.trace_start"() <{level = 10 : i32, message = "ep_copy_in"}> : () -> ()
        %rem3A_266 = arith.constant 2 : i32
        %rem3A_267 = arith.remui %select_n3A_62, %rem3A_266 : i32
        %mul3A_268 = arith.constant 128 : i32
        %mul3A_269 = arith.muli %mul3A_268, %add3A_92 : i32
        %dma_start3A_270 = arith.constant 0 : i32
        %dma_start3A_271 = arith.constant 0 : i32
        %dma_start3A_272 = tpu.memref_slice %run_scoped3A[%rem3A_267, %dma_start3A_270, %dma_start3A_271] : memref<2x1x128xi32, #tpu.memory_space<vmem>> -> memref<1x1x128xi32, #tpu.memory_space<vmem>>
        %dma_start3A_273 = tpu.memref_squeeze %dma_start3A_272 : memref<1x1x128xi32, #tpu.memory_space<vmem>> -> memref<1x128xi32, #tpu.memory_space<vmem>>
        %dma_start3A_274 = arith.constant 0 : i32
        %dma_start3A_275 = tpu.memref_slice %arg3[%dma_start3A_274, %mul3A_269] : memref<1x4096xi32, #tpu.memory_space<hbm>> -> memref<1x128xi32, #tpu.memory_space<hbm>>
        %dma_start3A_276 = tpu.memref_slice %run_scoped3A_7[%rem3A_267] : memref<2x!tpu.dma_semaphore, #tpu.memory_space<semaphore_mem>> -> memref<1x!tpu.dma_semaphore, #tpu.memory_space<semaphore_mem>>
        %dma_start3A_277 = tpu.memref_squeeze %dma_start3A_276 : memref<1x!tpu.dma_semaphore, #tpu.memory_space<semaphore_mem>> -> memref<!tpu.dma_semaphore, #tpu.memory_space<semaphore_mem>>
        %dma_start3A_278 = arith.constant 0 : i32
        %dma_start3A_279 = arith.constant 0 : i32
        %dma_start3A_280 = tpu.memref_slice %run_scoped3A[%rem3A_267, %dma_start3A_278, %dma_start3A_279] : memref<2x1x128xi32, #tpu.memory_space<vmem>> -> memref<1x1x128xi32, #tpu.memory_space<vmem>>
        %dma_start3A_281 = tpu.memref_squeeze %dma_start3A_280 : memref<1x1x128xi32, #tpu.memory_space<vmem>> -> memref<1x128xi32, #tpu.memory_space<vmem>>
        %dma_start3A_282 = arith.constant 0 : i32
        %dma_start3A_283 = tpu.memref_slice %arg3[%dma_start3A_282, %mul3A_269] : memref<1x4096xi32, #tpu.memory_space<hbm>> -> memref<1x128xi32, #tpu.memory_space<hbm>>
        tpu.enqueue_dma source(%dma_start3A_283 : memref<1x128xi32, #tpu.memory_space<hbm>>) target(%dma_start3A_281 : memref<1x128xi32, #tpu.memory_space<vmem>>) target_semaphore(%dma_start3A_277 : memref<!tpu.dma_semaphore, #tpu.memory_space<semaphore_mem>>)
        "tpu.trace_stop"() : () -> ()
      } else {
      }
      %and3A_107 = arith.constant true
      %and3A_108 = arith.andi %and3A, %and3A_107 : i1
      %add3A_109 = arith.constant 1 : i32
      %add3A_110 = arith.addi %select_n3A_62, %add3A_109 : i32
      %select_n3A_111 = arith.select %and3A_108, %add3A_110, %select_n3A_62 : i32
      %ne3A_112 = arith.cmpi ne, %add3A_72, %add3A_92 : i32
      %or3A_113 = arith.constant false
      %or3A_114 = arith.ori %or3A_113, %ne3A_112 : i1
      %or3A_115 = arith.constant false
      %or3A_116 = arith.ori %or3A_114, %or3A_115 : i1
      %ge3A_117 = arith.constant 0 : i32
      %ge3A_118 = arith.cmpi sge, %scan3A_66, %ge3A_117 : i32
      %not3A_119 = arith.constant true
      %not3A_120 = arith.xori %ge3A_118, %not3A_119 : i1
      %and3A_121 = arith.andi %or3A_116, %not3A_120 : i1
      %ne3A_122 = arith.cmpi ne, %add3A_72, %add3A_82 : i32
      %or3A_123 = arith.constant false
      %or3A_124 = arith.ori %or3A_123, %ne3A_122 : i1
      %or3A_125 = arith.ori %or3A_124, %eq3A_68 : i1
      %convert_element_type3A_126 = arith.extui %or3A_125 : i1 to i32
      %cond3A_127 = arith.constant 0 : i32
      %cond3A_128 = arith.cmpi ne, %convert_element_type3A_126, %cond3A_127 : i32
      scf.if %cond3A_128 {
        "tpu.trace_start"() <{level = 10 : i32, message = "ep_wait_in"}> : () -> ()
        %mul3A_266 = arith.constant 128 : i32
        %mul3A_267 = arith.muli %mul3A_266, %add3A_72 : i32
        %rem3A_268 = arith.constant 2 : i32
        %rem3A_269 = arith.remui %scan3A, %rem3A_268 : i32
        %dma_wait3A_270 = arith.constant 0 : i32
        %dma_wait3A_271 = arith.constant 0 : i32
        %dma_wait3A_272 = tpu.memref_slice %run_scoped3A[%rem3A_269, %dma_wait3A_270, %dma_wait3A_271] : memref<2x1x128xi32, #tpu.memory_space<vmem>> -> memref<1x1x128xi32, #tpu.memory_space<vmem>>
        %dma_wait3A_273 = tpu.memref_squeeze %dma_wait3A_272 : memref<1x1x128xi32, #tpu.memory_space<vmem>> -> memref<1x128xi32, #tpu.memory_space<vmem>>
        %dma_wait3A_274 = arith.constant 0 : i32
        %dma_wait3A_275 = tpu.memref_slice %arg3[%dma_wait3A_274, %mul3A_267] : memref<1x4096xi32, #tpu.memory_space<hbm>> -> memref<1x128xi32, #tpu.memory_space<hbm>>
        %dma_wait3A_276 = tpu.memref_slice %run_scoped3A_7[%rem3A_269] : memref<2x!tpu.dma_semaphore, #tpu.memory_space<semaphore_mem>> -> memref<1x!tpu.dma_semaphore, #tpu.memory_space<semaphore_mem>>
        %dma_wait3A_277 = tpu.memref_squeeze %dma_wait3A_276 : memref<1x!tpu.dma_semaphore, #tpu.memory_space<semaphore_mem>> -> memref<!tpu.dma_semaphore, #tpu.memory_space<semaphore_mem>>
        %dma_wait3A_278 = arith.constant 0 : i32
        %dma_wait3A_279 = arith.constant 0 : i32
        %dma_wait3A_280 = tpu.memref_slice %run_scoped3A[%rem3A_269, %dma_wait3A_278, %dma_wait3A_279] : memref<2x1x128xi32, #tpu.memory_space<vmem>> -> memref<1x1x128xi32, #tpu.memory_space<vmem>>
        %dma_wait3A_281 = tpu.memref_squeeze %dma_wait3A_280 : memref<1x1x128xi32, #tpu.memory_space<vmem>> -> memref<1x128xi32, #tpu.memory_space<vmem>>
        %dma_wait3A_282 = arith.constant 0 : i32
        %dma_wait3A_283 = tpu.memref_slice %arg3[%dma_wait3A_282, %mul3A_267] : memref<1x4096xi32, #tpu.memory_space<hbm>> -> memref<1x128xi32, #tpu.memory_space<hbm>>
        tpu.wait_dma2 semaphore(%dma_wait3A_277 : memref<!tpu.dma_semaphore, #tpu.memory_space<semaphore_mem>>) src(%dma_wait3A_283 : memref<1x128xi32, #tpu.memory_space<hbm>>) dst(%dma_wait3A_281 : memref<1x128xi32, #tpu.memory_space<vmem>>)
        "tpu.trace_stop"() : () -> ()
      } else {
      }
      %ne3A_129 = arith.cmpi ne, %add3A_72, %add3A_82 : i32
      %or3A_130 = arith.constant false
      %or3A_131 = arith.ori %or3A_130, %ne3A_129 : i1
      %or3A_132 = arith.constant false
      %or3A_133 = arith.ori %or3A_131, %or3A_132 : i1
      %or3A_134 = arith.ori %or3A_133, %eq3A_68 : i1
      %convert_element_type3A_135 = arith.extui %or3A_134 : i1 to i32
      %cond3A_136 = arith.constant 0 : i32
      %cond3A_137 = arith.cmpi ne, %convert_element_type3A_135, %cond3A_136 : i32
      scf.if %cond3A_137 {
      } else {
      }
      %rem3A_138 = arith.constant 2 : i32
      %rem3A_139 = arith.remui %scan3A, %rem3A_138 : i32
      %rem3A_140 = arith.constant 2 : i32
      %rem3A_141 = arith.remui %scan3A_63, %rem3A_140 : i32
      %run_scoped3A_142 = arith.constant 0 : i32
      "tpu.trace_start"() <{level = 10 : i32, message = "ep_run_kernel"}> : () -> ()
      "tpu.region"() ({
        %run_scoped3A_266 = tpu.sem_alloc : memref<!tpu.dma_semaphore, #tpu.memory_space<semaphore_mem>>
        %dma_start3A_267 = arith.constant 0 : i32
        %dma_start3A_268 = arith.constant 0 : i32
        %dma_start3A_269 = tpu.memref_slice %run_scoped3A_8[%rem3A_141, %dma_start3A_267, %dma_start3A_268] : memref<2x128x256xf32, #tpu.memory_space<vmem>> -> memref<1x128x256xf32, #tpu.memory_space<vmem>>
        %dma_start3A_270 = tpu.memref_squeeze %dma_start3A_269 : memref<1x128x256xf32, #tpu.memory_space<vmem>> -> memref<128x256xf32, #tpu.memory_space<vmem>>
        %dma_start3A_271 = arith.constant 0 : i32
        %dma_start3A_272 = arith.constant 0 : i32
        %dma_start3A_273 = tpu.memref_slice %run_scoped3A[%rem3A_139, %dma_start3A_271, %dma_start3A_272] : memref<2x1x128xi32, #tpu.memory_space<vmem>> -> memref<1x1x128xi32, #tpu.memory_space<vmem>>
        %dma_start3A_274 = tpu.memref_squeeze %dma_start3A_273 : memref<1x1x128xi32, #tpu.memory_space<vmem>> -> memref<1x128xi32, #tpu.memory_space<vmem>>
        %dma_start3A_275 = arith.constant 0 : i32
        %dma_start3A_276 = tpu.memref_slice %dma_start3A_274[%run_scoped3A_142, %dma_start3A_275] : memref<1x128xi32, #tpu.memory_space<vmem>> -> memref<1x128xi32, #tpu.memory_space<vmem>>
        %dma_start3A_277 = tpu.memref_squeeze %dma_start3A_276 : memref<1x128xi32, #tpu.memory_space<vmem>> -> memref<128xi32, #tpu.memory_space<vmem>>
        %dma_start3A_278 = arith.constant 0 : i32
        %dma_start3A_279 = arith.constant 0 : i32
        %dma_start3A_280 = tpu.memref_slice %arg2[%dma_start3A_278, %dma_start3A_279] : memref<1000x256xf32, #tpu.memory_space<hbm>> -> memref<1000x256xf32, #tpu.memory_space<hbm>>
        tpu.enqueue_indirect_dma source(%dma_start3A_280 : memref<1000x256xf32, #tpu.memory_space<hbm>>) target(%dma_start3A_270 : memref<128x256xf32, #tpu.memory_space<vmem>>) offsets(%dma_start3A_277 : memref<128xi32, #tpu.memory_space<vmem>>) semaphore(%run_scoped3A_266 : memref<!tpu.dma_semaphore, #tpu.memory_space<semaphore_mem>>)
        %dma_wait3A_281 = arith.constant 0 : i32
        %dma_wait3A_282 = arith.constant 0 : i32
        %dma_wait3A_283 = tpu.memref_slice %run_scoped3A_8[%rem3A_141, %dma_wait3A_281, %dma_wait3A_282] : memref<2x128x256xf32, #tpu.memory_space<vmem>> -> memref<1x128x256xf32, #tpu.memory_space<vmem>>
        %dma_wait3A_284 = tpu.memref_squeeze %dma_wait3A_283 : memref<1x128x256xf32, #tpu.memory_space<vmem>> -> memref<128x256xf32, #tpu.memory_space<vmem>>
        %dma_wait3A_285 = arith.constant 0 : i32
        %dma_wait3A_286 = arith.constant 0 : i32
        %dma_wait3A_287 = tpu.memref_slice %run_scoped3A[%rem3A_139, %dma_wait3A_285, %dma_wait3A_286] : memref<2x1x128xi32, #tpu.memory_space<vmem>> -> memref<1x1x128xi32, #tpu.memory_space<vmem>>
        %dma_wait3A_288 = tpu.memref_squeeze %dma_wait3A_287 : memref<1x1x128xi32, #tpu.memory_space<vmem>> -> memref<1x128xi32, #tpu.memory_space<vmem>>
        %dma_wait3A_289 = arith.constant 0 : i32
        %dma_wait3A_290 = tpu.memref_slice %dma_wait3A_288[%run_scoped3A_142, %dma_wait3A_289] : memref<1x128xi32, #tpu.memory_space<vmem>> -> memref<1x128xi32, #tpu.memory_space<vmem>>
        %dma_wait3A_291 = tpu.memref_squeeze %dma_wait3A_290 : memref<1x128xi32, #tpu.memory_space<vmem>> -> memref<128xi32, #tpu.memory_space<vmem>>
        %dma_wait3A_292 = arith.constant 0 : i32
        %dma_wait3A_293 = arith.constant 0 : i32
        %dma_wait3A_294 = tpu.memref_slice %arg2[%dma_wait3A_292, %dma_wait3A_293] : memref<1000x256xf32, #tpu.memory_space<hbm>> -> memref<1000x256xf32, #tpu.memory_space<hbm>>
        tpu.wait_indirect_dma semaphore(%run_scoped3A_266 : memref<!tpu.dma_semaphore, #tpu.memory_space<semaphore_mem>>) src(%dma_wait3A_294 : memref<1000x256xf32, #tpu.memory_space<hbm>>) dst(%dma_wait3A_284 : memref<128x256xf32, #tpu.memory_space<vmem>>)
        tpu.yield
      }) : () -> ()
      "tpu.trace_stop"() : () -> ()
      %ne3A_143 = arith.cmpi ne, %add3A_72, %add3A_92 : i32
      %or3A_144 = arith.constant false
      %or3A_145 = arith.ori %or3A_144, %ne3A_143 : i1
      %or3A_146 = arith.ori %or3A_145, %eq3A_70 : i1
      %convert_element_type3A_147 = arith.extui %or3A_146 : i1 to i32
      %cond3A_148 = arith.constant 0 : i32
      %cond3A_149 = arith.cmpi ne, %convert_element_type3A_147, %cond3A_148 : i32
      scf.if %cond3A_149 {
      } else {
      }
      %and3A_150 = arith.constant false
      %and3A_151 = arith.andi %or3A_146, %and3A_150 : i1
      %ne3A_152 = arith.cmpi ne, %add3A_72, %add3A_92 : i32
      %or3A_153 = arith.constant false
      %or3A_154 = arith.ori %or3A_153, %ne3A_152 : i1
      %or3A_155 = arith.constant false
      %or3A_156 = arith.ori %or3A_154, %or3A_155 : i1
      %or3A_157 = arith.ori %or3A_156, %eq3A_70 : i1
      %convert_element_type3A_158 = arith.extui %or3A_157 : i1 to i32
      %cond3A_159 = arith.constant 0 : i32
      %cond3A_160 = arith.cmpi ne, %convert_element_type3A_158, %cond3A_159 : i32
      scf.if %cond3A_160 {
        "tpu.trace_start"() <{level = 10 : i32, message = "ep_copy_out"}> : () -> ()
        %rem3A_266 = arith.constant 2 : i32
        %rem3A_267 = arith.remui %scan3A_63, %rem3A_266 : i32
        %mul3A_268 = arith.constant 128 : i32
        %mul3A_269 = arith.muli %mul3A_268, %add3A_72 : i32
        %dma_start3A_270 = arith.constant 0 : i32
        %dma_start3A_271 = arith.constant 0 : i32
        %dma_start3A_272 = tpu.memref_slice %run_scoped3A_8[%rem3A_267, %dma_start3A_270, %dma_start3A_271] : memref<2x128x256xf32, #tpu.memory_space<vmem>> -> memref<1x128x256xf32, #tpu.memory_space<vmem>>
        %dma_start3A_273 = tpu.memref_squeeze %dma_start3A_272 : memref<1x128x256xf32, #tpu.memory_space<vmem>> -> memref<128x256xf32, #tpu.memory_space<vmem>>
        %dma_start3A_274 = arith.constant 0 : i32
        %dma_start3A_275 = tpu.memref_slice %arg4[%mul3A_269, %dma_start3A_274] : memref<4096x256xf32, #tpu.memory_space<hbm>> -> memref<128x256xf32, #tpu.memory_space<hbm>>
        %dma_start3A_276 = tpu.memref_slice %run_scoped3A_9[%rem3A_267] : memref<2x!tpu.dma_semaphore, #tpu.memory_space<semaphore_mem>> -> memref<1x!tpu.dma_semaphore, #tpu.memory_space<semaphore_mem>>
        %dma_start3A_277 = tpu.memref_squeeze %dma_start3A_276 : memref<1x!tpu.dma_semaphore, #tpu.memory_space<semaphore_mem>> -> memref<!tpu.dma_semaphore, #tpu.memory_space<semaphore_mem>>
        %dma_start3A_278 = arith.constant 0 : i32
        %dma_start3A_279 = tpu.memref_slice %arg4[%mul3A_269, %dma_start3A_278] : memref<4096x256xf32, #tpu.memory_space<hbm>> -> memref<128x256xf32, #tpu.memory_space<hbm>>
        %dma_start3A_280 = arith.constant 0 : i32
        %dma_start3A_281 = arith.constant 0 : i32
        %dma_start3A_282 = tpu.memref_slice %run_scoped3A_8[%rem3A_267, %dma_start3A_280, %dma_start3A_281] : memref<2x128x256xf32, #tpu.memory_space<vmem>> -> memref<1x128x256xf32, #tpu.memory_space<vmem>>
        %dma_start3A_283 = tpu.memref_squeeze %dma_start3A_282 : memref<1x128x256xf32, #tpu.memory_space<vmem>> -> memref<128x256xf32, #tpu.memory_space<vmem>>
        tpu.enqueue_dma source(%dma_start3A_283 : memref<128x256xf32, #tpu.memory_space<vmem>>) target(%dma_start3A_279 : memref<128x256xf32, #tpu.memory_space<hbm>>) target_semaphore(%dma_start3A_277 : memref<!tpu.dma_semaphore, #tpu.memory_space<semaphore_mem>>)
        "tpu.trace_stop"() : () -> ()
      } else {
      }
      %and3A_161 = arith.constant true
      %and3A_162 = arith.andi %or3A_157, %and3A_161 : i1
      %add3A_163 = arith.constant 1 : i32
      %add3A_164 = arith.addi %scan3A_63, %add3A_163 : i32
      %select_n3A_165 = arith.select %and3A_162, %add3A_164, %scan3A_63 : i32
      %ne3A_166 = arith.cmpi ne, %add3A_72, %add3A_82 : i32
      %or3A_167 = arith.constant false
      %or3A_168 = arith.ori %or3A_167, %ne3A_166 : i1
      %not3A_169 = arith.constant true
      %not3A_170 = arith.xori %eq3A_68, %not3A_169 : i1
      %and3A_171 = arith.andi %or3A_168, %not3A_170 : i1
      %convert_element_type3A_172 = arith.extui %and3A_171 : i1 to i32
      %cond3A_173 = arith.constant 0 : i32
      %cond3A_174 = arith.cmpi ne, %convert_element_type3A_172, %cond3A_173 : i32
      scf.if %cond3A_174 {
      } else {
      }
      %and3A_175 = arith.constant false
      %and3A_176 = arith.andi %and3A_171, %and3A_175 : i1
      %ne3A_177 = arith.cmpi ne, %add3A_72, %add3A_82 : i32
      %or3A_178 = arith.constant false
      %or3A_179 = arith.ori %or3A_178, %ne3A_177 : i1
      %or3A_180 = arith.constant false
      %or3A_181 = arith.ori %or3A_179, %or3A_180 : i1
      %not3A_182 = arith.constant true
      %not3A_183 = arith.xori %eq3A_68, %not3A_182 : i1
      %and3A_184 = arith.andi %or3A_181, %not3A_183 : i1
      %convert_element_type3A_185 = arith.extui %and3A_184 : i1 to i32
      %cond3A_186 = arith.constant 0 : i32
      %cond3A_187 = arith.cmpi ne, %convert_element_type3A_185, %cond3A_186 : i32
      scf.if %cond3A_187 {
        "tpu.trace_start"() <{level = 10 : i32, message = "ep_wait_out"}> : () -> ()
        %rem3A_266 = arith.constant 2 : i32
        %rem3A_267 = arith.remui %scan3A_64, %rem3A_266 : i32
        %mul3A_268 = arith.constant 128 : i32
        %mul3A_269 = arith.muli %mul3A_268, %add3A_82 : i32
        %dma_wait3A_270 = arith.constant 0 : i32
        %dma_wait3A_271 = arith.constant 0 : i32
        %dma_wait3A_272 = tpu.memref_slice %run_scoped3A_8[%rem3A_267, %dma_wait3A_270, %dma_wait3A_271] : memref<2x128x256xf32, #tpu.memory_space<vmem>> -> memref<1x128x256xf32, #tpu.memory_space<vmem>>
        %dma_wait3A_273 = tpu.memref_squeeze %dma_wait3A_272 : memref<1x128x256xf32, #tpu.memory_space<vmem>> -> memref<128x256xf32, #tpu.memory_space<vmem>>
        %dma_wait3A_274 = arith.constant 0 : i32
        %dma_wait3A_275 = tpu.memref_slice %arg4[%mul3A_269, %dma_wait3A_274] : memref<4096x256xf32, #tpu.memory_space<hbm>> -> memref<128x256xf32, #tpu.memory_space<hbm>>
        %dma_wait3A_276 = tpu.memref_slice %run_scoped3A_9[%rem3A_267] : memref<2x!tpu.dma_semaphore, #tpu.memory_space<semaphore_mem>> -> memref<1x!tpu.dma_semaphore, #tpu.memory_space<semaphore_mem>>
        %dma_wait3A_277 = tpu.memref_squeeze %dma_wait3A_276 : memref<1x!tpu.dma_semaphore, #tpu.memory_space<semaphore_mem>> -> memref<!tpu.dma_semaphore, #tpu.memory_space<semaphore_mem>>
        %dma_wait3A_278 = arith.constant 0 : i32
        %dma_wait3A_279 = tpu.memref_slice %arg4[%mul3A_269, %dma_wait3A_278] : memref<4096x256xf32, #tpu.memory_space<hbm>> -> memref<128x256xf32, #tpu.memory_space<hbm>>
        %dma_wait3A_280 = arith.constant 0 : i32
        %dma_wait3A_281 = arith.constant 0 : i32
        %dma_wait3A_282 = tpu.memref_slice %run_scoped3A_8[%rem3A_267, %dma_wait3A_280, %dma_wait3A_281] : memref<2x128x256xf32, #tpu.memory_space<vmem>> -> memref<1x128x256xf32, #tpu.memory_space<vmem>>
        %dma_wait3A_283 = tpu.memref_squeeze %dma_wait3A_282 : memref<1x128x256xf32, #tpu.memory_space<vmem>> -> memref<128x256xf32, #tpu.memory_space<vmem>>
        tpu.wait_dma2 semaphore(%dma_wait3A_277 : memref<!tpu.dma_semaphore, #tpu.memory_space<semaphore_mem>>) src(%dma_wait3A_283 : memref<128x256xf32, #tpu.memory_space<vmem>>) dst(%dma_wait3A_279 : memref<128x256xf32, #tpu.memory_space<hbm>>)
        "tpu.trace_stop"() : () -> ()
      } else {
      }
      %and3A_188 = arith.constant true
      %and3A_189 = arith.andi %and3A_184, %and3A_188 : i1
      %add3A_190 = arith.constant 1 : i32
      %add3A_191 = arith.addi %scan3A_64, %add3A_190 : i32
      %select_n3A_192 = arith.select %and3A_189, %add3A_191, %scan3A_64 : i32
      %ne3A_193 = arith.cmpi ne, %add3A_72, %add3A_92 : i32
      %or3A_194 = arith.constant false
      %or3A_195 = arith.ori %or3A_194, %ne3A_193 : i1
      %or3A_196 = arith.ori %or3A_195, %eq3A_70 : i1
      %add3A_197 = arith.constant 1 : i32
      %add3A_198 = arith.addi %scan3A, %add3A_197 : i32
      %select_n3A_199 = arith.select %or3A_196, %add3A_198, %scan3A : i32
      %select_n3A_200 = arith.constant true
      %select_n3A_201 = arith.constant 0 : i32
      %select_n3A_202 = arith.constant 1 : i32
      %select_n3A_203 = arith.select %select_n3A_200, %select_n3A_202, %select_n3A_201 : i32
      %eq3A_204 = arith.constant 1 : i32
      %eq3A_205 = arith.cmpi eq, %select_n3A_203, %eq3A_204 : i32
      %select_n3A_206 = arith.constant 0 : i32
      %select_n3A_207 = arith.select %eq3A_205, %select_n3A_206, %select_n3A_203 : i32
      %scan3A_208 = arith.constant 0 : i32
      %scan3A_209 = arith.constant 1 : i32
      %sub3A = arith.constant 1 : i32
      %sub3A_210 = arith.subi %scan3A_208, %sub3A : i32
      %select_n3A_211 = arith.constant true
      %select_n3A_212 = arith.select %select_n3A_211, %sub3A_210, %scan3A_208 : i32
      %eq3A_213 = arith.constant -1 : i32
      %eq3A_214 = arith.cmpi eq, %select_n3A_212, %eq3A_213 : i32
      %select_n3A_215 = arith.constant 0 : i32
      %select_n3A_216 = arith.select %eq3A_214, %select_n3A_215, %select_n3A_212 : i32
      %add3A_217 = arith.constant 0 : i32
      %add3A_218 = arith.addi %add3A_217, %mul3A_6 : i32
      %select_n3A_219 = arith.constant true
      %select_n3A_220 = arith.constant 0 : i32
      %select_n3A_221 = arith.constant -1 : i32
      %select_n3A_222 = arith.select %select_n3A_219, %select_n3A_221, %select_n3A_220 : i32
      %eq3A_223 = arith.constant -1 : i32
      %eq3A_224 = arith.cmpi eq, %select_n3A_222, %eq3A_223 : i32
      %select_n3A_225 = arith.constant 0 : i32
      %select_n3A_226 = arith.select %eq3A_224, %select_n3A_225, %select_n3A_222 : i32
      %add3A_227 = arith.constant 0 : i32
      %add3A_228 = arith.addi %add3A_227, %mul3A_6 : i32
      %select_n3A_229 = arith.constant true
      %select_n3A_230 = arith.constant 0 : i32
      %select_n3A_231 = arith.constant 1 : i32
      %select_n3A_232 = arith.select %select_n3A_229, %select_n3A_231, %select_n3A_230 : i32
      %eq3A_233 = arith.constant 1 : i32
      %eq3A_234 = arith.cmpi eq, %select_n3A_232, %eq3A_233 : i32
      %select_n3A_235 = arith.constant 0 : i32
      %select_n3A_236 = arith.select %eq3A_234, %select_n3A_235, %select_n3A_232 : i32
      %add3A_237 = arith.constant 0 : i32
      %add3A_238 = arith.addi %add3A_237, %mul3A_6 : i32
      %select_n3A_239 = arith.constant true
      %select_n3A_240 = arith.constant 0 : i32
      %select_n3A_241 = arith.constant 1 : i32
      %select_n3A_242 = arith.select %select_n3A_239, %select_n3A_241, %select_n3A_240 : i32
      %eq3A_243 = arith.constant 1 : i32
      %eq3A_244 = arith.cmpi eq, %select_n3A_242, %eq3A_243 : i32
      %select_n3A_245 = arith.constant 0 : i32
      %select_n3A_246 = arith.select %eq3A_244, %select_n3A_245, %select_n3A_242 : i32
      %add3A_247 = arith.constant 0 : i32
      %add3A_248 = arith.addi %add3A_247, %mul3A_6 : i32
      "tpu.trace_start"() <{level = 10 : i32, message = "ep_finalize"}> : () -> ()
      %rem3A_249 = arith.constant 2 : i32
      %rem3A_250 = arith.remui %select_n3A_192, %rem3A_249 : i32
      %mul3A_251 = arith.constant 128 : i32
      %mul3A_252 = arith.muli %mul3A_251, %add3A_218 : i32
      %dma_wait3A = arith.constant 0 : i32
      %dma_wait3A_253 = arith.constant 0 : i32
      %dma_wait3A_254 = tpu.memref_slice %run_scoped3A_8[%rem3A_250, %dma_wait3A, %dma_wait3A_253] : memref<2x128x256xf32, #tpu.memory_space<vmem>> -> memref<1x128x256xf32, #tpu.memory_space<vmem>>
      %dma_wait3A_255 = tpu.memref_squeeze %dma_wait3A_254 : memref<1x128x256xf32, #tpu.memory_space<vmem>> -> memref<128x256xf32, #tpu.memory_space<vmem>>
      %dma_wait3A_256 = arith.constant 0 : i32
      %dma_wait3A_257 = tpu.memref_slice %arg4[%mul3A_252, %dma_wait3A_256] : memref<4096x256xf32, #tpu.memory_space<hbm>> -> memref<128x256xf32, #tpu.memory_space<hbm>>
      %dma_wait3A_258 = tpu.memref_slice %run_scoped3A_9[%rem3A_250] : memref<2x!tpu.dma_semaphore, #tpu.memory_space<semaphore_mem>> -> memref<1x!tpu.dma_semaphore, #tpu.memory_space<semaphore_mem>>
      %dma_wait3A_259 = tpu.memref_squeeze %dma_wait3A_258 : memref<1x!tpu.dma_semaphore, #tpu.memory_space<semaphore_mem>> -> memref<!tpu.dma_semaphore, #tpu.memory_space<semaphore_mem>>
      %dma_wait3A_260 = arith.constant 0 : i32
      %dma_wait3A_261 = tpu.memref_slice %arg4[%mul3A_252, %dma_wait3A_260] : memref<4096x256xf32, #tpu.memory_space<hbm>> -> memref<128x256xf32, #tpu.memory_space<hbm>>
      %dma_wait3A_262 = arith.constant 0 : i32
      %dma_wait3A_263 = arith.constant 0 : i32
      %dma_wait3A_264 = tpu.memref_slice %run_scoped3A_8[%rem3A_250, %dma_wait3A_262, %dma_wait3A_263] : memref<2x128x256xf32, #tpu.memory_space<vmem>> -> memref<1x128x256xf32, #tpu.memory_space<vmem>>
      %dma_wait3A_265 = tpu.memref_squeeze %dma_wait3A_264 : memref<1x128x256xf32, #tpu.memory_space<vmem>> -> memref<128x256xf32, #tpu.memory_space<vmem>>
      tpu.wait_dma2 semaphore(%dma_wait3A_259 : memref<!tpu.dma_semaphore, #tpu.memory_space<semaphore_mem>>) src(%dma_wait3A_265 : memref<128x256xf32, #tpu.memory_space<vmem>>) dst(%dma_wait3A_261 : memref<128x256xf32, #tpu.memory_space<hbm>>)
      "tpu.trace_stop"() : () -> ()
      tpu.yield
    }) : () -> ()
    return
  }
}

module attributes {stable_mosaic.version = 14 : i64} {
  func.func @_head_body(%arg0: i32, %arg1: memref<512x512xbf16, #tpu.memory_space<vmem>>, %arg2: memref<256x512xbf16, #tpu.memory_space<vmem>>, %arg3: memref<256x1xf32, #tpu.memory_space<vmem>>, %arg4: memref<1000x256xbf16, #tpu.memory_space<vmem>>, %arg5: memref<1000x1xf32, #tpu.memory_space<vmem>>, %arg6: memref<1000x512xf32, #tpu.memory_space<vmem>>) attributes {dimension_semantics = [#tpu.dimension_semantics<arbitrary>], iteration_bounds = array<i64: 8>, scalar_prefetch = 0 : i64, scratch_operands = 0 : i64, tpu.core_type = #tpu.core_type<tc>, window_params = [{transform_indices = @transform_0, window_bounds = array<i64: 512, 512>}, {pipeline_mode = #tpu.pipeline_mode<synchronous>, transform_indices = @transform_1, window_bounds = array<i64: 256, 512>}, {pipeline_mode = #tpu.pipeline_mode<synchronous>, transform_indices = @transform_2, window_bounds = array<i64: 256, 1>}, {pipeline_mode = #tpu.pipeline_mode<synchronous>, transform_indices = @transform_3, window_bounds = array<i64: 1000, 256>}, {pipeline_mode = #tpu.pipeline_mode<synchronous>, transform_indices = @transform_4, window_bounds = array<i64: 1000, 1>}, {transform_indices = @transform_5, window_bounds = array<i64: 1000, 512>}]} {
    %get3A = arith.constant 0 : index
    %get3A_0 = arith.constant 0 : index
    %get3A_1 = vector.load %arg1[%get3A, %get3A_0] : memref<512x512xbf16, #tpu.memory_space<vmem>>, vector<512x512xbf16>
    %transpose3A = tpu.transpose %get3A_1, [1, 0] : vector<512x512xbf16> -> vector<512x512xbf16>
    %get3A_2 = arith.constant 0 : index
    %get3A_3 = arith.constant 0 : index
    %get3A_4 = vector.load %arg2[%get3A_2, %get3A_3] : memref<256x512xbf16, #tpu.memory_space<vmem>>, vector<256x512xbf16>
    %dot_general3A = arith.constant dense<0.000000e+00> : vector<256x512xf32>
    %dot_general3A_5 = tpu.matmul %get3A_4, %transpose3A, %dot_general3A {dimension_numbers = #tpu.dot_dimension_numbers<[1], [0], [0], [1], [0, 0, 1, 1], [], []>, transpose_lhs_hint = false} : vector<256x512xbf16>, vector<512x512xbf16>, vector<256x512xf32> -> vector<256x512xf32>
    %get3A_6 = arith.constant 0 : index
    %get3A_7 = arith.constant 0 : index
    %get3A_8 = vector.load %arg3[%get3A_6, %get3A_7] : memref<256x1xf32, #tpu.memory_space<vmem>>, vector<256x1xf32>
    %add3A = vector.broadcast %get3A_8 : vector<256x1xf32> to vector<256x512xf32>
    %add3A_9 = arith.addf %dot_general3A_5, %add3A : vector<256x512xf32>
    %get3A_10 = arith.constant 0 : index
    %get3A_11 = arith.constant 0 : index
    %get3A_12 = vector.load %arg4[%get3A_10, %get3A_11] : memref<1000x256xbf16, #tpu.memory_space<vmem>>, vector<1000x256xbf16>
    %convert_element_type3A = arith.truncf %add3A_9 : vector<256x512xf32> to vector<256x512xbf16>
    %dot_general3A_13 = arith.constant dense<0.000000e+00> : vector<1000x512xf32>
    %dot_general3A_14 = tpu.matmul %get3A_12, %convert_element_type3A, %dot_general3A_13 {dimension_numbers = #tpu.dot_dimension_numbers<[1], [0], [0], [1], [0, 0, 1, 1], [], []>, transpose_lhs_hint = false} : vector<1000x256xbf16>, vector<256x512xbf16>, vector<1000x512xf32> -> vector<1000x512xf32>
    %get3A_15 = arith.constant 0 : index
    %get3A_16 = arith.constant 0 : index
    %get3A_17 = vector.load %arg5[%get3A_15, %get3A_16] : memref<1000x1xf32, #tpu.memory_space<vmem>>, vector<1000x1xf32>
    %add3A_18 = vector.broadcast %get3A_17 : vector<1000x1xf32> to vector<1000x512xf32>
    %add3A_19 = arith.addf %dot_general3A_14, %add3A_18 : vector<1000x512xf32>
    %max3A = arith.constant 0.000000e+00 : f32
    %max3A_20 = vector.broadcast %max3A : f32 to vector<1000x512xf32>
    %max3A_21 = arith.maximumf %add3A_19, %max3A_20 : vector<1000x512xf32>
    %reduce_max3A = arith.constant dense<0xFF800000> : vector<512xf32>
    %reduce_max3A_22 = vector.multi_reduction <maximumf>, %max3A_21, %reduce_max3A [0] : vector<1000x512xf32> to vector<512xf32>
    %broadcast_in_dim3A = vector.shape_cast %reduce_max3A_22 : vector<512xf32> to vector<1x512xf32>
    %sub3A = vector.broadcast %broadcast_in_dim3A : vector<1x512xf32> to vector<1000x512xf32>
    %sub3A_23 = arith.subf %max3A_21, %sub3A : vector<1000x512xf32>
    %exp3A = math.exp %sub3A_23 : vector<1000x512xf32>
    %reduce_sum3A = arith.constant dense<0.000000e+00> : vector<512xf32>
    %reduce_sum3A_24 = vector.multi_reduction <add>, %exp3A, %reduce_sum3A [0] : vector<1000x512xf32> to vector<512xf32>
    %broadcast_in_dim3A_25 = vector.shape_cast %reduce_sum3A_24 : vector<512xf32> to vector<1x512xf32>
    %log3A = math.log %broadcast_in_dim3A_25 : vector<1x512xf32>
    %add3A_26 = arith.addf %broadcast_in_dim3A, %log3A : vector<1x512xf32>
    %sub3A_27 = vector.broadcast %add3A_26 : vector<1x512xf32> to vector<1000x512xf32>
    %sub3A_28 = arith.subf %max3A_21, %sub3A_27 : vector<1000x512xf32>
    %swap3A = arith.constant 0 : index
    %swap3A_29 = arith.constant 0 : index
    %swap3A_30 = vector.load %arg6[%swap3A, %swap3A_29] : memref<1000x512xf32, #tpu.memory_space<vmem>>, vector<1000x512xf32>
    tpu.vector_store %arg6[%swap3A, %swap3A_29], %sub3A_28 {strides = array<i32>} : memref<1000x512xf32, #tpu.memory_space<vmem>>, vector<1000x512xf32>,
    return
  }
  func.func @transform_0(%arg0: i32) -> (i32, i32) {
    %c0_i32 = arith.constant 0 : i32
    %c0_i32_0 = arith.constant 0 : i32
    return %arg0, %c0_i32 : i32, i32
  }
  func.func @transform_1(%arg0: i32) -> (i32, i32) {
    %c0_i32 = arith.constant 0 : i32
    %c0_i32_0 = arith.constant 0 : i32
    %c0_i32_1 = arith.constant 0 : i32
    return %c0_i32, %c0_i32_0 : i32, i32
  }
  func.func @transform_2(%arg0: i32) -> (i32, i32) {
    %c0_i32 = arith.constant 0 : i32
    %c0_i32_0 = arith.constant 0 : i32
    %c0_i32_1 = arith.constant 0 : i32
    return %c0_i32, %c0_i32_0 : i32, i32
  }
  func.func @transform_3(%arg0: i32) -> (i32, i32) {
    %c0_i32 = arith.constant 0 : i32
    %c0_i32_0 = arith.constant 0 : i32
    %c0_i32_1 = arith.constant 0 : i32
    return %c0_i32, %c0_i32_0 : i32, i32
  }
  func.func @transform_4(%arg0: i32) -> (i32, i32) {
    %c0_i32 = arith.constant 0 : i32
    %c0_i32_0 = arith.constant 0 : i32
    %c0_i32_1 = arith.constant 0 : i32
    return %c0_i32, %c0_i32_0 : i32, i32
  }
  func.func @transform_5(%arg0: i32) -> (i32, i32) {
    %c0_i32 = arith.constant 0 : i32
    %c0_i32_0 = arith.constant 0 : i32
    return %c0_i32, %arg0 : i32, i32
  }
}

module attributes {stable_mosaic.version = 14 : i64} {
  func.func @_lstm_body(%arg0: memref<4096x256xf32, #tpu.memory_space<vmem>>, %arg1: memref<256x2048xbf16, #tpu.memory_space<vmem>>, %arg2: memref<512x2048xbf16, #tpu.memory_space<vmem>>, %arg3: memref<1x2048xf32, #tpu.memory_space<vmem>>, %arg4: memref<512x2048xbf16, #tpu.memory_space<vmem>>, %arg5: memref<512x2048xbf16, #tpu.memory_space<vmem>>, %arg6: memref<1x2048xf32, #tpu.memory_space<vmem>>, %arg7: memref<4096x512xbf16, #tpu.memory_space<vmem>>, %arg8: memref<2x32x512xf32, #tpu.memory_space<vmem>>, %arg9: memref<2x32x512xf32, #tpu.memory_space<vmem>>, %arg10: memref<4096x2048xbf16, #tpu.memory_space<vmem>>, %arg11: memref<4096x512xbf16, #tpu.memory_space<vmem>>) attributes {dimension_semantics = [], scalar_prefetch = 0 : i64, scratch_operands = 2 : i64, tpu.core_type = #tpu.core_type<tc>} {
    %broadcast_in_dim3A = arith.constant 0.000000e+00 : f32
    %broadcast_in_dim3A_0 = vector.broadcast %broadcast_in_dim3A : f32 to vector<32x512xf32>
    %scan3A = arith.constant 0 : i32
    %mul3A = arith.constant 4096 : i32
    %mul3A_1 = arith.muli %scan3A, %mul3A : i32
    %get3A = arith.index_cast %mul3A_1 : i32 to index
    %get3A_2 = arith.constant 0 : index
    %get3A_3 = vector.load %arg0[%get3A, %get3A_2] : memref<4096x256xf32, #tpu.memory_space<vmem>>, vector<4096x256xf32>
    %get3A_4 = arith.constant 0 : index
    %get3A_5 = arith.constant 0 : index
    %get3A_6 = vector.load %arg1[%get3A_4, %get3A_5] : memref<256x2048xbf16, #tpu.memory_space<vmem>>, vector<256x2048xbf16>
    %convert_element_type3A = arith.truncf %get3A_3 : vector<4096x256xf32> to vector<4096x256xbf16>
    %dot_general3A = arith.constant dense<0.000000e+00> : vector<4096x2048xf32>
    %dot_general3A_7 = tpu.matmul %convert_element_type3A, %get3A_6, %dot_general3A {dimension_numbers = #tpu.dot_dimension_numbers<[1], [0], [0], [1], [0, 0, 1, 1], [], []>, transpose_lhs_hint = false} : vector<4096x256xbf16>, vector<256x2048xbf16>, vector<4096x2048xf32> -> vector<4096x2048xf32>
    %get3A_8 = arith.constant 0 : index
    %get3A_9 = arith.constant 0 : index
    %get3A_10 = vector.load %arg3[%get3A_8, %get3A_9] : memref<1x2048xf32, #tpu.memory_space<vmem>>, vector<1x2048xf32>
    %add3A = vector.broadcast %get3A_10 : vector<1x2048xf32> to vector<4096x2048xf32>
    %add3A_11 = arith.addf %dot_general3A_7, %add3A : vector<4096x2048xf32>
    %convert_element_type3A_12 = arith.truncf %add3A_11 : vector<4096x2048xf32> to vector<4096x2048xbf16>
    %swap3A = arith.constant 0 : index
    %swap3A_13 = arith.constant 0 : index
    %swap3A_14 = vector.load %arg10[%swap3A, %swap3A_13] : memref<4096x2048xbf16, #tpu.memory_space<vmem>>, vector<4096x2048xbf16>
    tpu.vector_store %arg10[%swap3A, %swap3A_13], %convert_element_type3A_12 {strides = array<i32>} : memref<4096x2048xbf16, #tpu.memory_space<vmem>>, vector<4096x2048xbf16>,
    %scan3A_15 = arith.constant 0 : i32
    %scan3A_16 = arith.constant 128 : i32
    %scan3A_17 = arith.addi %scan3A_15, %scan3A_16 : i32
    %scan3A_18 = arith.constant 16 : i32
    %scan3A_19:2 = scf.for %scan3A_75 = %scan3A_15 to %scan3A_17 step %scan3A_18 iter_args(%scan3A_76 = %broadcast_in_dim3A_0, %scan3A_77 = %broadcast_in_dim3A_0) -> (vector<32x512xf32>, vector<32x512xf32>)  : i32 {
      %mul3A_78 = arith.constant 32 : i32
      %mul3A_79 = arith.muli %scan3A_75, %mul3A_78 : i32
      %get3A_80 = arith.index_cast %mul3A_79 : i32 to index
      %get3A_81 = arith.constant 0 : index
      %get3A_82 = vector.load %arg10[%get3A_80, %get3A_81] : memref<4096x2048xbf16, #tpu.memory_space<vmem>>, vector<32x2048xbf16>
      %get3A_83 = arith.constant 0 : index
      %get3A_84 = arith.constant 0 : index
      %get3A_85 = vector.load %arg2[%get3A_83, %get3A_84] : memref<512x2048xbf16, #tpu.memory_space<vmem>>, vector<512x2048xbf16>
      %convert_element_type3A_86 = arith.truncf %scan3A_76 : vector<32x512xf32> to vector<32x512xbf16>
      %dot_general3A_87 = arith.constant dense<0.000000e+00> : vector<32x2048xf32>
      %dot_general3A_88 = tpu.matmul %convert_element_type3A_86, %get3A_85, %dot_general3A_87 {dimension_numbers = #tpu.dot_dimension_numbers<[1], [0], [0], [1], [0, 0, 1, 1], [], []>, transpose_lhs_hint = false} : vector<32x512xbf16>, vector<512x2048xbf16>, vector<32x2048xf32> -> vector<32x2048xf32>
      %convert_element_type3A_89 = arith.extf %get3A_82 : vector<32x2048xbf16> to vector<32x2048xf32>
      %add3A_90 = arith.addf %convert_element_type3A_89, %dot_general3A_88 : vector<32x2048xf32>
      %slice3A = vector.extract_strided_slice %add3A_90 {offsets = [0, 0], sizes = [32, 512], strides = [1, 1]} : vector<32x2048xf32> to vector<32x512xf32>
      %slice3A_91 = vector.extract_strided_slice %add3A_90 {offsets = [0, 512], sizes = [32, 512], strides = [1, 1]} : vector<32x2048xf32> to vector<32x512xf32>
      %slice3A_92 = vector.extract_strided_slice %add3A_90 {offsets = [0, 1024], sizes = [32, 512], strides = [1, 1]} : vector<32x2048xf32> to vector<32x512xf32>
      %slice3A_93 = vector.extract_strided_slice %add3A_90 {offsets = [0, 1536], sizes = [32, 512], strides = [1, 1]} : vector<32x2048xf32> to vector<32x512xf32>
      %mul3A_94 = arith.constant 5.000000e-01 : f32
      %mul3A_95 = vector.broadcast %mul3A_94 : f32 to vector<32x512xf32>
      %mul3A_96 = arith.mulf %mul3A_95, %slice3A_91 : vector<32x512xf32>
      %tanh3A = math.tanh %mul3A_96 : vector<32x512xf32>
      %mul3A_97 = arith.constant 5.000000e-01 : f32
      %mul3A_98 = vector.broadcast %mul3A_97 : f32 to vector<32x512xf32>
      %mul3A_99 = arith.mulf %mul3A_98, %tanh3A : vector<32x512xf32>
      %add3A_100 = arith.constant 5.000000e-01 : f32
      %add3A_101 = vector.broadcast %add3A_100 : f32 to vector<32x512xf32>
      %add3A_102 = arith.addf %mul3A_99, %add3A_101 : vector<32x512xf32>
      %mul3A_103 = arith.mulf %add3A_102, %scan3A_77 : vector<32x512xf32>
      %mul3A_104 = arith.constant 5.000000e-01 : f32
      %mul3A_105 = vector.broadcast %mul3A_104 : f32 to vector<32x512xf32>
      %mul3A_106 = arith.mulf %mul3A_105, %slice3A : vector<32x512xf32>
      %tanh3A_107 = math.tanh %mul3A_106 : vector<32x512xf32>
      %mul3A_108 = arith.constant 5.000000e-01 : f32
      %mul3A_109 = vector.broadcast %mul3A_108 : f32 to vector<32x512xf32>
      %mul3A_110 = arith.mulf %mul3A_109, %tanh3A_107 : vector<32x512xf32>
      %add3A_111 = arith.constant 5.000000e-01 : f32
      %add3A_112 = vector.broadcast %add3A_111 : f32 to vector<32x512xf32>
      %add3A_113 = arith.addf %mul3A_110, %add3A_112 : vector<32x512xf32>
      %tanh3A_114 = math.tanh %slice3A_92 : vector<32x512xf32>
      %mul3A_115 = arith.mulf %add3A_113, %tanh3A_114 : vector<32x512xf32>
      %add3A_116 = arith.addf %mul3A_103, %mul3A_115 : vector<32x512xf32>
      %mul3A_117 = arith.constant 5.000000e-01 : f32
      %mul3A_118 = vector.broadcast %mul3A_117 : f32 to vector<32x512xf32>
      %mul3A_119 = arith.mulf %mul3A_118, %slice3A_93 : vector<32x512xf32>
      %tanh3A_120 = math.tanh %mul3A_119 : vector<32x512xf32>
      %mul3A_121 = arith.constant 5.000000e-01 : f32
      %mul3A_122 = vector.broadcast %mul3A_121 : f32 to vector<32x512xf32>
      %mul3A_123 = arith.mulf %mul3A_122, %tanh3A_120 : vector<32x512xf32>
      %add3A_124 = arith.constant 5.000000e-01 : f32
      %add3A_125 = vector.broadcast %add3A_124 : f32 to vector<32x512xf32>
      %add3A_126 = arith.addf %mul3A_123, %add3A_125 : vector<32x512xf32>
      %tanh3A_127 = math.tanh %add3A_116 : vector<32x512xf32>
      %mul3A_128 = arith.mulf %add3A_126, %tanh3A_127 : vector<32x512xf32>
      %convert_element_type3A_129 = arith.truncf %mul3A_128 : vector<32x512xf32> to vector<32x512xbf16>
      %mul3A_130 = arith.constant 32 : i32
      %mul3A_131 = arith.muli %scan3A_75, %mul3A_130 : i32
      %add3A_132 = arith.addi %mul3A_1, %mul3A_131 : i32
      %swap3A_133 = arith.index_cast %add3A_132 : i32 to index
      %swap3A_134 = arith.constant 0 : index
      %swap3A_135 = vector.load %arg11[%swap3A_133, %swap3A_134] : memref<4096x512xbf16, #tpu.memory_space<vmem>>, vector<32x512xbf16>
      tpu.vector_store %arg11[%swap3A_133, %swap3A_134], %convert_element_type3A_129 {strides = array<i32>} : memref<4096x512xbf16, #tpu.memory_space<vmem>>, vector<32x512xbf16>,
      %scan3A_136 = arith.constant 1 : i32
      %scan3A_137 = arith.addi %scan3A_75, %scan3A_136 : i32
      %mul3A_138 = arith.constant 32 : i32
      %mul3A_139 = arith.muli %scan3A_137, %mul3A_138 : i32
      %get3A_140 = arith.index_cast %mul3A_139 : i32 to index
      %get3A_141 = arith.constant 0 : index
      %get3A_142 = vector.load %arg10[%get3A_140, %get3A_141] : memref<4096x2048xbf16, #tpu.memory_space<vmem>>, vector<32x2048xbf16>
      %get3A_143 = arith.constant 0 : index
      %get3A_144 = arith.constant 0 : index
      %get3A_145 = vector.load %arg2[%get3A_143, %get3A_144] : memref<512x2048xbf16, #tpu.memory_space<vmem>>, vector<512x2048xbf16>
      %convert_element_type3A_146 = arith.truncf %mul3A_128 : vector<32x512xf32> to vector<32x512xbf16>
      %dot_general3A_147 = arith.constant dense<0.000000e+00> : vector<32x2048xf32>
      %dot_general3A_148 = tpu.matmul %convert_element_type3A_146, %get3A_145, %dot_general3A_147 {dimension_numbers = #tpu.dot_dimension_numbers<[1], [0], [0], [1], [0, 0, 1, 1], [], []>, transpose_lhs_hint = false} : vector<32x512xbf16>, vector<512x2048xbf16>, vector<32x2048xf32> -> vector<32x2048xf32>
      %convert_element_type3A_149 = arith.extf %get3A_142 : vector<32x2048xbf16> to vector<32x2048xf32>
      %add3A_150 = arith.addf %convert_element_type3A_149, %dot_general3A_148 : vector<32x2048xf32>
      %slice3A_151 = vector.extract_strided_slice %add3A_150 {offsets = [0, 0], sizes = [32, 512], strides = [1, 1]} : vector<32x2048xf32> to vector<32x512xf32>
      %slice3A_152 = vector.extract_strided_slice %add3A_150 {offsets = [0, 512], sizes = [32, 512], strides = [1, 1]} : vector<32x2048xf32> to vector<32x512xf32>
      %slice3A_153 = vector.extract_strided_slice %add3A_150 {offsets = [0, 1024], sizes = [32, 512], strides = [1, 1]} : vector<32x2048xf32> to vector<32x512xf32>
      %slice3A_154 = vector.extract_strided_slice %add3A_150 {offsets = [0, 1536], sizes = [32, 512], strides = [1, 1]} : vector<32x2048xf32> to vector<32x512xf32>
      %mul3A_155 = arith.constant 5.000000e-01 : f32
      %mul3A_156 = vector.broadcast %mul3A_155 : f32 to vector<32x512xf32>
      %mul3A_157 = arith.mulf %mul3A_156, %slice3A_152 : vector<32x512xf32>
      %tanh3A_158 = math.tanh %mul3A_157 : vector<32x512xf32>
      %mul3A_159 = arith.constant 5.000000e-01 : f32
      %mul3A_160 = vector.broadcast %mul3A_159 : f32 to vector<32x512xf32>
      %mul3A_161 = arith.mulf %mul3A_160, %tanh3A_158 : vector<32x512xf32>
      %add3A_162 = arith.constant 5.000000e-01 : f32
      %add3A_163 = vector.broadcast %add3A_162 : f32 to vector<32x512xf32>
      %add3A_164 = arith.addf %mul3A_161, %add3A_163 : vector<32x512xf32>
      %mul3A_165 = arith.mulf %add3A_164, %add3A_116 : vector<32x512xf32>
      %mul3A_166 = arith.constant 5.000000e-01 : f32
      %mul3A_167 = vector.broadcast %mul3A_166 : f32 to vector<32x512xf32>
      %mul3A_168 = arith.mulf %mul3A_167, %slice3A_151 : vector<32x512xf32>
      %tanh3A_169 = math.tanh %mul3A_168 : vector<32x512xf32>
      %mul3A_170 = arith.constant 5.000000e-01 : f32
      %mul3A_171 = vector.broadcast %mul3A_170 : f32 to vector<32x512xf32>
      %mul3A_172 = arith.mulf %mul3A_171, %tanh3A_169 : vector<32x512xf32>
      %add3A_173 = arith.constant 5.000000e-01 : f32
      %add3A_174 = vector.broadcast %add3A_173 : f32 to vector<32x512xf32>
      %add3A_175 = arith.addf %mul3A_172, %add3A_174 : vector<32x512xf32>
      %tanh3A_176 = math.tanh %slice3A_153 : vector<32x512xf32>
      %mul3A_177 = arith.mulf %add3A_175, %tanh3A_176 : vector<32x512xf32>
      %add3A_178 = arith.addf %mul3A_165, %mul3A_177 : vector<32x512xf32>
      %mul3A_179 = arith.constant 5.000000e-01 : f32
      %mul3A_180 = vector.broadcast %mul3A_179 : f32 to vector<32x512xf32>
      %mul3A_181 = arith.mulf %mul3A_180, %slice3A_154 : vector<32x512xf32>
      %tanh3A_182 = math.tanh %mul3A_181 : vector<32x512xf32>
      %mul3A_183 = arith.constant 5.000000e-01 : f32
      %mul3A_184 = vector.broadcast %mul3A_183 : f32 to vector<32x512xf32>
      %mul3A_185 = arith.mulf %mul3A_184, %tanh3A_182 : vector<32x512xf32>
      %add3A_186 = arith.constant 5.000000e-01 : f32
      %add3A_187 = vector.broadcast %add3A_186 : f32 to vector<32x512xf32>
      %add3A_188 = arith.addf %mul3A_185, %add3A_187 : vector<32x512xf32>
      %tanh3A_189 = math.tanh %add3A_178 : vector<32x512xf32>
      %mul3A_190 = arith.mulf %add3A_188, %tanh3A_189 : vector<32x512xf32>
      %convert_element_type3A_191 = arith.truncf %mul3A_190 : vector<32x512xf32> to vector<32x512xbf16>
      %mul3A_192 = arith.constant 32 : i32
      %mul3A_193 = arith.muli %scan3A_137, %mul3A_192 : i32
      %add3A_194 = arith.addi %mul3A_1, %mul3A_193 : i32
      %swap3A_195 = arith.index_cast %add3A_194 : i32 to index
      %swap3A_196 = arith.constant 0 : index
      %swap3A_197 = vector.load %arg11[%swap3A_195, %swap3A_196] : memref<4096x512xbf16, #tpu.memory_space<vmem>>, vector<32x512xbf16>
      tpu.vector_store %arg11[%swap3A_195, %swap3A_196], %convert_element_type3A_191 {strides = array<i32>} : memref<4096x512xbf16, #tpu.memory_space<vmem>>, vector<32x512xbf16>,
      %scan3A_198 = arith.constant 2 : i32
      %scan3A_199 = arith.addi %scan3A_75, %scan3A_198 : i32
      %mul3A_200 = arith.constant 32 : i32
      %mul3A_201 = arith.muli %scan3A_199, %mul3A_200 : i32
      %get3A_202 = arith.index_cast %mul3A_201 : i32 to index
      %get3A_203 = arith.constant 0 : index
      %get3A_204 = vector.load %arg10[%get3A_202, %get3A_203] : memref<4096x2048xbf16, #tpu.memory_space<vmem>>, vector<32x2048xbf16>
      %get3A_205 = arith.constant 0 : index
      %get3A_206 = arith.constant 0 : index
      %get3A_207 = vector.load %arg2[%get3A_205, %get3A_206] : memref<512x2048xbf16, #tpu.memory_space<vmem>>, vector<512x2048xbf16>
      %convert_element_type3A_208 = arith.truncf %mul3A_190 : vector<32x512xf32> to vector<32x512xbf16>
      %dot_general3A_209 = arith.constant dense<0.000000e+00> : vector<32x2048xf32>
      %dot_general3A_210 = tpu.matmul %convert_element_type3A_208, %get3A_207, %dot_general3A_209 {dimension_numbers = #tpu.dot_dimension_numbers<[1], [0], [0], [1], [0, 0, 1, 1], [], []>, transpose_lhs_hint = false} : vector<32x512xbf16>, vector<512x2048xbf16>, vector<32x2048xf32> -> vector<32x2048xf32>
      %convert_element_type3A_211 = arith.extf %get3A_204 : vector<32x2048xbf16> to vector<32x2048xf32>
      %add3A_212 = arith.addf %convert_element_type3A_211, %dot_general3A_210 : vector<32x2048xf32>
      %slice3A_213 = vector.extract_strided_slice %add3A_212 {offsets = [0, 0], sizes = [32, 512], strides = [1, 1]} : vector<32x2048xf32> to vector<32x512xf32>
      %slice3A_214 = vector.extract_strided_slice %add3A_212 {offsets = [0, 512], sizes = [32, 512], strides = [1, 1]} : vector<32x2048xf32> to vector<32x512xf32>
      %slice3A_215 = vector.extract_strided_slice %add3A_212 {offsets = [0, 1024], sizes = [32, 512], strides = [1, 1]} : vector<32x2048xf32> to vector<32x512xf32>
      %slice3A_216 = vector.extract_strided_slice %add3A_212 {offsets = [0, 1536], sizes = [32, 512], strides = [1, 1]} : vector<32x2048xf32> to vector<32x512xf32>
      %mul3A_217 = arith.constant 5.000000e-01 : f32
      %mul3A_218 = vector.broadcast %mul3A_217 : f32 to vector<32x512xf32>
      %mul3A_219 = arith.mulf %mul3A_218, %slice3A_214 : vector<32x512xf32>
      %tanh3A_220 = math.tanh %mul3A_219 : vector<32x512xf32>
      %mul3A_221 = arith.constant 5.000000e-01 : f32
      %mul3A_222 = vector.broadcast %mul3A_221 : f32 to vector<32x512xf32>
      %mul3A_223 = arith.mulf %mul3A_222, %tanh3A_220 : vector<32x512xf32>
      %add3A_224 = arith.constant 5.000000e-01 : f32
      %add3A_225 = vector.broadcast %add3A_224 : f32 to vector<32x512xf32>
      %add3A_226 = arith.addf %mul3A_223, %add3A_225 : vector<32x512xf32>
      %mul3A_227 = arith.mulf %add3A_226, %add3A_178 : vector<32x512xf32>
      %mul3A_228 = arith.constant 5.000000e-01 : f32
      %mul3A_229 = vector.broadcast %mul3A_228 : f32 to vector<32x512xf32>
      %mul3A_230 = arith.mulf %mul3A_229, %slice3A_213 : vector<32x512xf32>
      %tanh3A_231 = math.tanh %mul3A_230 : vector<32x512xf32>
      %mul3A_232 = arith.constant 5.000000e-01 : f32
      %mul3A_233 = vector.broadcast %mul3A_232 : f32 to vector<32x512xf32>
      %mul3A_234 = arith.mulf %mul3A_233, %tanh3A_231 : vector<32x512xf32>
      %add3A_235 = arith.constant 5.000000e-01 : f32
      %add3A_236 = vector.broadcast %add3A_235 : f32 to vector<32x512xf32>
      %add3A_237 = arith.addf %mul3A_234, %add3A_236 : vector<32x512xf32>
      %tanh3A_238 = math.tanh %slice3A_215 : vector<32x512xf32>
      %mul3A_239 = arith.mulf %add3A_237, %tanh3A_238 : vector<32x512xf32>
      %add3A_240 = arith.addf %mul3A_227, %mul3A_239 : vector<32x512xf32>
      %mul3A_241 = arith.constant 5.000000e-01 : f32
      %mul3A_242 = vector.broadcast %mul3A_241 : f32 to vector<32x512xf32>
      %mul3A_243 = arith.mulf %mul3A_242, %slice3A_216 : vector<32x512xf32>
      %tanh3A_244 = math.tanh %mul3A_243 : vector<32x512xf32>
      %mul3A_245 = arith.constant 5.000000e-01 : f32
      %mul3A_246 = vector.broadcast %mul3A_245 : f32 to vector<32x512xf32>
      %mul3A_247 = arith.mulf %mul3A_246, %tanh3A_244 : vector<32x512xf32>
      %add3A_248 = arith.constant 5.000000e-01 : f32
      %add3A_249 = vector.broadcast %add3A_248 : f32 to vector<32x512xf32>
      %add3A_250 = arith.addf %mul3A_247, %add3A_249 : vector<32x512xf32>
      %tanh3A_251 = math.tanh %add3A_240 : vector<32x512xf32>
      %mul3A_252 = arith.mulf %add3A_250, %tanh3A_251 : vector<32x512xf32>
      %convert_element_type3A_253 = arith.truncf %mul3A_252 : vector<32x512xf32> to vector<32x512xbf16>
      %mul3A_254 = arith.constant 32 : i32
      %mul3A_255 = arith.muli %scan3A_199, %mul3A_254 : i32
      %add3A_256 = arith.addi %mul3A_1, %mul3A_255 : i32
      %swap3A_257 = arith.index_cast %add3A_256 : i32 to index
      %swap3A_258 = arith.constant 0 : index
      %swap3A_259 = vector.load %arg11[%swap3A_257, %swap3A_258] : memref<4096x512xbf16, #tpu.memory_space<vmem>>, vector<32x512xbf16>
      tpu.vector_store %arg11[%swap3A_257, %swap3A_258], %convert_element_type3A_253 {strides = array<i32>} : memref<4096x512xbf16, #tpu.memory_space<vmem>>, vector<32x512xbf16>,
      %scan3A_260 = arith.constant 3 : i32
      %scan3A_261 = arith.addi %scan3A_75, %scan3A_260 : i32
      %mul3A_262 = arith.constant 32 : i32
      %mul3A_263 = arith.muli %scan3A_261, %mul3A_262 : i32
      %get3A_264 = arith.index_cast %mul3A_263 : i32 to index
      %get3A_265 = arith.constant 0 : index
      %get3A_266 = vector.load %arg10[%get3A_264, %get3A_265] : memref<4096x2048xbf16, #tpu.memory_space<vmem>>, vector<32x2048xbf16>
      %get3A_267 = arith.constant 0 : index
      %get3A_268 = arith.constant 0 : index
      %get3A_269 = vector.load %arg2[%get3A_267, %get3A_268] : memref<512x2048xbf16, #tpu.memory_space<vmem>>, vector<512x2048xbf16>
      %convert_element_type3A_270 = arith.truncf %mul3A_252 : vector<32x512xf32> to vector<32x512xbf16>
      %dot_general3A_271 = arith.constant dense<0.000000e+00> : vector<32x2048xf32>
      %dot_general3A_272 = tpu.matmul %convert_element_type3A_270, %get3A_269, %dot_general3A_271 {dimension_numbers = #tpu.dot_dimension_numbers<[1], [0], [0], [1], [0, 0, 1, 1], [], []>, transpose_lhs_hint = false} : vector<32x512xbf16>, vector<512x2048xbf16>, vector<32x2048xf32> -> vector<32x2048xf32>
      %convert_element_type3A_273 = arith.extf %get3A_266 : vector<32x2048xbf16> to vector<32x2048xf32>
      %add3A_274 = arith.addf %convert_element_type3A_273, %dot_general3A_272 : vector<32x2048xf32>
      %slice3A_275 = vector.extract_strided_slice %add3A_274 {offsets = [0, 0], sizes = [32, 512], strides = [1, 1]} : vector<32x2048xf32> to vector<32x512xf32>
      %slice3A_276 = vector.extract_strided_slice %add3A_274 {offsets = [0, 512], sizes = [32, 512], strides = [1, 1]} : vector<32x2048xf32> to vector<32x512xf32>
      %slice3A_277 = vector.extract_strided_slice %add3A_274 {offsets = [0, 1024], sizes = [32, 512], strides = [1, 1]} : vector<32x2048xf32> to vector<32x512xf32>
      %slice3A_278 = vector.extract_strided_slice %add3A_274 {offsets = [0, 1536], sizes = [32, 512], strides = [1, 1]} : vector<32x2048xf32> to vector<32x512xf32>
      %mul3A_279 = arith.constant 5.000000e-01 : f32
      %mul3A_280 = vector.broadcast %mul3A_279 : f32 to vector<32x512xf32>
      %mul3A_281 = arith.mulf %mul3A_280, %slice3A_276 : vector<32x512xf32>
      %tanh3A_282 = math.tanh %mul3A_281 : vector<32x512xf32>
      %mul3A_283 = arith.constant 5.000000e-01 : f32
      %mul3A_284 = vector.broadcast %mul3A_283 : f32 to vector<32x512xf32>
      %mul3A_285 = arith.mulf %mul3A_284, %tanh3A_282 : vector<32x512xf32>
      %add3A_286 = arith.constant 5.000000e-01 : f32
      %add3A_287 = vector.broadcast %add3A_286 : f32 to vector<32x512xf32>
      %add3A_288 = arith.addf %mul3A_285, %add3A_287 : vector<32x512xf32>
      %mul3A_289 = arith.mulf %add3A_288, %add3A_240 : vector<32x512xf32>
      %mul3A_290 = arith.constant 5.000000e-01 : f32
      %mul3A_291 = vector.broadcast %mul3A_290 : f32 to vector<32x512xf32>
      %mul3A_292 = arith.mulf %mul3A_291, %slice3A_275 : vector<32x512xf32>
      %tanh3A_293 = math.tanh %mul3A_292 : vector<32x512xf32>
      %mul3A_294 = arith.constant 5.000000e-01 : f32
      %mul3A_295 = vector.broadcast %mul3A_294 : f32 to vector<32x512xf32>
      %mul3A_296 = arith.mulf %mul3A_295, %tanh3A_293 : vector<32x512xf32>
      %add3A_297 = arith.constant 5.000000e-01 : f32
      %add3A_298 = vector.broadcast %add3A_297 : f32 to vector<32x512xf32>
      %add3A_299 = arith.addf %mul3A_296, %add3A_298 : vector<32x512xf32>
      %tanh3A_300 = math.tanh %slice3A_277 : vector<32x512xf32>
      %mul3A_301 = arith.mulf %add3A_299, %tanh3A_300 : vector<32x512xf32>
      %add3A_302 = arith.addf %mul3A_289, %mul3A_301 : vector<32x512xf32>
      %mul3A_303 = arith.constant 5.000000e-01 : f32
      %mul3A_304 = vector.broadcast %mul3A_303 : f32 to vector<32x512xf32>
      %mul3A_305 = arith.mulf %mul3A_304, %slice3A_278 : vector<32x512xf32>
      %tanh3A_306 = math.tanh %mul3A_305 : vector<32x512xf32>
      %mul3A_307 = arith.constant 5.000000e-01 : f32
      %mul3A_308 = vector.broadcast %mul3A_307 : f32 to vector<32x512xf32>
      %mul3A_309 = arith.mulf %mul3A_308, %tanh3A_306 : vector<32x512xf32>
      %add3A_310 = arith.constant 5.000000e-01 : f32
      %add3A_311 = vector.broadcast %add3A_310 : f32 to vector<32x512xf32>
      %add3A_312 = arith.addf %mul3A_309, %add3A_311 : vector<32x512xf32>
      %tanh3A_313 = math.tanh %add3A_302 : vector<32x512xf32>
      %mul3A_314 = arith.mulf %add3A_312, %tanh3A_313 : vector<32x512xf32>
      %convert_element_type3A_315 = arith.truncf %mul3A_314 : vector<32x512xf32> to vector<32x512xbf16>
      %mul3A_316 = arith.constant 32 : i32
      %mul3A_317 = arith.muli %scan3A_261, %mul3A_316 : i32
      %add3A_318 = arith.addi %mul3A_1, %mul3A_317 : i32
      %swap3A_319 = arith.index_cast %add3A_318 : i32 to index
      %swap3A_320 = arith.constant 0 : index
      %swap3A_321 = vector.load %arg11[%swap3A_319, %swap3A_320] : memref<4096x512xbf16, #tpu.memory_space<vmem>>, vector<32x512xbf16>
      tpu.vector_store %arg11[%swap3A_319, %swap3A_320], %convert_element_type3A_315 {strides = array<i32>} : memref<4096x512xbf16, #tpu.memory_space<vmem>>, vector<32x512xbf16>,
      %scan3A_322 = arith.constant 4 : i32
      %scan3A_323 = arith.addi %scan3A_75, %scan3A_322 : i32
      %mul3A_324 = arith.constant 32 : i32
      %mul3A_325 = arith.muli %scan3A_323, %mul3A_324 : i32
      %get3A_326 = arith.index_cast %mul3A_325 : i32 to index
      %get3A_327 = arith.constant 0 : index
      %get3A_328 = vector.load %arg10[%get3A_326, %get3A_327] : memref<4096x2048xbf16, #tpu.memory_space<vmem>>, vector<32x2048xbf16>
      %get3A_329 = arith.constant 0 : index
      %get3A_330 = arith.constant 0 : index
      %get3A_331 = vector.load %arg2[%get3A_329, %get3A_330] : memref<512x2048xbf16, #tpu.memory_space<vmem>>, vector<512x2048xbf16>
      %convert_element_type3A_332 = arith.truncf %mul3A_314 : vector<32x512xf32> to vector<32x512xbf16>
      %dot_general3A_333 = arith.constant dense<0.000000e+00> : vector<32x2048xf32>
      %dot_general3A_334 = tpu.matmul %convert_element_type3A_332, %get3A_331, %dot_general3A_333 {dimension_numbers = #tpu.dot_dimension_numbers<[1], [0], [0], [1], [0, 0, 1, 1], [], []>, transpose_lhs_hint = false} : vector<32x512xbf16>, vector<512x2048xbf16>, vector<32x2048xf32> -> vector<32x2048xf32>
      %convert_element_type3A_335 = arith.extf %get3A_328 : vector<32x2048xbf16> to vector<32x2048xf32>
      %add3A_336 = arith.addf %convert_element_type3A_335, %dot_general3A_334 : vector<32x2048xf32>
      %slice3A_337 = vector.extract_strided_slice %add3A_336 {offsets = [0, 0], sizes = [32, 512], strides = [1, 1]} : vector<32x2048xf32> to vector<32x512xf32>
      %slice3A_338 = vector.extract_strided_slice %add3A_336 {offsets = [0, 512], sizes = [32, 512], strides = [1, 1]} : vector<32x2048xf32> to vector<32x512xf32>
      %slice3A_339 = vector.extract_strided_slice %add3A_336 {offsets = [0, 1024], sizes = [32, 512], strides = [1, 1]} : vector<32x2048xf32> to vector<32x512xf32>
      %slice3A_340 = vector.extract_strided_slice %add3A_336 {offsets = [0, 1536], sizes = [32, 512], strides = [1, 1]} : vector<32x2048xf32> to vector<32x512xf32>
      %mul3A_341 = arith.constant 5.000000e-01 : f32
      %mul3A_342 = vector.broadcast %mul3A_341 : f32 to vector<32x512xf32>
      %mul3A_343 = arith.mulf %mul3A_342, %slice3A_338 : vector<32x512xf32>
      %tanh3A_344 = math.tanh %mul3A_343 : vector<32x512xf32>
      %mul3A_345 = arith.constant 5.000000e-01 : f32
      %mul3A_346 = vector.broadcast %mul3A_345 : f32 to vector<32x512xf32>
      %mul3A_347 = arith.mulf %mul3A_346, %tanh3A_344 : vector<32x512xf32>
      %add3A_348 = arith.constant 5.000000e-01 : f32
      %add3A_349 = vector.broadcast %add3A_348 : f32 to vector<32x512xf32>
      %add3A_350 = arith.addf %mul3A_347, %add3A_349 : vector<32x512xf32>
      %mul3A_351 = arith.mulf %add3A_350, %add3A_302 : vector<32x512xf32>
      %mul3A_352 = arith.constant 5.000000e-01 : f32
      %mul3A_353 = vector.broadcast %mul3A_352 : f32 to vector<32x512xf32>
      %mul3A_354 = arith.mulf %mul3A_353, %slice3A_337 : vector<32x512xf32>
      %tanh3A_355 = math.tanh %mul3A_354 : vector<32x512xf32>
      %mul3A_356 = arith.constant 5.000000e-01 : f32
      %mul3A_357 = vector.broadcast %mul3A_356 : f32 to vector<32x512xf32>
      %mul3A_358 = arith.mulf %mul3A_357, %tanh3A_355 : vector<32x512xf32>
      %add3A_359 = arith.constant 5.000000e-01 : f32
      %add3A_360 = vector.broadcast %add3A_359 : f32 to vector<32x512xf32>
      %add3A_361 = arith.addf %mul3A_358, %add3A_360 : vector<32x512xf32>
      %tanh3A_362 = math.tanh %slice3A_339 : vector<32x512xf32>
      %mul3A_363 = arith.mulf %add3A_361, %tanh3A_362 : vector<32x512xf32>
      %add3A_364 = arith.addf %mul3A_351, %mul3A_363 : vector<32x512xf32>
      %mul3A_365 = arith.constant 5.000000e-01 : f32
      %mul3A_366 = vector.broadcast %mul3A_365 : f32 to vector<32x512xf32>
      %mul3A_367 = arith.mulf %mul3A_366, %slice3A_340 : vector<32x512xf32>
      %tanh3A_368 = math.tanh %mul3A_367 : vector<32x512xf32>
      %mul3A_369 = arith.constant 5.000000e-01 : f32
      %mul3A_370 = vector.broadcast %mul3A_369 : f32 to vector<32x512xf32>
      %mul3A_371 = arith.mulf %mul3A_370, %tanh3A_368 : vector<32x512xf32>
      %add3A_372 = arith.constant 5.000000e-01 : f32
      %add3A_373 = vector.broadcast %add3A_372 : f32 to vector<32x512xf32>
      %add3A_374 = arith.addf %mul3A_371, %add3A_373 : vector<32x512xf32>
      %tanh3A_375 = math.tanh %add3A_364 : vector<32x512xf32>
      %mul3A_376 = arith.mulf %add3A_374, %tanh3A_375 : vector<32x512xf32>
      %convert_element_type3A_377 = arith.truncf %mul3A_376 : vector<32x512xf32> to vector<32x512xbf16>
      %mul3A_378 = arith.constant 32 : i32
      %mul3A_379 = arith.muli %scan3A_323, %mul3A_378 : i32
      %add3A_380 = arith.addi %mul3A_1, %mul3A_379 : i32
      %swap3A_381 = arith.index_cast %add3A_380 : i32 to index
      %swap3A_382 = arith.constant 0 : index
      %swap3A_383 = vector.load %arg11[%swap3A_381, %swap3A_382] : memref<4096x512xbf16, #tpu.memory_space<vmem>>, vector<32x512xbf16>
      tpu.vector_store %arg11[%swap3A_381, %swap3A_382], %convert_element_type3A_377 {strides = array<i32>} : memref<4096x512xbf16, #tpu.memory_space<vmem>>, vector<32x512xbf16>,
      %scan3A_384 = arith.constant 5 : i32
      %scan3A_385 = arith.addi %scan3A_75, %scan3A_384 : i32
      %mul3A_386 = arith.constant 32 : i32
      %mul3A_387 = arith.muli %scan3A_385, %mul3A_386 : i32
      %get3A_388 = arith.index_cast %mul3A_387 : i32 to index
      %get3A_389 = arith.constant 0 : index
      %get3A_390 = vector.load %arg10[%get3A_388, %get3A_389] : memref<4096x2048xbf16, #tpu.memory_space<vmem>>, vector<32x2048xbf16>
      %get3A_391 = arith.constant 0 : index
      %get3A_392 = arith.constant 0 : index
      %get3A_393 = vector.load %arg2[%get3A_391, %get3A_392] : memref<512x2048xbf16, #tpu.memory_space<vmem>>, vector<512x2048xbf16>
      %convert_element_type3A_394 = arith.truncf %mul3A_376 : vector<32x512xf32> to vector<32x512xbf16>
      %dot_general3A_395 = arith.constant dense<0.000000e+00> : vector<32x2048xf32>
      %dot_general3A_396 = tpu.matmul %convert_element_type3A_394, %get3A_393, %dot_general3A_395 {dimension_numbers = #tpu.dot_dimension_numbers<[1], [0], [0], [1], [0, 0, 1, 1], [], []>, transpose_lhs_hint = false} : vector<32x512xbf16>, vector<512x2048xbf16>, vector<32x2048xf32> -> vector<32x2048xf32>
      %convert_element_type3A_397 = arith.extf %get3A_390 : vector<32x2048xbf16> to vector<32x2048xf32>
      %add3A_398 = arith.addf %convert_element_type3A_397, %dot_general3A_396 : vector<32x2048xf32>
      %slice3A_399 = vector.extract_strided_slice %add3A_398 {offsets = [0, 0], sizes = [32, 512], strides = [1, 1]} : vector<32x2048xf32> to vector<32x512xf32>
      %slice3A_400 = vector.extract_strided_slice %add3A_398 {offsets = [0, 512], sizes = [32, 512], strides = [1, 1]} : vector<32x2048xf32> to vector<32x512xf32>
      %slice3A_401 = vector.extract_strided_slice %add3A_398 {offsets = [0, 1024], sizes = [32, 512], strides = [1, 1]} : vector<32x2048xf32> to vector<32x512xf32>
      %slice3A_402 = vector.extract_strided_slice %add3A_398 {offsets = [0, 1536], sizes = [32, 512], strides = [1, 1]} : vector<32x2048xf32> to vector<32x512xf32>
      %mul3A_403 = arith.constant 5.000000e-01 : f32
      %mul3A_404 = vector.broadcast %mul3A_403 : f32 to vector<32x512xf32>
      %mul3A_405 = arith.mulf %mul3A_404, %slice3A_400 : vector<32x512xf32>
      %tanh3A_406 = math.tanh %mul3A_405 : vector<32x512xf32>
      %mul3A_407 = arith.constant 5.000000e-01 : f32
      %mul3A_408 = vector.broadcast %mul3A_407 : f32 to vector<32x512xf32>
      %mul3A_409 = arith.mulf %mul3A_408, %tanh3A_406 : vector<32x512xf32>
      %add3A_410 = arith.constant 5.000000e-01 : f32
      %add3A_411 = vector.broadcast %add3A_410 : f32 to vector<32x512xf32>
      %add3A_412 = arith.addf %mul3A_409, %add3A_411 : vector<32x512xf32>
      %mul3A_413 = arith.mulf %add3A_412, %add3A_364 : vector<32x512xf32>
      %mul3A_414 = arith.constant 5.000000e-01 : f32
      %mul3A_415 = vector.broadcast %mul3A_414 : f32 to vector<32x512xf32>
      %mul3A_416 = arith.mulf %mul3A_415, %slice3A_399 : vector<32x512xf32>
      %tanh3A_417 = math.tanh %mul3A_416 : vector<32x512xf32>
      %mul3A_418 = arith.constant 5.000000e-01 : f32
      %mul3A_419 = vector.broadcast %mul3A_418 : f32 to vector<32x512xf32>
      %mul3A_420 = arith.mulf %mul3A_419, %tanh3A_417 : vector<32x512xf32>
      %add3A_421 = arith.constant 5.000000e-01 : f32
      %add3A_422 = vector.broadcast %add3A_421 : f32 to vector<32x512xf32>
      %add3A_423 = arith.addf %mul3A_420, %add3A_422 : vector<32x512xf32>
      %tanh3A_424 = math.tanh %slice3A_401 : vector<32x512xf32>
      %mul3A_425 = arith.mulf %add3A_423, %tanh3A_424 : vector<32x512xf32>
      %add3A_426 = arith.addf %mul3A_413, %mul3A_425 : vector<32x512xf32>
      %mul3A_427 = arith.constant 5.000000e-01 : f32
      %mul3A_428 = vector.broadcast %mul3A_427 : f32 to vector<32x512xf32>
      %mul3A_429 = arith.mulf %mul3A_428, %slice3A_402 : vector<32x512xf32>
      %tanh3A_430 = math.tanh %mul3A_429 : vector<32x512xf32>
      %mul3A_431 = arith.constant 5.000000e-01 : f32
      %mul3A_432 = vector.broadcast %mul3A_431 : f32 to vector<32x512xf32>
      %mul3A_433 = arith.mulf %mul3A_432, %tanh3A_430 : vector<32x512xf32>
      %add3A_434 = arith.constant 5.000000e-01 : f32
      %add3A_435 = vector.broadcast %add3A_434 : f32 to vector<32x512xf32>
      %add3A_436 = arith.addf %mul3A_433, %add3A_435 : vector<32x512xf32>
      %tanh3A_437 = math.tanh %add3A_426 : vector<32x512xf32>
      %mul3A_438 = arith.mulf %add3A_436, %tanh3A_437 : vector<32x512xf32>
      %convert_element_type3A_439 = arith.truncf %mul3A_438 : vector<32x512xf32> to vector<32x512xbf16>
      %mul3A_440 = arith.constant 32 : i32
      %mul3A_441 = arith.muli %scan3A_385, %mul3A_440 : i32
      %add3A_442 = arith.addi %mul3A_1, %mul3A_441 : i32
      %swap3A_443 = arith.index_cast %add3A_442 : i32 to index
      %swap3A_444 = arith.constant 0 : index
      %swap3A_445 = vector.load %arg11[%swap3A_443, %swap3A_444] : memref<4096x512xbf16, #tpu.memory_space<vmem>>, vector<32x512xbf16>
      tpu.vector_store %arg11[%swap3A_443, %swap3A_444], %convert_element_type3A_439 {strides = array<i32>} : memref<4096x512xbf16, #tpu.memory_space<vmem>>, vector<32x512xbf16>,
      %scan3A_446 = arith.constant 6 : i32
      %scan3A_447 = arith.addi %scan3A_75, %scan3A_446 : i32
      %mul3A_448 = arith.constant 32 : i32
      %mul3A_449 = arith.muli %scan3A_447, %mul3A_448 : i32
      %get3A_450 = arith.index_cast %mul3A_449 : i32 to index
      %get3A_451 = arith.constant 0 : index
      %get3A_452 = vector.load %arg10[%get3A_450, %get3A_451] : memref<4096x2048xbf16, #tpu.memory_space<vmem>>, vector<32x2048xbf16>
      %get3A_453 = arith.constant 0 : index
      %get3A_454 = arith.constant 0 : index
      %get3A_455 = vector.load %arg2[%get3A_453, %get3A_454] : memref<512x2048xbf16, #tpu.memory_space<vmem>>, vector<512x2048xbf16>
      %convert_element_type3A_456 = arith.truncf %mul3A_438 : vector<32x512xf32> to vector<32x512xbf16>
      %dot_general3A_457 = arith.constant dense<0.000000e+00> : vector<32x2048xf32>
      %dot_general3A_458 = tpu.matmul %convert_element_type3A_456, %get3A_455, %dot_general3A_457 {dimension_numbers = #tpu.dot_dimension_numbers<[1], [0], [0], [1], [0, 0, 1, 1], [], []>, transpose_lhs_hint = false} : vector<32x512xbf16>, vector<512x2048xbf16>, vector<32x2048xf32> -> vector<32x2048xf32>
      %convert_element_type3A_459 = arith.extf %get3A_452 : vector<32x2048xbf16> to vector<32x2048xf32>
      %add3A_460 = arith.addf %convert_element_type3A_459, %dot_general3A_458 : vector<32x2048xf32>
      %slice3A_461 = vector.extract_strided_slice %add3A_460 {offsets = [0, 0], sizes = [32, 512], strides = [1, 1]} : vector<32x2048xf32> to vector<32x512xf32>
      %slice3A_462 = vector.extract_strided_slice %add3A_460 {offsets = [0, 512], sizes = [32, 512], strides = [1, 1]} : vector<32x2048xf32> to vector<32x512xf32>
      %slice3A_463 = vector.extract_strided_slice %add3A_460 {offsets = [0, 1024], sizes = [32, 512], strides = [1, 1]} : vector<32x2048xf32> to vector<32x512xf32>
      %slice3A_464 = vector.extract_strided_slice %add3A_460 {offsets = [0, 1536], sizes = [32, 512], strides = [1, 1]} : vector<32x2048xf32> to vector<32x512xf32>
      %mul3A_465 = arith.constant 5.000000e-01 : f32
      %mul3A_466 = vector.broadcast %mul3A_465 : f32 to vector<32x512xf32>
      %mul3A_467 = arith.mulf %mul3A_466, %slice3A_462 : vector<32x512xf32>
      %tanh3A_468 = math.tanh %mul3A_467 : vector<32x512xf32>
      %mul3A_469 = arith.constant 5.000000e-01 : f32
      %mul3A_470 = vector.broadcast %mul3A_469 : f32 to vector<32x512xf32>
      %mul3A_471 = arith.mulf %mul3A_470, %tanh3A_468 : vector<32x512xf32>
      %add3A_472 = arith.constant 5.000000e-01 : f32
      %add3A_473 = vector.broadcast %add3A_472 : f32 to vector<32x512xf32>
      %add3A_474 = arith.addf %mul3A_471, %add3A_473 : vector<32x512xf32>
      %mul3A_475 = arith.mulf %add3A_474, %add3A_426 : vector<32x512xf32>
      %mul3A_476 = arith.constant 5.000000e-01 : f32
      %mul3A_477 = vector.broadcast %mul3A_476 : f32 to vector<32x512xf32>
      %mul3A_478 = arith.mulf %mul3A_477, %slice3A_461 : vector<32x512xf32>
      %tanh3A_479 = math.tanh %mul3A_478 : vector<32x512xf32>
      %mul3A_480 = arith.constant 5.000000e-01 : f32
      %mul3A_481 = vector.broadcast %mul3A_480 : f32 to vector<32x512xf32>
      %mul3A_482 = arith.mulf %mul3A_481, %tanh3A_479 : vector<32x512xf32>
      %add3A_483 = arith.constant 5.000000e-01 : f32
      %add3A_484 = vector.broadcast %add3A_483 : f32 to vector<32x512xf32>
      %add3A_485 = arith.addf %mul3A_482, %add3A_484 : vector<32x512xf32>
      %tanh3A_486 = math.tanh %slice3A_463 : vector<32x512xf32>
      %mul3A_487 = arith.mulf %add3A_485, %tanh3A_486 : vector<32x512xf32>
      %add3A_488 = arith.addf %mul3A_475, %mul3A_487 : vector<32x512xf32>
      %mul3A_489 = arith.constant 5.000000e-01 : f32
      %mul3A_490 = vector.broadcast %mul3A_489 : f32 to vector<32x512xf32>
      %mul3A_491 = arith.mulf %mul3A_490, %slice3A_464 : vector<32x512xf32>
      %tanh3A_492 = math.tanh %mul3A_491 : vector<32x512xf32>
      %mul3A_493 = arith.constant 5.000000e-01 : f32
      %mul3A_494 = vector.broadcast %mul3A_493 : f32 to vector<32x512xf32>
      %mul3A_495 = arith.mulf %mul3A_494, %tanh3A_492 : vector<32x512xf32>
      %add3A_496 = arith.constant 5.000000e-01 : f32
      %add3A_497 = vector.broadcast %add3A_496 : f32 to vector<32x512xf32>
      %add3A_498 = arith.addf %mul3A_495, %add3A_497 : vector<32x512xf32>
      %tanh3A_499 = math.tanh %add3A_488 : vector<32x512xf32>
      %mul3A_500 = arith.mulf %add3A_498, %tanh3A_499 : vector<32x512xf32>
      %convert_element_type3A_501 = arith.truncf %mul3A_500 : vector<32x512xf32> to vector<32x512xbf16>
      %mul3A_502 = arith.constant 32 : i32
      %mul3A_503 = arith.muli %scan3A_447, %mul3A_502 : i32
      %add3A_504 = arith.addi %mul3A_1, %mul3A_503 : i32
      %swap3A_505 = arith.index_cast %add3A_504 : i32 to index
      %swap3A_506 = arith.constant 0 : index
      %swap3A_507 = vector.load %arg11[%swap3A_505, %swap3A_506] : memref<4096x512xbf16, #tpu.memory_space<vmem>>, vector<32x512xbf16>
      tpu.vector_store %arg11[%swap3A_505, %swap3A_506], %convert_element_type3A_501 {strides = array<i32>} : memref<4096x512xbf16, #tpu.memory_space<vmem>>, vector<32x512xbf16>,
      %scan3A_508 = arith.constant 7 : i32
      %scan3A_509 = arith.addi %scan3A_75, %scan3A_508 : i32
      %mul3A_510 = arith.constant 32 : i32
      %mul3A_511 = arith.muli %scan3A_509, %mul3A_510 : i32
      %get3A_512 = arith.index_cast %mul3A_511 : i32 to index
      %get3A_513 = arith.constant 0 : index
      %get3A_514 = vector.load %arg10[%get3A_512, %get3A_513] : memref<4096x2048xbf16, #tpu.memory_space<vmem>>, vector<32x2048xbf16>
      %get3A_515 = arith.constant 0 : index
      %get3A_516 = arith.constant 0 : index
      %get3A_517 = vector.load %arg2[%get3A_515, %get3A_516] : memref<512x2048xbf16, #tpu.memory_space<vmem>>, vector<512x2048xbf16>
      %convert_element_type3A_518 = arith.truncf %mul3A_500 : vector<32x512xf32> to vector<32x512xbf16>
      %dot_general3A_519 = arith.constant dense<0.000000e+00> : vector<32x2048xf32>
      %dot_general3A_520 = tpu.matmul %convert_element_type3A_518, %get3A_517, %dot_general3A_519 {dimension_numbers = #tpu.dot_dimension_numbers<[1], [0], [0], [1], [0, 0, 1, 1], [], []>, transpose_lhs_hint = false} : vector<32x512xbf16>, vector<512x2048xbf16>, vector<32x2048xf32> -> vector<32x2048xf32>
      %convert_element_type3A_521 = arith.extf %get3A_514 : vector<32x2048xbf16> to vector<32x2048xf32>
      %add3A_522 = arith.addf %convert_element_type3A_521, %dot_general3A_520 : vector<32x2048xf32>
      %slice3A_523 = vector.extract_strided_slice %add3A_522 {offsets = [0, 0], sizes = [32, 512], strides = [1, 1]} : vector<32x2048xf32> to vector<32x512xf32>
      %slice3A_524 = vector.extract_strided_slice %add3A_522 {offsets = [0, 512], sizes = [32, 512], strides = [1, 1]} : vector<32x2048xf32> to vector<32x512xf32>
      %slice3A_525 = vector.extract_strided_slice %add3A_522 {offsets = [0, 1024], sizes = [32, 512], strides = [1, 1]} : vector<32x2048xf32> to vector<32x512xf32>
      %slice3A_526 = vector.extract_strided_slice %add3A_522 {offsets = [0, 1536], sizes = [32, 512], strides = [1, 1]} : vector<32x2048xf32> to vector<32x512xf32>
      %mul3A_527 = arith.constant 5.000000e-01 : f32
      %mul3A_528 = vector.broadcast %mul3A_527 : f32 to vector<32x512xf32>
      %mul3A_529 = arith.mulf %mul3A_528, %slice3A_524 : vector<32x512xf32>
      %tanh3A_530 = math.tanh %mul3A_529 : vector<32x512xf32>
      %mul3A_531 = arith.constant 5.000000e-01 : f32
      %mul3A_532 = vector.broadcast %mul3A_531 : f32 to vector<32x512xf32>
      %mul3A_533 = arith.mulf %mul3A_532, %tanh3A_530 : vector<32x512xf32>
      %add3A_534 = arith.constant 5.000000e-01 : f32
      %add3A_535 = vector.broadcast %add3A_534 : f32 to vector<32x512xf32>
      %add3A_536 = arith.addf %mul3A_533, %add3A_535 : vector<32x512xf32>
      %mul3A_537 = arith.mulf %add3A_536, %add3A_488 : vector<32x512xf32>
      %mul3A_538 = arith.constant 5.000000e-01 : f32
      %mul3A_539 = vector.broadcast %mul3A_538 : f32 to vector<32x512xf32>
      %mul3A_540 = arith.mulf %mul3A_539, %slice3A_523 : vector<32x512xf32>
      %tanh3A_541 = math.tanh %mul3A_540 : vector<32x512xf32>
      %mul3A_542 = arith.constant 5.000000e-01 : f32
      %mul3A_543 = vector.broadcast %mul3A_542 : f32 to vector<32x512xf32>
      %mul3A_544 = arith.mulf %mul3A_543, %tanh3A_541 : vector<32x512xf32>
      %add3A_545 = arith.constant 5.000000e-01 : f32
      %add3A_546 = vector.broadcast %add3A_545 : f32 to vector<32x512xf32>
      %add3A_547 = arith.addf %mul3A_544, %add3A_546 : vector<32x512xf32>
      %tanh3A_548 = math.tanh %slice3A_525 : vector<32x512xf32>
      %mul3A_549 = arith.mulf %add3A_547, %tanh3A_548 : vector<32x512xf32>
      %add3A_550 = arith.addf %mul3A_537, %mul3A_549 : vector<32x512xf32>
      %mul3A_551 = arith.constant 5.000000e-01 : f32
      %mul3A_552 = vector.broadcast %mul3A_551 : f32 to vector<32x512xf32>
      %mul3A_553 = arith.mulf %mul3A_552, %slice3A_526 : vector<32x512xf32>
      %tanh3A_554 = math.tanh %mul3A_553 : vector<32x512xf32>
      %mul3A_555 = arith.constant 5.000000e-01 : f32
      %mul3A_556 = vector.broadcast %mul3A_555 : f32 to vector<32x512xf32>
      %mul3A_557 = arith.mulf %mul3A_556, %tanh3A_554 : vector<32x512xf32>
      %add3A_558 = arith.constant 5.000000e-01 : f32
      %add3A_559 = vector.broadcast %add3A_558 : f32 to vector<32x512xf32>
      %add3A_560 = arith.addf %mul3A_557, %add3A_559 : vector<32x512xf32>
      %tanh3A_561 = math.tanh %add3A_550 : vector<32x512xf32>
      %mul3A_562 = arith.mulf %add3A_560, %tanh3A_561 : vector<32x512xf32>
      %convert_element_type3A_563 = arith.truncf %mul3A_562 : vector<32x512xf32> to vector<32x512xbf16>
      %mul3A_564 = arith.constant 32 : i32
      %mul3A_565 = arith.muli %scan3A_509, %mul3A_564 : i32
      %add3A_566 = arith.addi %mul3A_1, %mul3A_565 : i32
      %swap3A_567 = arith.index_cast %add3A_566 : i32 to index
      %swap3A_568 = arith.constant 0 : index
      %swap3A_569 = vector.load %arg11[%swap3A_567, %swap3A_568] : memref<4096x512xbf16, #tpu.memory_space<vmem>>, vector<32x512xbf16>
      tpu.vector_store %arg11[%swap3A_567, %swap3A_568], %convert_element_type3A_563 {strides = array<i32>} : memref<4096x512xbf16, #tpu.memory_space<vmem>>, vector<32x512xbf16>,
      %scan3A_570 = arith.constant 8 : i32
      %scan3A_571 = arith.addi %scan3A_75, %scan3A_570 : i32
      %mul3A_572 = arith.constant 32 : i32
      %mul3A_573 = arith.muli %scan3A_571, %mul3A_572 : i32
      %get3A_574 = arith.index_cast %mul3A_573 : i32 to index
      %get3A_575 = arith.constant 0 : index
      %get3A_576 = vector.load %arg10[%get3A_574, %get3A_575] : memref<4096x2048xbf16, #tpu.memory_space<vmem>>, vector<32x2048xbf16>
      %get3A_577 = arith.constant 0 : index
      %get3A_578 = arith.constant 0 : index
      %get3A_579 = vector.load %arg2[%get3A_577, %get3A_578] : memref<512x2048xbf16, #tpu.memory_space<vmem>>, vector<512x2048xbf16>
      %convert_element_type3A_580 = arith.truncf %mul3A_562 : vector<32x512xf32> to vector<32x512xbf16>
      %dot_general3A_581 = arith.constant dense<0.000000e+00> : vector<32x2048xf32>
      %dot_general3A_582 = tpu.matmul %convert_element_type3A_580, %get3A_579, %dot_general3A_581 {dimension_numbers = #tpu.dot_dimension_numbers<[1], [0], [0], [1], [0, 0, 1, 1], [], []>, transpose_lhs_hint = false} : vector<32x512xbf16>, vector<512x2048xbf16>, vector<32x2048xf32> -> vector<32x2048xf32>
      %convert_element_type3A_583 = arith.extf %get3A_576 : vector<32x2048xbf16> to vector<32x2048xf32>
      %add3A_584 = arith.addf %convert_element_type3A_583, %dot_general3A_582 : vector<32x2048xf32>
      %slice3A_585 = vector.extract_strided_slice %add3A_584 {offsets = [0, 0], sizes = [32, 512], strides = [1, 1]} : vector<32x2048xf32> to vector<32x512xf32>
      %slice3A_586 = vector.extract_strided_slice %add3A_584 {offsets = [0, 512], sizes = [32, 512], strides = [1, 1]} : vector<32x2048xf32> to vector<32x512xf32>
      %slice3A_587 = vector.extract_strided_slice %add3A_584 {offsets = [0, 1024], sizes = [32, 512], strides = [1, 1]} : vector<32x2048xf32> to vector<32x512xf32>
      %slice3A_588 = vector.extract_strided_slice %add3A_584 {offsets = [0, 1536], sizes = [32, 512], strides = [1, 1]} : vector<32x2048xf32> to vector<32x512xf32>
      %mul3A_589 = arith.constant 5.000000e-01 : f32
      %mul3A_590 = vector.broadcast %mul3A_589 : f32 to vector<32x512xf32>
      %mul3A_591 = arith.mulf %mul3A_590, %slice3A_586 : vector<32x512xf32>
      %tanh3A_592 = math.tanh %mul3A_591 : vector<32x512xf32>
      %mul3A_593 = arith.constant 5.000000e-01 : f32
      %mul3A_594 = vector.broadcast %mul3A_593 : f32 to vector<32x512xf32>
      %mul3A_595 = arith.mulf %mul3A_594, %tanh3A_592 : vector<32x512xf32>
      %add3A_596 = arith.constant 5.000000e-01 : f32
      %add3A_597 = vector.broadcast %add3A_596 : f32 to vector<32x512xf32>
      %add3A_598 = arith.addf %mul3A_595, %add3A_597 : vector<32x512xf32>
      %mul3A_599 = arith.mulf %add3A_598, %add3A_550 : vector<32x512xf32>
      %mul3A_600 = arith.constant 5.000000e-01 : f32
      %mul3A_601 = vector.broadcast %mul3A_600 : f32 to vector<32x512xf32>
      %mul3A_602 = arith.mulf %mul3A_601, %slice3A_585 : vector<32x512xf32>
      %tanh3A_603 = math.tanh %mul3A_602 : vector<32x512xf32>
      %mul3A_604 = arith.constant 5.000000e-01 : f32
      %mul3A_605 = vector.broadcast %mul3A_604 : f32 to vector<32x512xf32>
      %mul3A_606 = arith.mulf %mul3A_605, %tanh3A_603 : vector<32x512xf32>
      %add3A_607 = arith.constant 5.000000e-01 : f32
      %add3A_608 = vector.broadcast %add3A_607 : f32 to vector<32x512xf32>
      %add3A_609 = arith.addf %mul3A_606, %add3A_608 : vector<32x512xf32>
      %tanh3A_610 = math.tanh %slice3A_587 : vector<32x512xf32>
      %mul3A_611 = arith.mulf %add3A_609, %tanh3A_610 : vector<32x512xf32>
      %add3A_612 = arith.addf %mul3A_599, %mul3A_611 : vector<32x512xf32>
      %mul3A_613 = arith.constant 5.000000e-01 : f32
      %mul3A_614 = vector.broadcast %mul3A_613 : f32 to vector<32x512xf32>
      %mul3A_615 = arith.mulf %mul3A_614, %slice3A_588 : vector<32x512xf32>
      %tanh3A_616 = math.tanh %mul3A_615 : vector<32x512xf32>
      %mul3A_617 = arith.constant 5.000000e-01 : f32
      %mul3A_618 = vector.broadcast %mul3A_617 : f32 to vector<32x512xf32>
      %mul3A_619 = arith.mulf %mul3A_618, %tanh3A_616 : vector<32x512xf32>
      %add3A_620 = arith.constant 5.000000e-01 : f32
      %add3A_621 = vector.broadcast %add3A_620 : f32 to vector<32x512xf32>
      %add3A_622 = arith.addf %mul3A_619, %add3A_621 : vector<32x512xf32>
      %tanh3A_623 = math.tanh %add3A_612 : vector<32x512xf32>
      %mul3A_624 = arith.mulf %add3A_622, %tanh3A_623 : vector<32x512xf32>
      %convert_element_type3A_625 = arith.truncf %mul3A_624 : vector<32x512xf32> to vector<32x512xbf16>
      %mul3A_626 = arith.constant 32 : i32
      %mul3A_627 = arith.muli %scan3A_571, %mul3A_626 : i32
      %add3A_628 = arith.addi %mul3A_1, %mul3A_627 : i32
      %swap3A_629 = arith.index_cast %add3A_628 : i32 to index
      %swap3A_630 = arith.constant 0 : index
      %swap3A_631 = vector.load %arg11[%swap3A_629, %swap3A_630] : memref<4096x512xbf16, #tpu.memory_space<vmem>>, vector<32x512xbf16>
      tpu.vector_store %arg11[%swap3A_629, %swap3A_630], %convert_element_type3A_625 {strides = array<i32>} : memref<4096x512xbf16, #tpu.memory_space<vmem>>, vector<32x512xbf16>,
      %scan3A_632 = arith.constant 9 : i32
      %scan3A_633 = arith.addi %scan3A_75, %scan3A_632 : i32
      %mul3A_634 = arith.constant 32 : i32
      %mul3A_635 = arith.muli %scan3A_633, %mul3A_634 : i32
      %get3A_636 = arith.index_cast %mul3A_635 : i32 to index
      %get3A_637 = arith.constant 0 : index
      %get3A_638 = vector.load %arg10[%get3A_636, %get3A_637] : memref<4096x2048xbf16, #tpu.memory_space<vmem>>, vector<32x2048xbf16>
      %get3A_639 = arith.constant 0 : index
      %get3A_640 = arith.constant 0 : index
      %get3A_641 = vector.load %arg2[%get3A_639, %get3A_640] : memref<512x2048xbf16, #tpu.memory_space<vmem>>, vector<512x2048xbf16>
      %convert_element_type3A_642 = arith.truncf %mul3A_624 : vector<32x512xf32> to vector<32x512xbf16>
      %dot_general3A_643 = arith.constant dense<0.000000e+00> : vector<32x2048xf32>
      %dot_general3A_644 = tpu.matmul %convert_element_type3A_642, %get3A_641, %dot_general3A_643 {dimension_numbers = #tpu.dot_dimension_numbers<[1], [0], [0], [1], [0, 0, 1, 1], [], []>, transpose_lhs_hint = false} : vector<32x512xbf16>, vector<512x2048xbf16>, vector<32x2048xf32> -> vector<32x2048xf32>
      %convert_element_type3A_645 = arith.extf %get3A_638 : vector<32x2048xbf16> to vector<32x2048xf32>
      %add3A_646 = arith.addf %convert_element_type3A_645, %dot_general3A_644 : vector<32x2048xf32>
      %slice3A_647 = vector.extract_strided_slice %add3A_646 {offsets = [0, 0], sizes = [32, 512], strides = [1, 1]} : vector<32x2048xf32> to vector<32x512xf32>
      %slice3A_648 = vector.extract_strided_slice %add3A_646 {offsets = [0, 512], sizes = [32, 512], strides = [1, 1]} : vector<32x2048xf32> to vector<32x512xf32>
      %slice3A_649 = vector.extract_strided_slice %add3A_646 {offsets = [0, 1024], sizes = [32, 512], strides = [1, 1]} : vector<32x2048xf32> to vector<32x512xf32>
      %slice3A_650 = vector.extract_strided_slice %add3A_646 {offsets = [0, 1536], sizes = [32, 512], strides = [1, 1]} : vector<32x2048xf32> to vector<32x512xf32>
      %mul3A_651 = arith.constant 5.000000e-01 : f32
      %mul3A_652 = vector.broadcast %mul3A_651 : f32 to vector<32x512xf32>
      %mul3A_653 = arith.mulf %mul3A_652, %slice3A_648 : vector<32x512xf32>
      %tanh3A_654 = math.tanh %mul3A_653 : vector<32x512xf32>
      %mul3A_655 = arith.constant 5.000000e-01 : f32
      %mul3A_656 = vector.broadcast %mul3A_655 : f32 to vector<32x512xf32>
      %mul3A_657 = arith.mulf %mul3A_656, %tanh3A_654 : vector<32x512xf32>
      %add3A_658 = arith.constant 5.000000e-01 : f32
      %add3A_659 = vector.broadcast %add3A_658 : f32 to vector<32x512xf32>
      %add3A_660 = arith.addf %mul3A_657, %add3A_659 : vector<32x512xf32>
      %mul3A_661 = arith.mulf %add3A_660, %add3A_612 : vector<32x512xf32>
      %mul3A_662 = arith.constant 5.000000e-01 : f32
      %mul3A_663 = vector.broadcast %mul3A_662 : f32 to vector<32x512xf32>
      %mul3A_664 = arith.mulf %mul3A_663, %slice3A_647 : vector<32x512xf32>
      %tanh3A_665 = math.tanh %mul3A_664 : vector<32x512xf32>
      %mul3A_666 = arith.constant 5.000000e-01 : f32
      %mul3A_667 = vector.broadcast %mul3A_666 : f32 to vector<32x512xf32>
      %mul3A_668 = arith.mulf %mul3A_667, %tanh3A_665 : vector<32x512xf32>
      %add3A_669 = arith.constant 5.000000e-01 : f32
      %add3A_670 = vector.broadcast %add3A_669 : f32 to vector<32x512xf32>
      %add3A_671 = arith.addf %mul3A_668, %add3A_670 : vector<32x512xf32>
      %tanh3A_672 = math.tanh %slice3A_649 : vector<32x512xf32>
      %mul3A_673 = arith.mulf %add3A_671, %tanh3A_672 : vector<32x512xf32>
      %add3A_674 = arith.addf %mul3A_661, %mul3A_673 : vector<32x512xf32>
      %mul3A_675 = arith.constant 5.000000e-01 : f32
      %mul3A_676 = vector.broadcast %mul3A_675 : f32 to vector<32x512xf32>
      %mul3A_677 = arith.mulf %mul3A_676, %slice3A_650 : vector<32x512xf32>
      %tanh3A_678 = math.tanh %mul3A_677 : vector<32x512xf32>
      %mul3A_679 = arith.constant 5.000000e-01 : f32
      %mul3A_680 = vector.broadcast %mul3A_679 : f32 to vector<32x512xf32>
      %mul3A_681 = arith.mulf %mul3A_680, %tanh3A_678 : vector<32x512xf32>
      %add3A_682 = arith.constant 5.000000e-01 : f32
      %add3A_683 = vector.broadcast %add3A_682 : f32 to vector<32x512xf32>
      %add3A_684 = arith.addf %mul3A_681, %add3A_683 : vector<32x512xf32>
      %tanh3A_685 = math.tanh %add3A_674 : vector<32x512xf32>
      %mul3A_686 = arith.mulf %add3A_684, %tanh3A_685 : vector<32x512xf32>
      %convert_element_type3A_687 = arith.truncf %mul3A_686 : vector<32x512xf32> to vector<32x512xbf16>
      %mul3A_688 = arith.constant 32 : i32
      %mul3A_689 = arith.muli %scan3A_633, %mul3A_688 : i32
      %add3A_690 = arith.addi %mul3A_1, %mul3A_689 : i32
      %swap3A_691 = arith.index_cast %add3A_690 : i32 to index
      %swap3A_692 = arith.constant 0 : index
      %swap3A_693 = vector.load %arg11[%swap3A_691, %swap3A_692] : memref<4096x512xbf16, #tpu.memory_space<vmem>>, vector<32x512xbf16>
      tpu.vector_store %arg11[%swap3A_691, %swap3A_692], %convert_element_type3A_687 {strides = array<i32>} : memref<4096x512xbf16, #tpu.memory_space<vmem>>, vector<32x512xbf16>,
      %scan3A_694 = arith.constant 10 : i32
      %scan3A_695 = arith.addi %scan3A_75, %scan3A_694 : i32
      %mul3A_696 = arith.constant 32 : i32
      %mul3A_697 = arith.muli %scan3A_695, %mul3A_696 : i32
      %get3A_698 = arith.index_cast %mul3A_697 : i32 to index
      %get3A_699 = arith.constant 0 : index
      %get3A_700 = vector.load %arg10[%get3A_698, %get3A_699] : memref<4096x2048xbf16, #tpu.memory_space<vmem>>, vector<32x2048xbf16>
      %get3A_701 = arith.constant 0 : index
      %get3A_702 = arith.constant 0 : index
      %get3A_703 = vector.load %arg2[%get3A_701, %get3A_702] : memref<512x2048xbf16, #tpu.memory_space<vmem>>, vector<512x2048xbf16>
      %convert_element_type3A_704 = arith.truncf %mul3A_686 : vector<32x512xf32> to vector<32x512xbf16>
      %dot_general3A_705 = arith.constant dense<0.000000e+00> : vector<32x2048xf32>
      %dot_general3A_706 = tpu.matmul %convert_element_type3A_704, %get3A_703, %dot_general3A_705 {dimension_numbers = #tpu.dot_dimension_numbers<[1], [0], [0], [1], [0, 0, 1, 1], [], []>, transpose_lhs_hint = false} : vector<32x512xbf16>, vector<512x2048xbf16>, vector<32x2048xf32> -> vector<32x2048xf32>
      %convert_element_type3A_707 = arith.extf %get3A_700 : vector<32x2048xbf16> to vector<32x2048xf32>
      %add3A_708 = arith.addf %convert_element_type3A_707, %dot_general3A_706 : vector<32x2048xf32>
      %slice3A_709 = vector.extract_strided_slice %add3A_708 {offsets = [0, 0], sizes = [32, 512], strides = [1, 1]} : vector<32x2048xf32> to vector<32x512xf32>
      %slice3A_710 = vector.extract_strided_slice %add3A_708 {offsets = [0, 512], sizes = [32, 512], strides = [1, 1]} : vector<32x2048xf32> to vector<32x512xf32>
      %slice3A_711 = vector.extract_strided_slice %add3A_708 {offsets = [0, 1024], sizes = [32, 512], strides = [1, 1]} : vector<32x2048xf32> to vector<32x512xf32>
      %slice3A_712 = vector.extract_strided_slice %add3A_708 {offsets = [0, 1536], sizes = [32, 512], strides = [1, 1]} : vector<32x2048xf32> to vector<32x512xf32>
      %mul3A_713 = arith.constant 5.000000e-01 : f32
      %mul3A_714 = vector.broadcast %mul3A_713 : f32 to vector<32x512xf32>
      %mul3A_715 = arith.mulf %mul3A_714, %slice3A_710 : vector<32x512xf32>
      %tanh3A_716 = math.tanh %mul3A_715 : vector<32x512xf32>
      %mul3A_717 = arith.constant 5.000000e-01 : f32
      %mul3A_718 = vector.broadcast %mul3A_717 : f32 to vector<32x512xf32>
      %mul3A_719 = arith.mulf %mul3A_718, %tanh3A_716 : vector<32x512xf32>
      %add3A_720 = arith.constant 5.000000e-01 : f32
      %add3A_721 = vector.broadcast %add3A_720 : f32 to vector<32x512xf32>
      %add3A_722 = arith.addf %mul3A_719, %add3A_721 : vector<32x512xf32>
      %mul3A_723 = arith.mulf %add3A_722, %add3A_674 : vector<32x512xf32>
      %mul3A_724 = arith.constant 5.000000e-01 : f32
      %mul3A_725 = vector.broadcast %mul3A_724 : f32 to vector<32x512xf32>
      %mul3A_726 = arith.mulf %mul3A_725, %slice3A_709 : vector<32x512xf32>
      %tanh3A_727 = math.tanh %mul3A_726 : vector<32x512xf32>
      %mul3A_728 = arith.constant 5.000000e-01 : f32
      %mul3A_729 = vector.broadcast %mul3A_728 : f32 to vector<32x512xf32>
      %mul3A_730 = arith.mulf %mul3A_729, %tanh3A_727 : vector<32x512xf32>
      %add3A_731 = arith.constant 5.000000e-01 : f32
      %add3A_732 = vector.broadcast %add3A_731 : f32 to vector<32x512xf32>
      %add3A_733 = arith.addf %mul3A_730, %add3A_732 : vector<32x512xf32>
      %tanh3A_734 = math.tanh %slice3A_711 : vector<32x512xf32>
      %mul3A_735 = arith.mulf %add3A_733, %tanh3A_734 : vector<32x512xf32>
      %add3A_736 = arith.addf %mul3A_723, %mul3A_735 : vector<32x512xf32>
      %mul3A_737 = arith.constant 5.000000e-01 : f32
      %mul3A_738 = vector.broadcast %mul3A_737 : f32 to vector<32x512xf32>
      %mul3A_739 = arith.mulf %mul3A_738, %slice3A_712 : vector<32x512xf32>
      %tanh3A_740 = math.tanh %mul3A_739 : vector<32x512xf32>
      %mul3A_741 = arith.constant 5.000000e-01 : f32
      %mul3A_742 = vector.broadcast %mul3A_741 : f32 to vector<32x512xf32>
      %mul3A_743 = arith.mulf %mul3A_742, %tanh3A_740 : vector<32x512xf32>
      %add3A_744 = arith.constant 5.000000e-01 : f32
      %add3A_745 = vector.broadcast %add3A_744 : f32 to vector<32x512xf32>
      %add3A_746 = arith.addf %mul3A_743, %add3A_745 : vector<32x512xf32>
      %tanh3A_747 = math.tanh %add3A_736 : vector<32x512xf32>
      %mul3A_748 = arith.mulf %add3A_746, %tanh3A_747 : vector<32x512xf32>
      %convert_element_type3A_749 = arith.truncf %mul3A_748 : vector<32x512xf32> to vector<32x512xbf16>
      %mul3A_750 = arith.constant 32 : i32
      %mul3A_751 = arith.muli %scan3A_695, %mul3A_750 : i32
      %add3A_752 = arith.addi %mul3A_1, %mul3A_751 : i32
      %swap3A_753 = arith.index_cast %add3A_752 : i32 to index
      %swap3A_754 = arith.constant 0 : index
      %swap3A_755 = vector.load %arg11[%swap3A_753, %swap3A_754] : memref<4096x512xbf16, #tpu.memory_space<vmem>>, vector<32x512xbf16>
      tpu.vector_store %arg11[%swap3A_753, %swap3A_754], %convert_element_type3A_749 {strides = array<i32>} : memref<4096x512xbf16, #tpu.memory_space<vmem>>, vector<32x512xbf16>,
      %scan3A_756 = arith.constant 11 : i32
      %scan3A_757 = arith.addi %scan3A_75, %scan3A_756 : i32
      %mul3A_758 = arith.constant 32 : i32
      %mul3A_759 = arith.muli %scan3A_757, %mul3A_758 : i32
      %get3A_760 = arith.index_cast %mul3A_759 : i32 to index
      %get3A_761 = arith.constant 0 : index
      %get3A_762 = vector.load %arg10[%get3A_760, %get3A_761] : memref<4096x2048xbf16, #tpu.memory_space<vmem>>, vector<32x2048xbf16>
      %get3A_763 = arith.constant 0 : index
      %get3A_764 = arith.constant 0 : index
      %get3A_765 = vector.load %arg2[%get3A_763, %get3A_764] : memref<512x2048xbf16, #tpu.memory_space<vmem>>, vector<512x2048xbf16>
      %convert_element_type3A_766 = arith.truncf %mul3A_748 : vector<32x512xf32> to vector<32x512xbf16>
      %dot_general3A_767 = arith.constant dense<0.000000e+00> : vector<32x2048xf32>
      %dot_general3A_768 = tpu.matmul %convert_element_type3A_766, %get3A_765, %dot_general3A_767 {dimension_numbers = #tpu.dot_dimension_numbers<[1], [0], [0], [1], [0, 0, 1, 1], [], []>, transpose_lhs_hint = false} : vector<32x512xbf16>, vector<512x2048xbf16>, vector<32x2048xf32> -> vector<32x2048xf32>
      %convert_element_type3A_769 = arith.extf %get3A_762 : vector<32x2048xbf16> to vector<32x2048xf32>
      %add3A_770 = arith.addf %convert_element_type3A_769, %dot_general3A_768 : vector<32x2048xf32>
      %slice3A_771 = vector.extract_strided_slice %add3A_770 {offsets = [0, 0], sizes = [32, 512], strides = [1, 1]} : vector<32x2048xf32> to vector<32x512xf32>
      %slice3A_772 = vector.extract_strided_slice %add3A_770 {offsets = [0, 512], sizes = [32, 512], strides = [1, 1]} : vector<32x2048xf32> to vector<32x512xf32>
      %slice3A_773 = vector.extract_strided_slice %add3A_770 {offsets = [0, 1024], sizes = [32, 512], strides = [1, 1]} : vector<32x2048xf32> to vector<32x512xf32>
      %slice3A_774 = vector.extract_strided_slice %add3A_770 {offsets = [0, 1536], sizes = [32, 512], strides = [1, 1]} : vector<32x2048xf32> to vector<32x512xf32>
      %mul3A_775 = arith.constant 5.000000e-01 : f32
      %mul3A_776 = vector.broadcast %mul3A_775 : f32 to vector<32x512xf32>
      %mul3A_777 = arith.mulf %mul3A_776, %slice3A_772 : vector<32x512xf32>
      %tanh3A_778 = math.tanh %mul3A_777 : vector<32x512xf32>
      %mul3A_779 = arith.constant 5.000000e-01 : f32
      %mul3A_780 = vector.broadcast %mul3A_779 : f32 to vector<32x512xf32>
      %mul3A_781 = arith.mulf %mul3A_780, %tanh3A_778 : vector<32x512xf32>
      %add3A_782 = arith.constant 5.000000e-01 : f32
      %add3A_783 = vector.broadcast %add3A_782 : f32 to vector<32x512xf32>
      %add3A_784 = arith.addf %mul3A_781, %add3A_783 : vector<32x512xf32>
      %mul3A_785 = arith.mulf %add3A_784, %add3A_736 : vector<32x512xf32>
      %mul3A_786 = arith.constant 5.000000e-01 : f32
      %mul3A_787 = vector.broadcast %mul3A_786 : f32 to vector<32x512xf32>
      %mul3A_788 = arith.mulf %mul3A_787, %slice3A_771 : vector<32x512xf32>
      %tanh3A_789 = math.tanh %mul3A_788 : vector<32x512xf32>
      %mul3A_790 = arith.constant 5.000000e-01 : f32
      %mul3A_791 = vector.broadcast %mul3A_790 : f32 to vector<32x512xf32>
      %mul3A_792 = arith.mulf %mul3A_791, %tanh3A_789 : vector<32x512xf32>
      %add3A_793 = arith.constant 5.000000e-01 : f32
      %add3A_794 = vector.broadcast %add3A_793 : f32 to vector<32x512xf32>
      %add3A_795 = arith.addf %mul3A_792, %add3A_794 : vector<32x512xf32>
      %tanh3A_796 = math.tanh %slice3A_773 : vector<32x512xf32>
      %mul3A_797 = arith.mulf %add3A_795, %tanh3A_796 : vector<32x512xf32>
      %add3A_798 = arith.addf %mul3A_785, %mul3A_797 : vector<32x512xf32>
      %mul3A_799 = arith.constant 5.000000e-01 : f32
      %mul3A_800 = vector.broadcast %mul3A_799 : f32 to vector<32x512xf32>
      %mul3A_801 = arith.mulf %mul3A_800, %slice3A_774 : vector<32x512xf32>
      %tanh3A_802 = math.tanh %mul3A_801 : vector<32x512xf32>
      %mul3A_803 = arith.constant 5.000000e-01 : f32
      %mul3A_804 = vector.broadcast %mul3A_803 : f32 to vector<32x512xf32>
      %mul3A_805 = arith.mulf %mul3A_804, %tanh3A_802 : vector<32x512xf32>
      %add3A_806 = arith.constant 5.000000e-01 : f32
      %add3A_807 = vector.broadcast %add3A_806 : f32 to vector<32x512xf32>
      %add3A_808 = arith.addf %mul3A_805, %add3A_807 : vector<32x512xf32>
      %tanh3A_809 = math.tanh %add3A_798 : vector<32x512xf32>
      %mul3A_810 = arith.mulf %add3A_808, %tanh3A_809 : vector<32x512xf32>
      %convert_element_type3A_811 = arith.truncf %mul3A_810 : vector<32x512xf32> to vector<32x512xbf16>
      %mul3A_812 = arith.constant 32 : i32
      %mul3A_813 = arith.muli %scan3A_757, %mul3A_812 : i32
      %add3A_814 = arith.addi %mul3A_1, %mul3A_813 : i32
      %swap3A_815 = arith.index_cast %add3A_814 : i32 to index
      %swap3A_816 = arith.constant 0 : index
      %swap3A_817 = vector.load %arg11[%swap3A_815, %swap3A_816] : memref<4096x512xbf16, #tpu.memory_space<vmem>>, vector<32x512xbf16>
      tpu.vector_store %arg11[%swap3A_815, %swap3A_816], %convert_element_type3A_811 {strides = array<i32>} : memref<4096x512xbf16, #tpu.memory_space<vmem>>, vector<32x512xbf16>,
      %scan3A_818 = arith.constant 12 : i32
      %scan3A_819 = arith.addi %scan3A_75, %scan3A_818 : i32
      %mul3A_820 = arith.constant 32 : i32
      %mul3A_821 = arith.muli %scan3A_819, %mul3A_820 : i32
      %get3A_822 = arith.index_cast %mul3A_821 : i32 to index
      %get3A_823 = arith.constant 0 : index
      %get3A_824 = vector.load %arg10[%get3A_822, %get3A_823] : memref<4096x2048xbf16, #tpu.memory_space<vmem>>, vector<32x2048xbf16>
      %get3A_825 = arith.constant 0 : index
      %get3A_826 = arith.constant 0 : index
      %get3A_827 = vector.load %arg2[%get3A_825, %get3A_826] : memref<512x2048xbf16, #tpu.memory_space<vmem>>, vector<512x2048xbf16>
      %convert_element_type3A_828 = arith.truncf %mul3A_810 : vector<32x512xf32> to vector<32x512xbf16>
      %dot_general3A_829 = arith.constant dense<0.000000e+00> : vector<32x2048xf32>
      %dot_general3A_830 = tpu.matmul %convert_element_type3A_828, %get3A_827, %dot_general3A_829 {dimension_numbers = #tpu.dot_dimension_numbers<[1], [0], [0], [1], [0, 0, 1, 1], [], []>, transpose_lhs_hint = false} : vector<32x512xbf16>, vector<512x2048xbf16>, vector<32x2048xf32> -> vector<32x2048xf32>
      %convert_element_type3A_831 = arith.extf %get3A_824 : vector<32x2048xbf16> to vector<32x2048xf32>
      %add3A_832 = arith.addf %convert_element_type3A_831, %dot_general3A_830 : vector<32x2048xf32>
      %slice3A_833 = vector.extract_strided_slice %add3A_832 {offsets = [0, 0], sizes = [32, 512], strides = [1, 1]} : vector<32x2048xf32> to vector<32x512xf32>
      %slice3A_834 = vector.extract_strided_slice %add3A_832 {offsets = [0, 512], sizes = [32, 512], strides = [1, 1]} : vector<32x2048xf32> to vector<32x512xf32>
      %slice3A_835 = vector.extract_strided_slice %add3A_832 {offsets = [0, 1024], sizes = [32, 512], strides = [1, 1]} : vector<32x2048xf32> to vector<32x512xf32>
      %slice3A_836 = vector.extract_strided_slice %add3A_832 {offsets = [0, 1536], sizes = [32, 512], strides = [1, 1]} : vector<32x2048xf32> to vector<32x512xf32>
      %mul3A_837 = arith.constant 5.000000e-01 : f32
      %mul3A_838 = vector.broadcast %mul3A_837 : f32 to vector<32x512xf32>
      %mul3A_839 = arith.mulf %mul3A_838, %slice3A_834 : vector<32x512xf32>
      %tanh3A_840 = math.tanh %mul3A_839 : vector<32x512xf32>
      %mul3A_841 = arith.constant 5.000000e-01 : f32
      %mul3A_842 = vector.broadcast %mul3A_841 : f32 to vector<32x512xf32>
      %mul3A_843 = arith.mulf %mul3A_842, %tanh3A_840 : vector<32x512xf32>
      %add3A_844 = arith.constant 5.000000e-01 : f32
      %add3A_845 = vector.broadcast %add3A_844 : f32 to vector<32x512xf32>
      %add3A_846 = arith.addf %mul3A_843, %add3A_845 : vector<32x512xf32>
      %mul3A_847 = arith.mulf %add3A_846, %add3A_798 : vector<32x512xf32>
      %mul3A_848 = arith.constant 5.000000e-01 : f32
      %mul3A_849 = vector.broadcast %mul3A_848 : f32 to vector<32x512xf32>
      %mul3A_850 = arith.mulf %mul3A_849, %slice3A_833 : vector<32x512xf32>
      %tanh3A_851 = math.tanh %mul3A_850 : vector<32x512xf32>
      %mul3A_852 = arith.constant 5.000000e-01 : f32
      %mul3A_853 = vector.broadcast %mul3A_852 : f32 to vector<32x512xf32>
      %mul3A_854 = arith.mulf %mul3A_853, %tanh3A_851 : vector<32x512xf32>
      %add3A_855 = arith.constant 5.000000e-01 : f32
      %add3A_856 = vector.broadcast %add3A_855 : f32 to vector<32x512xf32>
      %add3A_857 = arith.addf %mul3A_854, %add3A_856 : vector<32x512xf32>
      %tanh3A_858 = math.tanh %slice3A_835 : vector<32x512xf32>
      %mul3A_859 = arith.mulf %add3A_857, %tanh3A_858 : vector<32x512xf32>
      %add3A_860 = arith.addf %mul3A_847, %mul3A_859 : vector<32x512xf32>
      %mul3A_861 = arith.constant 5.000000e-01 : f32
      %mul3A_862 = vector.broadcast %mul3A_861 : f32 to vector<32x512xf32>
      %mul3A_863 = arith.mulf %mul3A_862, %slice3A_836 : vector<32x512xf32>
      %tanh3A_864 = math.tanh %mul3A_863 : vector<32x512xf32>
      %mul3A_865 = arith.constant 5.000000e-01 : f32
      %mul3A_866 = vector.broadcast %mul3A_865 : f32 to vector<32x512xf32>
      %mul3A_867 = arith.mulf %mul3A_866, %tanh3A_864 : vector<32x512xf32>
      %add3A_868 = arith.constant 5.000000e-01 : f32
      %add3A_869 = vector.broadcast %add3A_868 : f32 to vector<32x512xf32>
      %add3A_870 = arith.addf %mul3A_867, %add3A_869 : vector<32x512xf32>
      %tanh3A_871 = math.tanh %add3A_860 : vector<32x512xf32>
      %mul3A_872 = arith.mulf %add3A_870, %tanh3A_871 : vector<32x512xf32>
      %convert_element_type3A_873 = arith.truncf %mul3A_872 : vector<32x512xf32> to vector<32x512xbf16>
      %mul3A_874 = arith.constant 32 : i32
      %mul3A_875 = arith.muli %scan3A_819, %mul3A_874 : i32
      %add3A_876 = arith.addi %mul3A_1, %mul3A_875 : i32
      %swap3A_877 = arith.index_cast %add3A_876 : i32 to index
      %swap3A_878 = arith.constant 0 : index
      %swap3A_879 = vector.load %arg11[%swap3A_877, %swap3A_878] : memref<4096x512xbf16, #tpu.memory_space<vmem>>, vector<32x512xbf16>
      tpu.vector_store %arg11[%swap3A_877, %swap3A_878], %convert_element_type3A_873 {strides = array<i32>} : memref<4096x512xbf16, #tpu.memory_space<vmem>>, vector<32x512xbf16>,
      %scan3A_880 = arith.constant 13 : i32
      %scan3A_881 = arith.addi %scan3A_75, %scan3A_880 : i32
      %mul3A_882 = arith.constant 32 : i32
      %mul3A_883 = arith.muli %scan3A_881, %mul3A_882 : i32
      %get3A_884 = arith.index_cast %mul3A_883 : i32 to index
      %get3A_885 = arith.constant 0 : index
      %get3A_886 = vector.load %arg10[%get3A_884, %get3A_885] : memref<4096x2048xbf16, #tpu.memory_space<vmem>>, vector<32x2048xbf16>
      %get3A_887 = arith.constant 0 : index
      %get3A_888 = arith.constant 0 : index
      %get3A_889 = vector.load %arg2[%get3A_887, %get3A_888] : memref<512x2048xbf16, #tpu.memory_space<vmem>>, vector<512x2048xbf16>
      %convert_element_type3A_890 = arith.truncf %mul3A_872 : vector<32x512xf32> to vector<32x512xbf16>
      %dot_general3A_891 = arith.constant dense<0.000000e+00> : vector<32x2048xf32>
      %dot_general3A_892 = tpu.matmul %convert_element_type3A_890, %get3A_889, %dot_general3A_891 {dimension_numbers = #tpu.dot_dimension_numbers<[1], [0], [0], [1], [0, 0, 1, 1], [], []>, transpose_lhs_hint = false} : vector<32x512xbf16>, vector<512x2048xbf16>, vector<32x2048xf32> -> vector<32x2048xf32>
      %convert_element_type3A_893 = arith.extf %get3A_886 : vector<32x2048xbf16> to vector<32x2048xf32>
      %add3A_894 = arith.addf %convert_element_type3A_893, %dot_general3A_892 : vector<32x2048xf32>
      %slice3A_895 = vector.extract_strided_slice %add3A_894 {offsets = [0, 0], sizes = [32, 512], strides = [1, 1]} : vector<32x2048xf32> to vector<32x512xf32>
      %slice3A_896 = vector.extract_strided_slice %add3A_894 {offsets = [0, 512], sizes = [32, 512], strides = [1, 1]} : vector<32x2048xf32> to vector<32x512xf32>
      %slice3A_897 = vector.extract_strided_slice %add3A_894 {offsets = [0, 1024], sizes = [32, 512], strides = [1, 1]} : vector<32x2048xf32> to vector<32x512xf32>
      %slice3A_898 = vector.extract_strided_slice %add3A_894 {offsets = [0, 1536], sizes = [32, 512], strides = [1, 1]} : vector<32x2048xf32> to vector<32x512xf32>
      %mul3A_899 = arith.constant 5.000000e-01 : f32
      %mul3A_900 = vector.broadcast %mul3A_899 : f32 to vector<32x512xf32>
      %mul3A_901 = arith.mulf %mul3A_900, %slice3A_896 : vector<32x512xf32>
      %tanh3A_902 = math.tanh %mul3A_901 : vector<32x512xf32>
      %mul3A_903 = arith.constant 5.000000e-01 : f32
      %mul3A_904 = vector.broadcast %mul3A_903 : f32 to vector<32x512xf32>
      %mul3A_905 = arith.mulf %mul3A_904, %tanh3A_902 : vector<32x512xf32>
      %add3A_906 = arith.constant 5.000000e-01 : f32
      %add3A_907 = vector.broadcast %add3A_906 : f32 to vector<32x512xf32>
      %add3A_908 = arith.addf %mul3A_905, %add3A_907 : vector<32x512xf32>
      %mul3A_909 = arith.mulf %add3A_908, %add3A_860 : vector<32x512xf32>
      %mul3A_910 = arith.constant 5.000000e-01 : f32
      %mul3A_911 = vector.broadcast %mul3A_910 : f32 to vector<32x512xf32>
      %mul3A_912 = arith.mulf %mul3A_911, %slice3A_895 : vector<32x512xf32>
      %tanh3A_913 = math.tanh %mul3A_912 : vector<32x512xf32>
      %mul3A_914 = arith.constant 5.000000e-01 : f32
      %mul3A_915 = vector.broadcast %mul3A_914 : f32 to vector<32x512xf32>
      %mul3A_916 = arith.mulf %mul3A_915, %tanh3A_913 : vector<32x512xf32>
      %add3A_917 = arith.constant 5.000000e-01 : f32
      %add3A_918 = vector.broadcast %add3A_917 : f32 to vector<32x512xf32>
      %add3A_919 = arith.addf %mul3A_916, %add3A_918 : vector<32x512xf32>
      %tanh3A_920 = math.tanh %slice3A_897 : vector<32x512xf32>
      %mul3A_921 = arith.mulf %add3A_919, %tanh3A_920 : vector<32x512xf32>
      %add3A_922 = arith.addf %mul3A_909, %mul3A_921 : vector<32x512xf32>
      %mul3A_923 = arith.constant 5.000000e-01 : f32
      %mul3A_924 = vector.broadcast %mul3A_923 : f32 to vector<32x512xf32>
      %mul3A_925 = arith.mulf %mul3A_924, %slice3A_898 : vector<32x512xf32>
      %tanh3A_926 = math.tanh %mul3A_925 : vector<32x512xf32>
      %mul3A_927 = arith.constant 5.000000e-01 : f32
      %mul3A_928 = vector.broadcast %mul3A_927 : f32 to vector<32x512xf32>
      %mul3A_929 = arith.mulf %mul3A_928, %tanh3A_926 : vector<32x512xf32>
      %add3A_930 = arith.constant 5.000000e-01 : f32
      %add3A_931 = vector.broadcast %add3A_930 : f32 to vector<32x512xf32>
      %add3A_932 = arith.addf %mul3A_929, %add3A_931 : vector<32x512xf32>
      %tanh3A_933 = math.tanh %add3A_922 : vector<32x512xf32>
      %mul3A_934 = arith.mulf %add3A_932, %tanh3A_933 : vector<32x512xf32>
      %convert_element_type3A_935 = arith.truncf %mul3A_934 : vector<32x512xf32> to vector<32x512xbf16>
      %mul3A_936 = arith.constant 32 : i32
      %mul3A_937 = arith.muli %scan3A_881, %mul3A_936 : i32
      %add3A_938 = arith.addi %mul3A_1, %mul3A_937 : i32
      %swap3A_939 = arith.index_cast %add3A_938 : i32 to index
      %swap3A_940 = arith.constant 0 : index
      %swap3A_941 = vector.load %arg11[%swap3A_939, %swap3A_940] : memref<4096x512xbf16, #tpu.memory_space<vmem>>, vector<32x512xbf16>
      tpu.vector_store %arg11[%swap3A_939, %swap3A_940], %convert_element_type3A_935 {strides = array<i32>} : memref<4096x512xbf16, #tpu.memory_space<vmem>>, vector<32x512xbf16>,
      %scan3A_942 = arith.constant 14 : i32
      %scan3A_943 = arith.addi %scan3A_75, %scan3A_942 : i32
      %mul3A_944 = arith.constant 32 : i32
      %mul3A_945 = arith.muli %scan3A_943, %mul3A_944 : i32
      %get3A_946 = arith.index_cast %mul3A_945 : i32 to index
      %get3A_947 = arith.constant 0 : index
      %get3A_948 = vector.load %arg10[%get3A_946, %get3A_947] : memref<4096x2048xbf16, #tpu.memory_space<vmem>>, vector<32x2048xbf16>
      %get3A_949 = arith.constant 0 : index
      %get3A_950 = arith.constant 0 : index
      %get3A_951 = vector.load %arg2[%get3A_949, %get3A_950] : memref<512x2048xbf16, #tpu.memory_space<vmem>>, vector<512x2048xbf16>
      %convert_element_type3A_952 = arith.truncf %mul3A_934 : vector<32x512xf32> to vector<32x512xbf16>
      %dot_general3A_953 = arith.constant dense<0.000000e+00> : vector<32x2048xf32>
      %dot_general3A_954 = tpu.matmul %convert_element_type3A_952, %get3A_951, %dot_general3A_953 {dimension_numbers = #tpu.dot_dimension_numbers<[1], [0], [0], [1], [0, 0, 1, 1], [], []>, transpose_lhs_hint = false} : vector<32x512xbf16>, vector<512x2048xbf16>, vector<32x2048xf32> -> vector<32x2048xf32>
      %convert_element_type3A_955 = arith.extf %get3A_948 : vector<32x2048xbf16> to vector<32x2048xf32>
      %add3A_956 = arith.addf %convert_element_type3A_955, %dot_general3A_954 : vector<32x2048xf32>
      %slice3A_957 = vector.extract_strided_slice %add3A_956 {offsets = [0, 0], sizes = [32, 512], strides = [1, 1]} : vector<32x2048xf32> to vector<32x512xf32>
      %slice3A_958 = vector.extract_strided_slice %add3A_956 {offsets = [0, 512], sizes = [32, 512], strides = [1, 1]} : vector<32x2048xf32> to vector<32x512xf32>
      %slice3A_959 = vector.extract_strided_slice %add3A_956 {offsets = [0, 1024], sizes = [32, 512], strides = [1, 1]} : vector<32x2048xf32> to vector<32x512xf32>
      %slice3A_960 = vector.extract_strided_slice %add3A_956 {offsets = [0, 1536], sizes = [32, 512], strides = [1, 1]} : vector<32x2048xf32> to vector<32x512xf32>
      %mul3A_961 = arith.constant 5.000000e-01 : f32
      %mul3A_962 = vector.broadcast %mul3A_961 : f32 to vector<32x512xf32>
      %mul3A_963 = arith.mulf %mul3A_962, %slice3A_958 : vector<32x512xf32>
      %tanh3A_964 = math.tanh %mul3A_963 : vector<32x512xf32>
      %mul3A_965 = arith.constant 5.000000e-01 : f32
      %mul3A_966 = vector.broadcast %mul3A_965 : f32 to vector<32x512xf32>
      %mul3A_967 = arith.mulf %mul3A_966, %tanh3A_964 : vector<32x512xf32>
      %add3A_968 = arith.constant 5.000000e-01 : f32
      %add3A_969 = vector.broadcast %add3A_968 : f32 to vector<32x512xf32>
      %add3A_970 = arith.addf %mul3A_967, %add3A_969 : vector<32x512xf32>
      %mul3A_971 = arith.mulf %add3A_970, %add3A_922 : vector<32x512xf32>
      %mul3A_972 = arith.constant 5.000000e-01 : f32
      %mul3A_973 = vector.broadcast %mul3A_972 : f32 to vector<32x512xf32>
      %mul3A_974 = arith.mulf %mul3A_973, %slice3A_957 : vector<32x512xf32>
      %tanh3A_975 = math.tanh %mul3A_974 : vector<32x512xf32>
      %mul3A_976 = arith.constant 5.000000e-01 : f32
      %mul3A_977 = vector.broadcast %mul3A_976 : f32 to vector<32x512xf32>
      %mul3A_978 = arith.mulf %mul3A_977, %tanh3A_975 : vector<32x512xf32>
      %add3A_979 = arith.constant 5.000000e-01 : f32
      %add3A_980 = vector.broadcast %add3A_979 : f32 to vector<32x512xf32>
      %add3A_981 = arith.addf %mul3A_978, %add3A_980 : vector<32x512xf32>
      %tanh3A_982 = math.tanh %slice3A_959 : vector<32x512xf32>
      %mul3A_983 = arith.mulf %add3A_981, %tanh3A_982 : vector<32x512xf32>
      %add3A_984 = arith.addf %mul3A_971, %mul3A_983 : vector<32x512xf32>
      %mul3A_985 = arith.constant 5.000000e-01 : f32
      %mul3A_986 = vector.broadcast %mul3A_985 : f32 to vector<32x512xf32>
      %mul3A_987 = arith.mulf %mul3A_986, %slice3A_960 : vector<32x512xf32>
      %tanh3A_988 = math.tanh %mul3A_987 : vector<32x512xf32>
      %mul3A_989 = arith.constant 5.000000e-01 : f32
      %mul3A_990 = vector.broadcast %mul3A_989 : f32 to vector<32x512xf32>
      %mul3A_991 = arith.mulf %mul3A_990, %tanh3A_988 : vector<32x512xf32>
      %add3A_992 = arith.constant 5.000000e-01 : f32
      %add3A_993 = vector.broadcast %add3A_992 : f32 to vector<32x512xf32>
      %add3A_994 = arith.addf %mul3A_991, %add3A_993 : vector<32x512xf32>
      %tanh3A_995 = math.tanh %add3A_984 : vector<32x512xf32>
      %mul3A_996 = arith.mulf %add3A_994, %tanh3A_995 : vector<32x512xf32>
      %convert_element_type3A_997 = arith.truncf %mul3A_996 : vector<32x512xf32> to vector<32x512xbf16>
      %mul3A_998 = arith.constant 32 : i32
      %mul3A_999 = arith.muli %scan3A_943, %mul3A_998 : i32
      %add3A_1000 = arith.addi %mul3A_1, %mul3A_999 : i32
      %swap3A_1001 = arith.index_cast %add3A_1000 : i32 to index
      %swap3A_1002 = arith.constant 0 : index
      %swap3A_1003 = vector.load %arg11[%swap3A_1001, %swap3A_1002] : memref<4096x512xbf16, #tpu.memory_space<vmem>>, vector<32x512xbf16>
      tpu.vector_store %arg11[%swap3A_1001, %swap3A_1002], %convert_element_type3A_997 {strides = array<i32>} : memref<4096x512xbf16, #tpu.memory_space<vmem>>, vector<32x512xbf16>,
      %scan3A_1004 = arith.constant 15 : i32
      %scan3A_1005 = arith.addi %scan3A_75, %scan3A_1004 : i32
      %mul3A_1006 = arith.constant 32 : i32
      %mul3A_1007 = arith.muli %scan3A_1005, %mul3A_1006 : i32
      %get3A_1008 = arith.index_cast %mul3A_1007 : i32 to index
      %get3A_1009 = arith.constant 0 : index
      %get3A_1010 = vector.load %arg10[%get3A_1008, %get3A_1009] : memref<4096x2048xbf16, #tpu.memory_space<vmem>>, vector<32x2048xbf16>
      %get3A_1011 = arith.constant 0 : index
      %get3A_1012 = arith.constant 0 : index
      %get3A_1013 = vector.load %arg2[%get3A_1011, %get3A_1012] : memref<512x2048xbf16, #tpu.memory_space<vmem>>, vector<512x2048xbf16>
      %convert_element_type3A_1014 = arith.truncf %mul3A_996 : vector<32x512xf32> to vector<32x512xbf16>
      %dot_general3A_1015 = arith.constant dense<0.000000e+00> : vector<32x2048xf32>
      %dot_general3A_1016 = tpu.matmul %convert_element_type3A_1014, %get3A_1013, %dot_general3A_1015 {dimension_numbers = #tpu.dot_dimension_numbers<[1], [0], [0], [1], [0, 0, 1, 1], [], []>, transpose_lhs_hint = false} : vector<32x512xbf16>, vector<512x2048xbf16>, vector<32x2048xf32> -> vector<32x2048xf32>
      %convert_element_type3A_1017 = arith.extf %get3A_1010 : vector<32x2048xbf16> to vector<32x2048xf32>
      %add3A_1018 = arith.addf %convert_element_type3A_1017, %dot_general3A_1016 : vector<32x2048xf32>
      %slice3A_1019 = vector.extract_strided_slice %add3A_1018 {offsets = [0, 0], sizes = [32, 512], strides = [1, 1]} : vector<32x2048xf32> to vector<32x512xf32>
      %slice3A_1020 = vector.extract_strided_slice %add3A_1018 {offsets = [0, 512], sizes = [32, 512], strides = [1, 1]} : vector<32x2048xf32> to vector<32x512xf32>
      %slice3A_1021 = vector.extract_strided_slice %add3A_1018 {offsets = [0, 1024], sizes = [32, 512], strides = [1, 1]} : vector<32x2048xf32> to vector<32x512xf32>
      %slice3A_1022 = vector.extract_strided_slice %add3A_1018 {offsets = [0, 1536], sizes = [32, 512], strides = [1, 1]} : vector<32x2048xf32> to vector<32x512xf32>
      %mul3A_1023 = arith.constant 5.000000e-01 : f32
      %mul3A_1024 = vector.broadcast %mul3A_1023 : f32 to vector<32x512xf32>
      %mul3A_1025 = arith.mulf %mul3A_1024, %slice3A_1020 : vector<32x512xf32>
      %tanh3A_1026 = math.tanh %mul3A_1025 : vector<32x512xf32>
      %mul3A_1027 = arith.constant 5.000000e-01 : f32
      %mul3A_1028 = vector.broadcast %mul3A_1027 : f32 to vector<32x512xf32>
      %mul3A_1029 = arith.mulf %mul3A_1028, %tanh3A_1026 : vector<32x512xf32>
      %add3A_1030 = arith.constant 5.000000e-01 : f32
      %add3A_1031 = vector.broadcast %add3A_1030 : f32 to vector<32x512xf32>
      %add3A_1032 = arith.addf %mul3A_1029, %add3A_1031 : vector<32x512xf32>
      %mul3A_1033 = arith.mulf %add3A_1032, %add3A_984 : vector<32x512xf32>
      %mul3A_1034 = arith.constant 5.000000e-01 : f32
      %mul3A_1035 = vector.broadcast %mul3A_1034 : f32 to vector<32x512xf32>
      %mul3A_1036 = arith.mulf %mul3A_1035, %slice3A_1019 : vector<32x512xf32>
      %tanh3A_1037 = math.tanh %mul3A_1036 : vector<32x512xf32>
      %mul3A_1038 = arith.constant 5.000000e-01 : f32
      %mul3A_1039 = vector.broadcast %mul3A_1038 : f32 to vector<32x512xf32>
      %mul3A_1040 = arith.mulf %mul3A_1039, %tanh3A_1037 : vector<32x512xf32>
      %add3A_1041 = arith.constant 5.000000e-01 : f32
      %add3A_1042 = vector.broadcast %add3A_1041 : f32 to vector<32x512xf32>
      %add3A_1043 = arith.addf %mul3A_1040, %add3A_1042 : vector<32x512xf32>
      %tanh3A_1044 = math.tanh %slice3A_1021 : vector<32x512xf32>
      %mul3A_1045 = arith.mulf %add3A_1043, %tanh3A_1044 : vector<32x512xf32>
      %add3A_1046 = arith.addf %mul3A_1033, %mul3A_1045 : vector<32x512xf32>
      %mul3A_1047 = arith.constant 5.000000e-01 : f32
      %mul3A_1048 = vector.broadcast %mul3A_1047 : f32 to vector<32x512xf32>
      %mul3A_1049 = arith.mulf %mul3A_1048, %slice3A_1022 : vector<32x512xf32>
      %tanh3A_1050 = math.tanh %mul3A_1049 : vector<32x512xf32>
      %mul3A_1051 = arith.constant 5.000000e-01 : f32
      %mul3A_1052 = vector.broadcast %mul3A_1051 : f32 to vector<32x512xf32>
      %mul3A_1053 = arith.mulf %mul3A_1052, %tanh3A_1050 : vector<32x512xf32>
      %add3A_1054 = arith.constant 5.000000e-01 : f32
      %add3A_1055 = vector.broadcast %add3A_1054 : f32 to vector<32x512xf32>
      %add3A_1056 = arith.addf %mul3A_1053, %add3A_1055 : vector<32x512xf32>
      %tanh3A_1057 = math.tanh %add3A_1046 : vector<32x512xf32>
      %mul3A_1058 = arith.mulf %add3A_1056, %tanh3A_1057 : vector<32x512xf32>
      %convert_element_type3A_1059 = arith.truncf %mul3A_1058 : vector<32x512xf32> to vector<32x512xbf16>
      %mul3A_1060 = arith.constant 32 : i32
      %mul3A_1061 = arith.muli %scan3A_1005, %mul3A_1060 : i32
      %add3A_1062 = arith.addi %mul3A_1, %mul3A_1061 : i32
      %swap3A_1063 = arith.index_cast %add3A_1062 : i32 to index
      %swap3A_1064 = arith.constant 0 : index
      %swap3A_1065 = vector.load %arg11[%swap3A_1063, %swap3A_1064] : memref<4096x512xbf16, #tpu.memory_space<vmem>>, vector<32x512xbf16>
      tpu.vector_store %arg11[%swap3A_1063, %swap3A_1064], %convert_element_type3A_1059 {strides = array<i32>} : memref<4096x512xbf16, #tpu.memory_space<vmem>>, vector<32x512xbf16>,
      scf.yield %mul3A_1058, %add3A_1046 : vector<32x512xf32>, vector<32x512xf32>
    }
    %scan3A_20 = arith.constant 128 : i32
    %scan3A_21 = arith.constant 1 : i32
    %swap3A_22 = arith.constant 0 : index
    %swap3A_23 = arith.constant 0 : index
    %swap3A_24 = arith.constant 0 : index
    %swap3A_25 = vector.load %arg8[%swap3A_22, %swap3A_23, %swap3A_24] : memref<2x32x512xf32, #tpu.memory_space<vmem>>, vector<1x32x512xf32>
    %swap3A_26 = vector.shape_cast %swap3A_25 : vector<1x32x512xf32> to vector<32x512xf32>
    %swap3A_27 = vector.shape_cast %scan3A_19#0 : vector<32x512xf32> to vector<1x32x512xf32>
    tpu.vector_store %arg8[%swap3A_22, %swap3A_23, %swap3A_24], %swap3A_27 {strides = array<i32>} : memref<2x32x512xf32, #tpu.memory_space<vmem>>, vector<1x32x512xf32>,
    %swap3A_28 = arith.constant 0 : index
    %swap3A_29 = arith.constant 0 : index
    %swap3A_30 = arith.constant 0 : index
    %swap3A_31 = vector.load %arg9[%swap3A_28, %swap3A_29, %swap3A_30] : memref<2x32x512xf32, #tpu.memory_space<vmem>>, vector<1x32x512xf32>
    %swap3A_32 = vector.shape_cast %swap3A_31 : vector<1x32x512xf32> to vector<32x512xf32>
    %swap3A_33 = vector.shape_cast %scan3A_19#1 : vector<32x512xf32> to vector<1x32x512xf32>
    tpu.vector_store %arg9[%swap3A_28, %swap3A_29, %swap3A_30], %swap3A_33 {strides = array<i32>} : memref<2x32x512xf32, #tpu.memory_space<vmem>>, vector<1x32x512xf32>,
    %broadcast_in_dim3A_34 = arith.constant 0.000000e+00 : f32
    %broadcast_in_dim3A_35 = vector.broadcast %broadcast_in_dim3A_34 : f32 to vector<32x512xf32>
    %scan3A_36 = arith.constant 0 : i32
    %mul3A_37 = arith.constant 4096 : i32
    %mul3A_38 = arith.muli %scan3A_36, %mul3A_37 : i32
    %get3A_39 = arith.index_cast %mul3A_38 : i32 to index
    %get3A_40 = arith.constant 0 : index
    %get3A_41 = vector.load %arg11[%get3A_39, %get3A_40] : memref<4096x512xbf16, #tpu.memory_space<vmem>>, vector<4096x512xbf16>
    %get3A_42 = arith.constant 0 : index
    %get3A_43 = arith.constant 0 : index
    %get3A_44 = vector.load %arg4[%get3A_42, %get3A_43] : memref<512x2048xbf16, #tpu.memory_space<vmem>>, vector<512x2048xbf16>
    %dot_general3A_45 = arith.constant dense<0.000000e+00> : vector<4096x2048xf32>
    %dot_general3A_46 = tpu.matmul %get3A_41, %get3A_44, %dot_general3A_45 {dimension_numbers = #tpu.dot_dimension_numbers<[1], [0], [0], [1], [0, 0, 1, 1], [], []>, transpose_lhs_hint = false} : vector<4096x512xbf16>, vector<512x2048xbf16>, vector<4096x2048xf32> -> vector<4096x2048xf32>
    %get3A_47 = arith.constant 0 : index
    %get3A_48 = arith.constant 0 : index
    %get3A_49 = vector.load %arg6[%get3A_47, %get3A_48] : memref<1x2048xf32, #tpu.memory_space<vmem>>, vector<1x2048xf32>
    %add3A_50 = vector.broadcast %get3A_49 : vector<1x2048xf32> to vector<4096x2048xf32>
    %add3A_51 = arith.addf %dot_general3A_46, %add3A_50 : vector<4096x2048xf32>
    %convert_element_type3A_52 = arith.truncf %add3A_51 : vector<4096x2048xf32> to vector<4096x2048xbf16>
    %swap3A_53 = arith.constant 0 : index
    %swap3A_54 = arith.constant 0 : index
    %swap3A_55 = vector.load %arg10[%swap3A_53, %swap3A_54] : memref<4096x2048xbf16, #tpu.memory_space<vmem>>, vector<4096x2048xbf16>
    tpu.vector_store %arg10[%swap3A_53, %swap3A_54], %convert_element_type3A_52 {strides = array<i32>} : memref<4096x2048xbf16, #tpu.memory_space<vmem>>, vector<4096x2048xbf16>,
    %scan3A_56 = arith.constant 0 : i32
    %scan3A_57 = arith.constant 128 : i32
    %scan3A_58 = arith.addi %scan3A_56, %scan3A_57 : i32
    %scan3A_59 = arith.constant 16 : i32
    %scan3A_60:2 = scf.for %scan3A_75 = %scan3A_56 to %scan3A_58 step %scan3A_59 iter_args(%scan3A_76 = %broadcast_in_dim3A_35, %scan3A_77 = %broadcast_in_dim3A_35) -> (vector<32x512xf32>, vector<32x512xf32>)  : i32 {
      %mul3A_78 = arith.constant 32 : i32
      %mul3A_79 = arith.muli %scan3A_75, %mul3A_78 : i32
      %get3A_80 = arith.index_cast %mul3A_79 : i32 to index
      %get3A_81 = arith.constant 0 : index
      %get3A_82 = vector.load %arg10[%get3A_80, %get3A_81] : memref<4096x2048xbf16, #tpu.memory_space<vmem>>, vector<32x2048xbf16>
      %get3A_83 = arith.constant 0 : index
      %get3A_84 = arith.constant 0 : index
      %get3A_85 = vector.load %arg5[%get3A_83, %get3A_84] : memref<512x2048xbf16, #tpu.memory_space<vmem>>, vector<512x2048xbf16>
      %convert_element_type3A_86 = arith.truncf %scan3A_76 : vector<32x512xf32> to vector<32x512xbf16>
      %dot_general3A_87 = arith.constant dense<0.000000e+00> : vector<32x2048xf32>
      %dot_general3A_88 = tpu.matmul %convert_element_type3A_86, %get3A_85, %dot_general3A_87 {dimension_numbers = #tpu.dot_dimension_numbers<[1], [0], [0], [1], [0, 0, 1, 1], [], []>, transpose_lhs_hint = false} : vector<32x512xbf16>, vector<512x2048xbf16>, vector<32x2048xf32> -> vector<32x2048xf32>
      %convert_element_type3A_89 = arith.extf %get3A_82 : vector<32x2048xbf16> to vector<32x2048xf32>
      %add3A_90 = arith.addf %convert_element_type3A_89, %dot_general3A_88 : vector<32x2048xf32>
      %slice3A = vector.extract_strided_slice %add3A_90 {offsets = [0, 0], sizes = [32, 512], strides = [1, 1]} : vector<32x2048xf32> to vector<32x512xf32>
      %slice3A_91 = vector.extract_strided_slice %add3A_90 {offsets = [0, 512], sizes = [32, 512], strides = [1, 1]} : vector<32x2048xf32> to vector<32x512xf32>
      %slice3A_92 = vector.extract_strided_slice %add3A_90 {offsets = [0, 1024], sizes = [32, 512], strides = [1, 1]} : vector<32x2048xf32> to vector<32x512xf32>
      %slice3A_93 = vector.extract_strided_slice %add3A_90 {offsets = [0, 1536], sizes = [32, 512], strides = [1, 1]} : vector<32x2048xf32> to vector<32x512xf32>
      %mul3A_94 = arith.constant 5.000000e-01 : f32
      %mul3A_95 = vector.broadcast %mul3A_94 : f32 to vector<32x512xf32>
      %mul3A_96 = arith.mulf %mul3A_95, %slice3A_91 : vector<32x512xf32>
      %tanh3A = math.tanh %mul3A_96 : vector<32x512xf32>
      %mul3A_97 = arith.constant 5.000000e-01 : f32
      %mul3A_98 = vector.broadcast %mul3A_97 : f32 to vector<32x512xf32>
      %mul3A_99 = arith.mulf %mul3A_98, %tanh3A : vector<32x512xf32>
      %add3A_100 = arith.constant 5.000000e-01 : f32
      %add3A_101 = vector.broadcast %add3A_100 : f32 to vector<32x512xf32>
      %add3A_102 = arith.addf %mul3A_99, %add3A_101 : vector<32x512xf32>
      %mul3A_103 = arith.mulf %add3A_102, %scan3A_77 : vector<32x512xf32>
      %mul3A_104 = arith.constant 5.000000e-01 : f32
      %mul3A_105 = vector.broadcast %mul3A_104 : f32 to vector<32x512xf32>
      %mul3A_106 = arith.mulf %mul3A_105, %slice3A : vector<32x512xf32>
      %tanh3A_107 = math.tanh %mul3A_106 : vector<32x512xf32>
      %mul3A_108 = arith.constant 5.000000e-01 : f32
      %mul3A_109 = vector.broadcast %mul3A_108 : f32 to vector<32x512xf32>
      %mul3A_110 = arith.mulf %mul3A_109, %tanh3A_107 : vector<32x512xf32>
      %add3A_111 = arith.constant 5.000000e-01 : f32
      %add3A_112 = vector.broadcast %add3A_111 : f32 to vector<32x512xf32>
      %add3A_113 = arith.addf %mul3A_110, %add3A_112 : vector<32x512xf32>
      %tanh3A_114 = math.tanh %slice3A_92 : vector<32x512xf32>
      %mul3A_115 = arith.mulf %add3A_113, %tanh3A_114 : vector<32x512xf32>
      %add3A_116 = arith.addf %mul3A_103, %mul3A_115 : vector<32x512xf32>
      %mul3A_117 = arith.constant 5.000000e-01 : f32
      %mul3A_118 = vector.broadcast %mul3A_117 : f32 to vector<32x512xf32>
      %mul3A_119 = arith.mulf %mul3A_118, %slice3A_93 : vector<32x512xf32>
      %tanh3A_120 = math.tanh %mul3A_119 : vector<32x512xf32>
      %mul3A_121 = arith.constant 5.000000e-01 : f32
      %mul3A_122 = vector.broadcast %mul3A_121 : f32 to vector<32x512xf32>
      %mul3A_123 = arith.mulf %mul3A_122, %tanh3A_120 : vector<32x512xf32>
      %add3A_124 = arith.constant 5.000000e-01 : f32
      %add3A_125 = vector.broadcast %add3A_124 : f32 to vector<32x512xf32>
      %add3A_126 = arith.addf %mul3A_123, %add3A_125 : vector<32x512xf32>
      %tanh3A_127 = math.tanh %add3A_116 : vector<32x512xf32>
      %mul3A_128 = arith.mulf %add3A_126, %tanh3A_127 : vector<32x512xf32>
      %convert_element_type3A_129 = arith.truncf %mul3A_128 : vector<32x512xf32> to vector<32x512xbf16>
      %mul3A_130 = arith.constant 32 : i32
      %mul3A_131 = arith.muli %scan3A_75, %mul3A_130 : i32
      %add3A_132 = arith.addi %mul3A_38, %mul3A_131 : i32
      %swap3A_133 = arith.index_cast %add3A_132 : i32 to index
      %swap3A_134 = arith.constant 0 : index
      %swap3A_135 = vector.load %arg7[%swap3A_133, %swap3A_134] : memref<4096x512xbf16, #tpu.memory_space<vmem>>, vector<32x512xbf16>
      tpu.vector_store %arg7[%swap3A_133, %swap3A_134], %convert_element_type3A_129 {strides = array<i32>} : memref<4096x512xbf16, #tpu.memory_space<vmem>>, vector<32x512xbf16>,
      %scan3A_136 = arith.constant 1 : i32
      %scan3A_137 = arith.addi %scan3A_75, %scan3A_136 : i32
      %mul3A_138 = arith.constant 32 : i32
      %mul3A_139 = arith.muli %scan3A_137, %mul3A_138 : i32
      %get3A_140 = arith.index_cast %mul3A_139 : i32 to index
      %get3A_141 = arith.constant 0 : index
      %get3A_142 = vector.load %arg10[%get3A_140, %get3A_141] : memref<4096x2048xbf16, #tpu.memory_space<vmem>>, vector<32x2048xbf16>
      %get3A_143 = arith.constant 0 : index
      %get3A_144 = arith.constant 0 : index
      %get3A_145 = vector.load %arg5[%get3A_143, %get3A_144] : memref<512x2048xbf16, #tpu.memory_space<vmem>>, vector<512x2048xbf16>
      %convert_element_type3A_146 = arith.truncf %mul3A_128 : vector<32x512xf32> to vector<32x512xbf16>
      %dot_general3A_147 = arith.constant dense<0.000000e+00> : vector<32x2048xf32>
      %dot_general3A_148 = tpu.matmul %convert_element_type3A_146, %get3A_145, %dot_general3A_147 {dimension_numbers = #tpu.dot_dimension_numbers<[1], [0], [0], [1], [0, 0, 1, 1], [], []>, transpose_lhs_hint = false} : vector<32x512xbf16>, vector<512x2048xbf16>, vector<32x2048xf32> -> vector<32x2048xf32>
      %convert_element_type3A_149 = arith.extf %get3A_142 : vector<32x2048xbf16> to vector<32x2048xf32>
      %add3A_150 = arith.addf %convert_element_type3A_149, %dot_general3A_148 : vector<32x2048xf32>
      %slice3A_151 = vector.extract_strided_slice %add3A_150 {offsets = [0, 0], sizes = [32, 512], strides = [1, 1]} : vector<32x2048xf32> to vector<32x512xf32>
      %slice3A_152 = vector.extract_strided_slice %add3A_150 {offsets = [0, 512], sizes = [32, 512], strides = [1, 1]} : vector<32x2048xf32> to vector<32x512xf32>
      %slice3A_153 = vector.extract_strided_slice %add3A_150 {offsets = [0, 1024], sizes = [32, 512], strides = [1, 1]} : vector<32x2048xf32> to vector<32x512xf32>
      %slice3A_154 = vector.extract_strided_slice %add3A_150 {offsets = [0, 1536], sizes = [32, 512], strides = [1, 1]} : vector<32x2048xf32> to vector<32x512xf32>
      %mul3A_155 = arith.constant 5.000000e-01 : f32
      %mul3A_156 = vector.broadcast %mul3A_155 : f32 to vector<32x512xf32>
      %mul3A_157 = arith.mulf %mul3A_156, %slice3A_152 : vector<32x512xf32>
      %tanh3A_158 = math.tanh %mul3A_157 : vector<32x512xf32>
      %mul3A_159 = arith.constant 5.000000e-01 : f32
      %mul3A_160 = vector.broadcast %mul3A_159 : f32 to vector<32x512xf32>
      %mul3A_161 = arith.mulf %mul3A_160, %tanh3A_158 : vector<32x512xf32>
      %add3A_162 = arith.constant 5.000000e-01 : f32
      %add3A_163 = vector.broadcast %add3A_162 : f32 to vector<32x512xf32>
      %add3A_164 = arith.addf %mul3A_161, %add3A_163 : vector<32x512xf32>
      %mul3A_165 = arith.mulf %add3A_164, %add3A_116 : vector<32x512xf32>
      %mul3A_166 = arith.constant 5.000000e-01 : f32
      %mul3A_167 = vector.broadcast %mul3A_166 : f32 to vector<32x512xf32>
      %mul3A_168 = arith.mulf %mul3A_167, %slice3A_151 : vector<32x512xf32>
      %tanh3A_169 = math.tanh %mul3A_168 : vector<32x512xf32>
      %mul3A_170 = arith.constant 5.000000e-01 : f32
      %mul3A_171 = vector.broadcast %mul3A_170 : f32 to vector<32x512xf32>
      %mul3A_172 = arith.mulf %mul3A_171, %tanh3A_169 : vector<32x512xf32>
      %add3A_173 = arith.constant 5.000000e-01 : f32
      %add3A_174 = vector.broadcast %add3A_173 : f32 to vector<32x512xf32>
      %add3A_175 = arith.addf %mul3A_172, %add3A_174 : vector<32x512xf32>
      %tanh3A_176 = math.tanh %slice3A_153 : vector<32x512xf32>
      %mul3A_177 = arith.mulf %add3A_175, %tanh3A_176 : vector<32x512xf32>
      %add3A_178 = arith.addf %mul3A_165, %mul3A_177 : vector<32x512xf32>
      %mul3A_179 = arith.constant 5.000000e-01 : f32
      %mul3A_180 = vector.broadcast %mul3A_179 : f32 to vector<32x512xf32>
      %mul3A_181 = arith.mulf %mul3A_180, %slice3A_154 : vector<32x512xf32>
      %tanh3A_182 = math.tanh %mul3A_181 : vector<32x512xf32>
      %mul3A_183 = arith.constant 5.000000e-01 : f32
      %mul3A_184 = vector.broadcast %mul3A_183 : f32 to vector<32x512xf32>
      %mul3A_185 = arith.mulf %mul3A_184, %tanh3A_182 : vector<32x512xf32>
      %add3A_186 = arith.constant 5.000000e-01 : f32
      %add3A_187 = vector.broadcast %add3A_186 : f32 to vector<32x512xf32>
      %add3A_188 = arith.addf %mul3A_185, %add3A_187 : vector<32x512xf32>
      %tanh3A_189 = math.tanh %add3A_178 : vector<32x512xf32>
      %mul3A_190 = arith.mulf %add3A_188, %tanh3A_189 : vector<32x512xf32>
      %convert_element_type3A_191 = arith.truncf %mul3A_190 : vector<32x512xf32> to vector<32x512xbf16>
      %mul3A_192 = arith.constant 32 : i32
      %mul3A_193 = arith.muli %scan3A_137, %mul3A_192 : i32
      %add3A_194 = arith.addi %mul3A_38, %mul3A_193 : i32
      %swap3A_195 = arith.index_cast %add3A_194 : i32 to index
      %swap3A_196 = arith.constant 0 : index
      %swap3A_197 = vector.load %arg7[%swap3A_195, %swap3A_196] : memref<4096x512xbf16, #tpu.memory_space<vmem>>, vector<32x512xbf16>
      tpu.vector_store %arg7[%swap3A_195, %swap3A_196], %convert_element_type3A_191 {strides = array<i32>} : memref<4096x512xbf16, #tpu.memory_space<vmem>>, vector<32x512xbf16>,
      %scan3A_198 = arith.constant 2 : i32
      %scan3A_199 = arith.addi %scan3A_75, %scan3A_198 : i32
      %mul3A_200 = arith.constant 32 : i32
      %mul3A_201 = arith.muli %scan3A_199, %mul3A_200 : i32
      %get3A_202 = arith.index_cast %mul3A_201 : i32 to index
      %get3A_203 = arith.constant 0 : index
      %get3A_204 = vector.load %arg10[%get3A_202, %get3A_203] : memref<4096x2048xbf16, #tpu.memory_space<vmem>>, vector<32x2048xbf16>
      %get3A_205 = arith.constant 0 : index
      %get3A_206 = arith.constant 0 : index
      %get3A_207 = vector.load %arg5[%get3A_205, %get3A_206] : memref<512x2048xbf16, #tpu.memory_space<vmem>>, vector<512x2048xbf16>
      %convert_element_type3A_208 = arith.truncf %mul3A_190 : vector<32x512xf32> to vector<32x512xbf16>
      %dot_general3A_209 = arith.constant dense<0.000000e+00> : vector<32x2048xf32>
      %dot_general3A_210 = tpu.matmul %convert_element_type3A_208, %get3A_207, %dot_general3A_209 {dimension_numbers = #tpu.dot_dimension_numbers<[1], [0], [0], [1], [0, 0, 1, 1], [], []>, transpose_lhs_hint = false} : vector<32x512xbf16>, vector<512x2048xbf16>, vector<32x2048xf32> -> vector<32x2048xf32>
      %convert_element_type3A_211 = arith.extf %get3A_204 : vector<32x2048xbf16> to vector<32x2048xf32>
      %add3A_212 = arith.addf %convert_element_type3A_211, %dot_general3A_210 : vector<32x2048xf32>
      %slice3A_213 = vector.extract_strided_slice %add3A_212 {offsets = [0, 0], sizes = [32, 512], strides = [1, 1]} : vector<32x2048xf32> to vector<32x512xf32>
      %slice3A_214 = vector.extract_strided_slice %add3A_212 {offsets = [0, 512], sizes = [32, 512], strides = [1, 1]} : vector<32x2048xf32> to vector<32x512xf32>
      %slice3A_215 = vector.extract_strided_slice %add3A_212 {offsets = [0, 1024], sizes = [32, 512], strides = [1, 1]} : vector<32x2048xf32> to vector<32x512xf32>
      %slice3A_216 = vector.extract_strided_slice %add3A_212 {offsets = [0, 1536], sizes = [32, 512], strides = [1, 1]} : vector<32x2048xf32> to vector<32x512xf32>
      %mul3A_217 = arith.constant 5.000000e-01 : f32
      %mul3A_218 = vector.broadcast %mul3A_217 : f32 to vector<32x512xf32>
      %mul3A_219 = arith.mulf %mul3A_218, %slice3A_214 : vector<32x512xf32>
      %tanh3A_220 = math.tanh %mul3A_219 : vector<32x512xf32>
      %mul3A_221 = arith.constant 5.000000e-01 : f32
      %mul3A_222 = vector.broadcast %mul3A_221 : f32 to vector<32x512xf32>
      %mul3A_223 = arith.mulf %mul3A_222, %tanh3A_220 : vector<32x512xf32>
      %add3A_224 = arith.constant 5.000000e-01 : f32
      %add3A_225 = vector.broadcast %add3A_224 : f32 to vector<32x512xf32>
      %add3A_226 = arith.addf %mul3A_223, %add3A_225 : vector<32x512xf32>
      %mul3A_227 = arith.mulf %add3A_226, %add3A_178 : vector<32x512xf32>
      %mul3A_228 = arith.constant 5.000000e-01 : f32
      %mul3A_229 = vector.broadcast %mul3A_228 : f32 to vector<32x512xf32>
      %mul3A_230 = arith.mulf %mul3A_229, %slice3A_213 : vector<32x512xf32>
      %tanh3A_231 = math.tanh %mul3A_230 : vector<32x512xf32>
      %mul3A_232 = arith.constant 5.000000e-01 : f32
      %mul3A_233 = vector.broadcast %mul3A_232 : f32 to vector<32x512xf32>
      %mul3A_234 = arith.mulf %mul3A_233, %tanh3A_231 : vector<32x512xf32>
      %add3A_235 = arith.constant 5.000000e-01 : f32
      %add3A_236 = vector.broadcast %add3A_235 : f32 to vector<32x512xf32>
      %add3A_237 = arith.addf %mul3A_234, %add3A_236 : vector<32x512xf32>
      %tanh3A_238 = math.tanh %slice3A_215 : vector<32x512xf32>
      %mul3A_239 = arith.mulf %add3A_237, %tanh3A_238 : vector<32x512xf32>
      %add3A_240 = arith.addf %mul3A_227, %mul3A_239 : vector<32x512xf32>
      %mul3A_241 = arith.constant 5.000000e-01 : f32
      %mul3A_242 = vector.broadcast %mul3A_241 : f32 to vector<32x512xf32>
      %mul3A_243 = arith.mulf %mul3A_242, %slice3A_216 : vector<32x512xf32>
      %tanh3A_244 = math.tanh %mul3A_243 : vector<32x512xf32>
      %mul3A_245 = arith.constant 5.000000e-01 : f32
      %mul3A_246 = vector.broadcast %mul3A_245 : f32 to vector<32x512xf32>
      %mul3A_247 = arith.mulf %mul3A_246, %tanh3A_244 : vector<32x512xf32>
      %add3A_248 = arith.constant 5.000000e-01 : f32
      %add3A_249 = vector.broadcast %add3A_248 : f32 to vector<32x512xf32>
      %add3A_250 = arith.addf %mul3A_247, %add3A_249 : vector<32x512xf32>
      %tanh3A_251 = math.tanh %add3A_240 : vector<32x512xf32>
      %mul3A_252 = arith.mulf %add3A_250, %tanh3A_251 : vector<32x512xf32>
      %convert_element_type3A_253 = arith.truncf %mul3A_252 : vector<32x512xf32> to vector<32x512xbf16>
      %mul3A_254 = arith.constant 32 : i32
      %mul3A_255 = arith.muli %scan3A_199, %mul3A_254 : i32
      %add3A_256 = arith.addi %mul3A_38, %mul3A_255 : i32
      %swap3A_257 = arith.index_cast %add3A_256 : i32 to index
      %swap3A_258 = arith.constant 0 : index
      %swap3A_259 = vector.load %arg7[%swap3A_257, %swap3A_258] : memref<4096x512xbf16, #tpu.memory_space<vmem>>, vector<32x512xbf16>
      tpu.vector_store %arg7[%swap3A_257, %swap3A_258], %convert_element_type3A_253 {strides = array<i32>} : memref<4096x512xbf16, #tpu.memory_space<vmem>>, vector<32x512xbf16>,
      %scan3A_260 = arith.constant 3 : i32
      %scan3A_261 = arith.addi %scan3A_75, %scan3A_260 : i32
      %mul3A_262 = arith.constant 32 : i32
      %mul3A_263 = arith.muli %scan3A_261, %mul3A_262 : i32
      %get3A_264 = arith.index_cast %mul3A_263 : i32 to index
      %get3A_265 = arith.constant 0 : index
      %get3A_266 = vector.load %arg10[%get3A_264, %get3A_265] : memref<4096x2048xbf16, #tpu.memory_space<vmem>>, vector<32x2048xbf16>
      %get3A_267 = arith.constant 0 : index
      %get3A_268 = arith.constant 0 : index
      %get3A_269 = vector.load %arg5[%get3A_267, %get3A_268] : memref<512x2048xbf16, #tpu.memory_space<vmem>>, vector<512x2048xbf16>
      %convert_element_type3A_270 = arith.truncf %mul3A_252 : vector<32x512xf32> to vector<32x512xbf16>
      %dot_general3A_271 = arith.constant dense<0.000000e+00> : vector<32x2048xf32>
      %dot_general3A_272 = tpu.matmul %convert_element_type3A_270, %get3A_269, %dot_general3A_271 {dimension_numbers = #tpu.dot_dimension_numbers<[1], [0], [0], [1], [0, 0, 1, 1], [], []>, transpose_lhs_hint = false} : vector<32x512xbf16>, vector<512x2048xbf16>, vector<32x2048xf32> -> vector<32x2048xf32>
      %convert_element_type3A_273 = arith.extf %get3A_266 : vector<32x2048xbf16> to vector<32x2048xf32>
      %add3A_274 = arith.addf %convert_element_type3A_273, %dot_general3A_272 : vector<32x2048xf32>
      %slice3A_275 = vector.extract_strided_slice %add3A_274 {offsets = [0, 0], sizes = [32, 512], strides = [1, 1]} : vector<32x2048xf32> to vector<32x512xf32>
      %slice3A_276 = vector.extract_strided_slice %add3A_274 {offsets = [0, 512], sizes = [32, 512], strides = [1, 1]} : vector<32x2048xf32> to vector<32x512xf32>
      %slice3A_277 = vector.extract_strided_slice %add3A_274 {offsets = [0, 1024], sizes = [32, 512], strides = [1, 1]} : vector<32x2048xf32> to vector<32x512xf32>
      %slice3A_278 = vector.extract_strided_slice %add3A_274 {offsets = [0, 1536], sizes = [32, 512], strides = [1, 1]} : vector<32x2048xf32> to vector<32x512xf32>
      %mul3A_279 = arith.constant 5.000000e-01 : f32
      %mul3A_280 = vector.broadcast %mul3A_279 : f32 to vector<32x512xf32>
      %mul3A_281 = arith.mulf %mul3A_280, %slice3A_276 : vector<32x512xf32>
      %tanh3A_282 = math.tanh %mul3A_281 : vector<32x512xf32>
      %mul3A_283 = arith.constant 5.000000e-01 : f32
      %mul3A_284 = vector.broadcast %mul3A_283 : f32 to vector<32x512xf32>
      %mul3A_285 = arith.mulf %mul3A_284, %tanh3A_282 : vector<32x512xf32>
      %add3A_286 = arith.constant 5.000000e-01 : f32
      %add3A_287 = vector.broadcast %add3A_286 : f32 to vector<32x512xf32>
      %add3A_288 = arith.addf %mul3A_285, %add3A_287 : vector<32x512xf32>
      %mul3A_289 = arith.mulf %add3A_288, %add3A_240 : vector<32x512xf32>
      %mul3A_290 = arith.constant 5.000000e-01 : f32
      %mul3A_291 = vector.broadcast %mul3A_290 : f32 to vector<32x512xf32>
      %mul3A_292 = arith.mulf %mul3A_291, %slice3A_275 : vector<32x512xf32>
      %tanh3A_293 = math.tanh %mul3A_292 : vector<32x512xf32>
      %mul3A_294 = arith.constant 5.000000e-01 : f32
      %mul3A_295 = vector.broadcast %mul3A_294 : f32 to vector<32x512xf32>
      %mul3A_296 = arith.mulf %mul3A_295, %tanh3A_293 : vector<32x512xf32>
      %add3A_297 = arith.constant 5.000000e-01 : f32
      %add3A_298 = vector.broadcast %add3A_297 : f32 to vector<32x512xf32>
      %add3A_299 = arith.addf %mul3A_296, %add3A_298 : vector<32x512xf32>
      %tanh3A_300 = math.tanh %slice3A_277 : vector<32x512xf32>
      %mul3A_301 = arith.mulf %add3A_299, %tanh3A_300 : vector<32x512xf32>
      %add3A_302 = arith.addf %mul3A_289, %mul3A_301 : vector<32x512xf32>
      %mul3A_303 = arith.constant 5.000000e-01 : f32
      %mul3A_304 = vector.broadcast %mul3A_303 : f32 to vector<32x512xf32>
      %mul3A_305 = arith.mulf %mul3A_304, %slice3A_278 : vector<32x512xf32>
      %tanh3A_306 = math.tanh %mul3A_305 : vector<32x512xf32>
      %mul3A_307 = arith.constant 5.000000e-01 : f32
      %mul3A_308 = vector.broadcast %mul3A_307 : f32 to vector<32x512xf32>
      %mul3A_309 = arith.mulf %mul3A_308, %tanh3A_306 : vector<32x512xf32>
      %add3A_310 = arith.constant 5.000000e-01 : f32
      %add3A_311 = vector.broadcast %add3A_310 : f32 to vector<32x512xf32>
      %add3A_312 = arith.addf %mul3A_309, %add3A_311 : vector<32x512xf32>
      %tanh3A_313 = math.tanh %add3A_302 : vector<32x512xf32>
      %mul3A_314 = arith.mulf %add3A_312, %tanh3A_313 : vector<32x512xf32>
      %convert_element_type3A_315 = arith.truncf %mul3A_314 : vector<32x512xf32> to vector<32x512xbf16>
      %mul3A_316 = arith.constant 32 : i32
      %mul3A_317 = arith.muli %scan3A_261, %mul3A_316 : i32
      %add3A_318 = arith.addi %mul3A_38, %mul3A_317 : i32
      %swap3A_319 = arith.index_cast %add3A_318 : i32 to index
      %swap3A_320 = arith.constant 0 : index
      %swap3A_321 = vector.load %arg7[%swap3A_319, %swap3A_320] : memref<4096x512xbf16, #tpu.memory_space<vmem>>, vector<32x512xbf16>
      tpu.vector_store %arg7[%swap3A_319, %swap3A_320], %convert_element_type3A_315 {strides = array<i32>} : memref<4096x512xbf16, #tpu.memory_space<vmem>>, vector<32x512xbf16>,
      %scan3A_322 = arith.constant 4 : i32
      %scan3A_323 = arith.addi %scan3A_75, %scan3A_322 : i32
      %mul3A_324 = arith.constant 32 : i32
      %mul3A_325 = arith.muli %scan3A_323, %mul3A_324 : i32
      %get3A_326 = arith.index_cast %mul3A_325 : i32 to index
      %get3A_327 = arith.constant 0 : index
      %get3A_328 = vector.load %arg10[%get3A_326, %get3A_327] : memref<4096x2048xbf16, #tpu.memory_space<vmem>>, vector<32x2048xbf16>
      %get3A_329 = arith.constant 0 : index
      %get3A_330 = arith.constant 0 : index
      %get3A_331 = vector.load %arg5[%get3A_329, %get3A_330] : memref<512x2048xbf16, #tpu.memory_space<vmem>>, vector<512x2048xbf16>
      %convert_element_type3A_332 = arith.truncf %mul3A_314 : vector<32x512xf32> to vector<32x512xbf16>
      %dot_general3A_333 = arith.constant dense<0.000000e+00> : vector<32x2048xf32>
      %dot_general3A_334 = tpu.matmul %convert_element_type3A_332, %get3A_331, %dot_general3A_333 {dimension_numbers = #tpu.dot_dimension_numbers<[1], [0], [0], [1], [0, 0, 1, 1], [], []>, transpose_lhs_hint = false} : vector<32x512xbf16>, vector<512x2048xbf16>, vector<32x2048xf32> -> vector<32x2048xf32>
      %convert_element_type3A_335 = arith.extf %get3A_328 : vector<32x2048xbf16> to vector<32x2048xf32>
      %add3A_336 = arith.addf %convert_element_type3A_335, %dot_general3A_334 : vector<32x2048xf32>
      %slice3A_337 = vector.extract_strided_slice %add3A_336 {offsets = [0, 0], sizes = [32, 512], strides = [1, 1]} : vector<32x2048xf32> to vector<32x512xf32>
      %slice3A_338 = vector.extract_strided_slice %add3A_336 {offsets = [0, 512], sizes = [32, 512], strides = [1, 1]} : vector<32x2048xf32> to vector<32x512xf32>
      %slice3A_339 = vector.extract_strided_slice %add3A_336 {offsets = [0, 1024], sizes = [32, 512], strides = [1, 1]} : vector<32x2048xf32> to vector<32x512xf32>
      %slice3A_340 = vector.extract_strided_slice %add3A_336 {offsets = [0, 1536], sizes = [32, 512], strides = [1, 1]} : vector<32x2048xf32> to vector<32x512xf32>
      %mul3A_341 = arith.constant 5.000000e-01 : f32
      %mul3A_342 = vector.broadcast %mul3A_341 : f32 to vector<32x512xf32>
      %mul3A_343 = arith.mulf %mul3A_342, %slice3A_338 : vector<32x512xf32>
      %tanh3A_344 = math.tanh %mul3A_343 : vector<32x512xf32>
      %mul3A_345 = arith.constant 5.000000e-01 : f32
      %mul3A_346 = vector.broadcast %mul3A_345 : f32 to vector<32x512xf32>
      %mul3A_347 = arith.mulf %mul3A_346, %tanh3A_344 : vector<32x512xf32>
      %add3A_348 = arith.constant 5.000000e-01 : f32
      %add3A_349 = vector.broadcast %add3A_348 : f32 to vector<32x512xf32>
      %add3A_350 = arith.addf %mul3A_347, %add3A_349 : vector<32x512xf32>
      %mul3A_351 = arith.mulf %add3A_350, %add3A_302 : vector<32x512xf32>
      %mul3A_352 = arith.constant 5.000000e-01 : f32
      %mul3A_353 = vector.broadcast %mul3A_352 : f32 to vector<32x512xf32>
      %mul3A_354 = arith.mulf %mul3A_353, %slice3A_337 : vector<32x512xf32>
      %tanh3A_355 = math.tanh %mul3A_354 : vector<32x512xf32>
      %mul3A_356 = arith.constant 5.000000e-01 : f32
      %mul3A_357 = vector.broadcast %mul3A_356 : f32 to vector<32x512xf32>
      %mul3A_358 = arith.mulf %mul3A_357, %tanh3A_355 : vector<32x512xf32>
      %add3A_359 = arith.constant 5.000000e-01 : f32
      %add3A_360 = vector.broadcast %add3A_359 : f32 to vector<32x512xf32>
      %add3A_361 = arith.addf %mul3A_358, %add3A_360 : vector<32x512xf32>
      %tanh3A_362 = math.tanh %slice3A_339 : vector<32x512xf32>
      %mul3A_363 = arith.mulf %add3A_361, %tanh3A_362 : vector<32x512xf32>
      %add3A_364 = arith.addf %mul3A_351, %mul3A_363 : vector<32x512xf32>
      %mul3A_365 = arith.constant 5.000000e-01 : f32
      %mul3A_366 = vector.broadcast %mul3A_365 : f32 to vector<32x512xf32>
      %mul3A_367 = arith.mulf %mul3A_366, %slice3A_340 : vector<32x512xf32>
      %tanh3A_368 = math.tanh %mul3A_367 : vector<32x512xf32>
      %mul3A_369 = arith.constant 5.000000e-01 : f32
      %mul3A_370 = vector.broadcast %mul3A_369 : f32 to vector<32x512xf32>
      %mul3A_371 = arith.mulf %mul3A_370, %tanh3A_368 : vector<32x512xf32>
      %add3A_372 = arith.constant 5.000000e-01 : f32
      %add3A_373 = vector.broadcast %add3A_372 : f32 to vector<32x512xf32>
      %add3A_374 = arith.addf %mul3A_371, %add3A_373 : vector<32x512xf32>
      %tanh3A_375 = math.tanh %add3A_364 : vector<32x512xf32>
      %mul3A_376 = arith.mulf %add3A_374, %tanh3A_375 : vector<32x512xf32>
      %convert_element_type3A_377 = arith.truncf %mul3A_376 : vector<32x512xf32> to vector<32x512xbf16>
      %mul3A_378 = arith.constant 32 : i32
      %mul3A_379 = arith.muli %scan3A_323, %mul3A_378 : i32
      %add3A_380 = arith.addi %mul3A_38, %mul3A_379 : i32
      %swap3A_381 = arith.index_cast %add3A_380 : i32 to index
      %swap3A_382 = arith.constant 0 : index
      %swap3A_383 = vector.load %arg7[%swap3A_381, %swap3A_382] : memref<4096x512xbf16, #tpu.memory_space<vmem>>, vector<32x512xbf16>
      tpu.vector_store %arg7[%swap3A_381, %swap3A_382], %convert_element_type3A_377 {strides = array<i32>} : memref<4096x512xbf16, #tpu.memory_space<vmem>>, vector<32x512xbf16>,
      %scan3A_384 = arith.constant 5 : i32
      %scan3A_385 = arith.addi %scan3A_75, %scan3A_384 : i32
      %mul3A_386 = arith.constant 32 : i32
      %mul3A_387 = arith.muli %scan3A_385, %mul3A_386 : i32
      %get3A_388 = arith.index_cast %mul3A_387 : i32 to index
      %get3A_389 = arith.constant 0 : index
      %get3A_390 = vector.load %arg10[%get3A_388, %get3A_389] : memref<4096x2048xbf16, #tpu.memory_space<vmem>>, vector<32x2048xbf16>
      %get3A_391 = arith.constant 0 : index
      %get3A_392 = arith.constant 0 : index
      %get3A_393 = vector.load %arg5[%get3A_391, %get3A_392] : memref<512x2048xbf16, #tpu.memory_space<vmem>>, vector<512x2048xbf16>
      %convert_element_type3A_394 = arith.truncf %mul3A_376 : vector<32x512xf32> to vector<32x512xbf16>
      %dot_general3A_395 = arith.constant dense<0.000000e+00> : vector<32x2048xf32>
      %dot_general3A_396 = tpu.matmul %convert_element_type3A_394, %get3A_393, %dot_general3A_395 {dimension_numbers = #tpu.dot_dimension_numbers<[1], [0], [0], [1], [0, 0, 1, 1], [], []>, transpose_lhs_hint = false} : vector<32x512xbf16>, vector<512x2048xbf16>, vector<32x2048xf32> -> vector<32x2048xf32>
      %convert_element_type3A_397 = arith.extf %get3A_390 : vector<32x2048xbf16> to vector<32x2048xf32>
      %add3A_398 = arith.addf %convert_element_type3A_397, %dot_general3A_396 : vector<32x2048xf32>
      %slice3A_399 = vector.extract_strided_slice %add3A_398 {offsets = [0, 0], sizes = [32, 512], strides = [1, 1]} : vector<32x2048xf32> to vector<32x512xf32>
      %slice3A_400 = vector.extract_strided_slice %add3A_398 {offsets = [0, 512], sizes = [32, 512], strides = [1, 1]} : vector<32x2048xf32> to vector<32x512xf32>
      %slice3A_401 = vector.extract_strided_slice %add3A_398 {offsets = [0, 1024], sizes = [32, 512], strides = [1, 1]} : vector<32x2048xf32> to vector<32x512xf32>
      %slice3A_402 = vector.extract_strided_slice %add3A_398 {offsets = [0, 1536], sizes = [32, 512], strides = [1, 1]} : vector<32x2048xf32> to vector<32x512xf32>
      %mul3A_403 = arith.constant 5.000000e-01 : f32
      %mul3A_404 = vector.broadcast %mul3A_403 : f32 to vector<32x512xf32>
      %mul3A_405 = arith.mulf %mul3A_404, %slice3A_400 : vector<32x512xf32>
      %tanh3A_406 = math.tanh %mul3A_405 : vector<32x512xf32>
      %mul3A_407 = arith.constant 5.000000e-01 : f32
      %mul3A_408 = vector.broadcast %mul3A_407 : f32 to vector<32x512xf32>
      %mul3A_409 = arith.mulf %mul3A_408, %tanh3A_406 : vector<32x512xf32>
      %add3A_410 = arith.constant 5.000000e-01 : f32
      %add3A_411 = vector.broadcast %add3A_410 : f32 to vector<32x512xf32>
      %add3A_412 = arith.addf %mul3A_409, %add3A_411 : vector<32x512xf32>
      %mul3A_413 = arith.mulf %add3A_412, %add3A_364 : vector<32x512xf32>
      %mul3A_414 = arith.constant 5.000000e-01 : f32
      %mul3A_415 = vector.broadcast %mul3A_414 : f32 to vector<32x512xf32>
      %mul3A_416 = arith.mulf %mul3A_415, %slice3A_399 : vector<32x512xf32>
      %tanh3A_417 = math.tanh %mul3A_416 : vector<32x512xf32>
      %mul3A_418 = arith.constant 5.000000e-01 : f32
      %mul3A_419 = vector.broadcast %mul3A_418 : f32 to vector<32x512xf32>
      %mul3A_420 = arith.mulf %mul3A_419, %tanh3A_417 : vector<32x512xf32>
      %add3A_421 = arith.constant 5.000000e-01 : f32
      %add3A_422 = vector.broadcast %add3A_421 : f32 to vector<32x512xf32>
      %add3A_423 = arith.addf %mul3A_420, %add3A_422 : vector<32x512xf32>
      %tanh3A_424 = math.tanh %slice3A_401 : vector<32x512xf32>
      %mul3A_425 = arith.mulf %add3A_423, %tanh3A_424 : vector<32x512xf32>
      %add3A_426 = arith.addf %mul3A_413, %mul3A_425 : vector<32x512xf32>
      %mul3A_427 = arith.constant 5.000000e-01 : f32
      %mul3A_428 = vector.broadcast %mul3A_427 : f32 to vector<32x512xf32>
      %mul3A_429 = arith.mulf %mul3A_428, %slice3A_402 : vector<32x512xf32>
      %tanh3A_430 = math.tanh %mul3A_429 : vector<32x512xf32>
      %mul3A_431 = arith.constant 5.000000e-01 : f32
      %mul3A_432 = vector.broadcast %mul3A_431 : f32 to vector<32x512xf32>
      %mul3A_433 = arith.mulf %mul3A_432, %tanh3A_430 : vector<32x512xf32>
      %add3A_434 = arith.constant 5.000000e-01 : f32
      %add3A_435 = vector.broadcast %add3A_434 : f32 to vector<32x512xf32>
      %add3A_436 = arith.addf %mul3A_433, %add3A_435 : vector<32x512xf32>
      %tanh3A_437 = math.tanh %add3A_426 : vector<32x512xf32>
      %mul3A_438 = arith.mulf %add3A_436, %tanh3A_437 : vector<32x512xf32>
      %convert_element_type3A_439 = arith.truncf %mul3A_438 : vector<32x512xf32> to vector<32x512xbf16>
      %mul3A_440 = arith.constant 32 : i32
      %mul3A_441 = arith.muli %scan3A_385, %mul3A_440 : i32
      %add3A_442 = arith.addi %mul3A_38, %mul3A_441 : i32
      %swap3A_443 = arith.index_cast %add3A_442 : i32 to index
      %swap3A_444 = arith.constant 0 : index
      %swap3A_445 = vector.load %arg7[%swap3A_443, %swap3A_444] : memref<4096x512xbf16, #tpu.memory_space<vmem>>, vector<32x512xbf16>
      tpu.vector_store %arg7[%swap3A_443, %swap3A_444], %convert_element_type3A_439 {strides = array<i32>} : memref<4096x512xbf16, #tpu.memory_space<vmem>>, vector<32x512xbf16>,
      %scan3A_446 = arith.constant 6 : i32
      %scan3A_447 = arith.addi %scan3A_75, %scan3A_446 : i32
      %mul3A_448 = arith.constant 32 : i32
      %mul3A_449 = arith.muli %scan3A_447, %mul3A_448 : i32
      %get3A_450 = arith.index_cast %mul3A_449 : i32 to index
      %get3A_451 = arith.constant 0 : index
      %get3A_452 = vector.load %arg10[%get3A_450, %get3A_451] : memref<4096x2048xbf16, #tpu.memory_space<vmem>>, vector<32x2048xbf16>
      %get3A_453 = arith.constant 0 : index
      %get3A_454 = arith.constant 0 : index
      %get3A_455 = vector.load %arg5[%get3A_453, %get3A_454] : memref<512x2048xbf16, #tpu.memory_space<vmem>>, vector<512x2048xbf16>
      %convert_element_type3A_456 = arith.truncf %mul3A_438 : vector<32x512xf32> to vector<32x512xbf16>
      %dot_general3A_457 = arith.constant dense<0.000000e+00> : vector<32x2048xf32>
      %dot_general3A_458 = tpu.matmul %convert_element_type3A_456, %get3A_455, %dot_general3A_457 {dimension_numbers = #tpu.dot_dimension_numbers<[1], [0], [0], [1], [0, 0, 1, 1], [], []>, transpose_lhs_hint = false} : vector<32x512xbf16>, vector<512x2048xbf16>, vector<32x2048xf32> -> vector<32x2048xf32>
      %convert_element_type3A_459 = arith.extf %get3A_452 : vector<32x2048xbf16> to vector<32x2048xf32>
      %add3A_460 = arith.addf %convert_element_type3A_459, %dot_general3A_458 : vector<32x2048xf32>
      %slice3A_461 = vector.extract_strided_slice %add3A_460 {offsets = [0, 0], sizes = [32, 512], strides = [1, 1]} : vector<32x2048xf32> to vector<32x512xf32>
      %slice3A_462 = vector.extract_strided_slice %add3A_460 {offsets = [0, 512], sizes = [32, 512], strides = [1, 1]} : vector<32x2048xf32> to vector<32x512xf32>
      %slice3A_463 = vector.extract_strided_slice %add3A_460 {offsets = [0, 1024], sizes = [32, 512], strides = [1, 1]} : vector<32x2048xf32> to vector<32x512xf32>
      %slice3A_464 = vector.extract_strided_slice %add3A_460 {offsets = [0, 1536], sizes = [32, 512], strides = [1, 1]} : vector<32x2048xf32> to vector<32x512xf32>
      %mul3A_465 = arith.constant 5.000000e-01 : f32
      %mul3A_466 = vector.broadcast %mul3A_465 : f32 to vector<32x512xf32>
      %mul3A_467 = arith.mulf %mul3A_466, %slice3A_462 : vector<32x512xf32>
      %tanh3A_468 = math.tanh %mul3A_467 : vector<32x512xf32>
      %mul3A_469 = arith.constant 5.000000e-01 : f32
      %mul3A_470 = vector.broadcast %mul3A_469 : f32 to vector<32x512xf32>
      %mul3A_471 = arith.mulf %mul3A_470, %tanh3A_468 : vector<32x512xf32>
      %add3A_472 = arith.constant 5.000000e-01 : f32
      %add3A_473 = vector.broadcast %add3A_472 : f32 to vector<32x512xf32>
      %add3A_474 = arith.addf %mul3A_471, %add3A_473 : vector<32x512xf32>
      %mul3A_475 = arith.mulf %add3A_474, %add3A_426 : vector<32x512xf32>
      %mul3A_476 = arith.constant 5.000000e-01 : f32
      %mul3A_477 = vector.broadcast %mul3A_476 : f32 to vector<32x512xf32>
      %mul3A_478 = arith.mulf %mul3A_477, %slice3A_461 : vector<32x512xf32>
      %tanh3A_479 = math.tanh %mul3A_478 : vector<32x512xf32>
      %mul3A_480 = arith.constant 5.000000e-01 : f32
      %mul3A_481 = vector.broadcast %mul3A_480 : f32 to vector<32x512xf32>
      %mul3A_482 = arith.mulf %mul3A_481, %tanh3A_479 : vector<32x512xf32>
      %add3A_483 = arith.constant 5.000000e-01 : f32
      %add3A_484 = vector.broadcast %add3A_483 : f32 to vector<32x512xf32>
      %add3A_485 = arith.addf %mul3A_482, %add3A_484 : vector<32x512xf32>
      %tanh3A_486 = math.tanh %slice3A_463 : vector<32x512xf32>
      %mul3A_487 = arith.mulf %add3A_485, %tanh3A_486 : vector<32x512xf32>
      %add3A_488 = arith.addf %mul3A_475, %mul3A_487 : vector<32x512xf32>
      %mul3A_489 = arith.constant 5.000000e-01 : f32
      %mul3A_490 = vector.broadcast %mul3A_489 : f32 to vector<32x512xf32>
      %mul3A_491 = arith.mulf %mul3A_490, %slice3A_464 : vector<32x512xf32>
      %tanh3A_492 = math.tanh %mul3A_491 : vector<32x512xf32>
      %mul3A_493 = arith.constant 5.000000e-01 : f32
      %mul3A_494 = vector.broadcast %mul3A_493 : f32 to vector<32x512xf32>
      %mul3A_495 = arith.mulf %mul3A_494, %tanh3A_492 : vector<32x512xf32>
      %add3A_496 = arith.constant 5.000000e-01 : f32
      %add3A_497 = vector.broadcast %add3A_496 : f32 to vector<32x512xf32>
      %add3A_498 = arith.addf %mul3A_495, %add3A_497 : vector<32x512xf32>
      %tanh3A_499 = math.tanh %add3A_488 : vector<32x512xf32>
      %mul3A_500 = arith.mulf %add3A_498, %tanh3A_499 : vector<32x512xf32>
      %convert_element_type3A_501 = arith.truncf %mul3A_500 : vector<32x512xf32> to vector<32x512xbf16>
      %mul3A_502 = arith.constant 32 : i32
      %mul3A_503 = arith.muli %scan3A_447, %mul3A_502 : i32
      %add3A_504 = arith.addi %mul3A_38, %mul3A_503 : i32
      %swap3A_505 = arith.index_cast %add3A_504 : i32 to index
      %swap3A_506 = arith.constant 0 : index
      %swap3A_507 = vector.load %arg7[%swap3A_505, %swap3A_506] : memref<4096x512xbf16, #tpu.memory_space<vmem>>, vector<32x512xbf16>
      tpu.vector_store %arg7[%swap3A_505, %swap3A_506], %convert_element_type3A_501 {strides = array<i32>} : memref<4096x512xbf16, #tpu.memory_space<vmem>>, vector<32x512xbf16>,
      %scan3A_508 = arith.constant 7 : i32
      %scan3A_509 = arith.addi %scan3A_75, %scan3A_508 : i32
      %mul3A_510 = arith.constant 32 : i32
      %mul3A_511 = arith.muli %scan3A_509, %mul3A_510 : i32
      %get3A_512 = arith.index_cast %mul3A_511 : i32 to index
      %get3A_513 = arith.constant 0 : index
      %get3A_514 = vector.load %arg10[%get3A_512, %get3A_513] : memref<4096x2048xbf16, #tpu.memory_space<vmem>>, vector<32x2048xbf16>
      %get3A_515 = arith.constant 0 : index
      %get3A_516 = arith.constant 0 : index
      %get3A_517 = vector.load %arg5[%get3A_515, %get3A_516] : memref<512x2048xbf16, #tpu.memory_space<vmem>>, vector<512x2048xbf16>
      %convert_element_type3A_518 = arith.truncf %mul3A_500 : vector<32x512xf32> to vector<32x512xbf16>
      %dot_general3A_519 = arith.constant dense<0.000000e+00> : vector<32x2048xf32>
      %dot_general3A_520 = tpu.matmul %convert_element_type3A_518, %get3A_517, %dot_general3A_519 {dimension_numbers = #tpu.dot_dimension_numbers<[1], [0], [0], [1], [0, 0, 1, 1], [], []>, transpose_lhs_hint = false} : vector<32x512xbf16>, vector<512x2048xbf16>, vector<32x2048xf32> -> vector<32x2048xf32>
      %convert_element_type3A_521 = arith.extf %get3A_514 : vector<32x2048xbf16> to vector<32x2048xf32>
      %add3A_522 = arith.addf %convert_element_type3A_521, %dot_general3A_520 : vector<32x2048xf32>
      %slice3A_523 = vector.extract_strided_slice %add3A_522 {offsets = [0, 0], sizes = [32, 512], strides = [1, 1]} : vector<32x2048xf32> to vector<32x512xf32>
      %slice3A_524 = vector.extract_strided_slice %add3A_522 {offsets = [0, 512], sizes = [32, 512], strides = [1, 1]} : vector<32x2048xf32> to vector<32x512xf32>
      %slice3A_525 = vector.extract_strided_slice %add3A_522 {offsets = [0, 1024], sizes = [32, 512], strides = [1, 1]} : vector<32x2048xf32> to vector<32x512xf32>
      %slice3A_526 = vector.extract_strided_slice %add3A_522 {offsets = [0, 1536], sizes = [32, 512], strides = [1, 1]} : vector<32x2048xf32> to vector<32x512xf32>
      %mul3A_527 = arith.constant 5.000000e-01 : f32
      %mul3A_528 = vector.broadcast %mul3A_527 : f32 to vector<32x512xf32>
      %mul3A_529 = arith.mulf %mul3A_528, %slice3A_524 : vector<32x512xf32>
      %tanh3A_530 = math.tanh %mul3A_529 : vector<32x512xf32>
      %mul3A_531 = arith.constant 5.000000e-01 : f32
      %mul3A_532 = vector.broadcast %mul3A_531 : f32 to vector<32x512xf32>
      %mul3A_533 = arith.mulf %mul3A_532, %tanh3A_530 : vector<32x512xf32>
      %add3A_534 = arith.constant 5.000000e-01 : f32
      %add3A_535 = vector.broadcast %add3A_534 : f32 to vector<32x512xf32>
      %add3A_536 = arith.addf %mul3A_533, %add3A_535 : vector<32x512xf32>
      %mul3A_537 = arith.mulf %add3A_536, %add3A_488 : vector<32x512xf32>
      %mul3A_538 = arith.constant 5.000000e-01 : f32
      %mul3A_539 = vector.broadcast %mul3A_538 : f32 to vector<32x512xf32>
      %mul3A_540 = arith.mulf %mul3A_539, %slice3A_523 : vector<32x512xf32>
      %tanh3A_541 = math.tanh %mul3A_540 : vector<32x512xf32>
      %mul3A_542 = arith.constant 5.000000e-01 : f32
      %mul3A_543 = vector.broadcast %mul3A_542 : f32 to vector<32x512xf32>
      %mul3A_544 = arith.mulf %mul3A_543, %tanh3A_541 : vector<32x512xf32>
      %add3A_545 = arith.constant 5.000000e-01 : f32
      %add3A_546 = vector.broadcast %add3A_545 : f32 to vector<32x512xf32>
      %add3A_547 = arith.addf %mul3A_544, %add3A_546 : vector<32x512xf32>
      %tanh3A_548 = math.tanh %slice3A_525 : vector<32x512xf32>
      %mul3A_549 = arith.mulf %add3A_547, %tanh3A_548 : vector<32x512xf32>
      %add3A_550 = arith.addf %mul3A_537, %mul3A_549 : vector<32x512xf32>
      %mul3A_551 = arith.constant 5.000000e-01 : f32
      %mul3A_552 = vector.broadcast %mul3A_551 : f32 to vector<32x512xf32>
      %mul3A_553 = arith.mulf %mul3A_552, %slice3A_526 : vector<32x512xf32>
      %tanh3A_554 = math.tanh %mul3A_553 : vector<32x512xf32>
      %mul3A_555 = arith.constant 5.000000e-01 : f32
      %mul3A_556 = vector.broadcast %mul3A_555 : f32 to vector<32x512xf32>
      %mul3A_557 = arith.mulf %mul3A_556, %tanh3A_554 : vector<32x512xf32>
      %add3A_558 = arith.constant 5.000000e-01 : f32
      %add3A_559 = vector.broadcast %add3A_558 : f32 to vector<32x512xf32>
      %add3A_560 = arith.addf %mul3A_557, %add3A_559 : vector<32x512xf32>
      %tanh3A_561 = math.tanh %add3A_550 : vector<32x512xf32>
      %mul3A_562 = arith.mulf %add3A_560, %tanh3A_561 : vector<32x512xf32>
      %convert_element_type3A_563 = arith.truncf %mul3A_562 : vector<32x512xf32> to vector<32x512xbf16>
      %mul3A_564 = arith.constant 32 : i32
      %mul3A_565 = arith.muli %scan3A_509, %mul3A_564 : i32
      %add3A_566 = arith.addi %mul3A_38, %mul3A_565 : i32
      %swap3A_567 = arith.index_cast %add3A_566 : i32 to index
      %swap3A_568 = arith.constant 0 : index
      %swap3A_569 = vector.load %arg7[%swap3A_567, %swap3A_568] : memref<4096x512xbf16, #tpu.memory_space<vmem>>, vector<32x512xbf16>
      tpu.vector_store %arg7[%swap3A_567, %swap3A_568], %convert_element_type3A_563 {strides = array<i32>} : memref<4096x512xbf16, #tpu.memory_space<vmem>>, vector<32x512xbf16>,
      %scan3A_570 = arith.constant 8 : i32
      %scan3A_571 = arith.addi %scan3A_75, %scan3A_570 : i32
      %mul3A_572 = arith.constant 32 : i32
      %mul3A_573 = arith.muli %scan3A_571, %mul3A_572 : i32
      %get3A_574 = arith.index_cast %mul3A_573 : i32 to index
      %get3A_575 = arith.constant 0 : index
      %get3A_576 = vector.load %arg10[%get3A_574, %get3A_575] : memref<4096x2048xbf16, #tpu.memory_space<vmem>>, vector<32x2048xbf16>
      %get3A_577 = arith.constant 0 : index
      %get3A_578 = arith.constant 0 : index
      %get3A_579 = vector.load %arg5[%get3A_577, %get3A_578] : memref<512x2048xbf16, #tpu.memory_space<vmem>>, vector<512x2048xbf16>
      %convert_element_type3A_580 = arith.truncf %mul3A_562 : vector<32x512xf32> to vector<32x512xbf16>
      %dot_general3A_581 = arith.constant dense<0.000000e+00> : vector<32x2048xf32>
      %dot_general3A_582 = tpu.matmul %convert_element_type3A_580, %get3A_579, %dot_general3A_581 {dimension_numbers = #tpu.dot_dimension_numbers<[1], [0], [0], [1], [0, 0, 1, 1], [], []>, transpose_lhs_hint = false} : vector<32x512xbf16>, vector<512x2048xbf16>, vector<32x2048xf32> -> vector<32x2048xf32>
      %convert_element_type3A_583 = arith.extf %get3A_576 : vector<32x2048xbf16> to vector<32x2048xf32>
      %add3A_584 = arith.addf %convert_element_type3A_583, %dot_general3A_582 : vector<32x2048xf32>
      %slice3A_585 = vector.extract_strided_slice %add3A_584 {offsets = [0, 0], sizes = [32, 512], strides = [1, 1]} : vector<32x2048xf32> to vector<32x512xf32>
      %slice3A_586 = vector.extract_strided_slice %add3A_584 {offsets = [0, 512], sizes = [32, 512], strides = [1, 1]} : vector<32x2048xf32> to vector<32x512xf32>
      %slice3A_587 = vector.extract_strided_slice %add3A_584 {offsets = [0, 1024], sizes = [32, 512], strides = [1, 1]} : vector<32x2048xf32> to vector<32x512xf32>
      %slice3A_588 = vector.extract_strided_slice %add3A_584 {offsets = [0, 1536], sizes = [32, 512], strides = [1, 1]} : vector<32x2048xf32> to vector<32x512xf32>
      %mul3A_589 = arith.constant 5.000000e-01 : f32
      %mul3A_590 = vector.broadcast %mul3A_589 : f32 to vector<32x512xf32>
      %mul3A_591 = arith.mulf %mul3A_590, %slice3A_586 : vector<32x512xf32>
      %tanh3A_592 = math.tanh %mul3A_591 : vector<32x512xf32>
      %mul3A_593 = arith.constant 5.000000e-01 : f32
      %mul3A_594 = vector.broadcast %mul3A_593 : f32 to vector<32x512xf32>
      %mul3A_595 = arith.mulf %mul3A_594, %tanh3A_592 : vector<32x512xf32>
      %add3A_596 = arith.constant 5.000000e-01 : f32
      %add3A_597 = vector.broadcast %add3A_596 : f32 to vector<32x512xf32>
      %add3A_598 = arith.addf %mul3A_595, %add3A_597 : vector<32x512xf32>
      %mul3A_599 = arith.mulf %add3A_598, %add3A_550 : vector<32x512xf32>
      %mul3A_600 = arith.constant 5.000000e-01 : f32
      %mul3A_601 = vector.broadcast %mul3A_600 : f32 to vector<32x512xf32>
      %mul3A_602 = arith.mulf %mul3A_601, %slice3A_585 : vector<32x512xf32>
      %tanh3A_603 = math.tanh %mul3A_602 : vector<32x512xf32>
      %mul3A_604 = arith.constant 5.000000e-01 : f32
      %mul3A_605 = vector.broadcast %mul3A_604 : f32 to vector<32x512xf32>
      %mul3A_606 = arith.mulf %mul3A_605, %tanh3A_603 : vector<32x512xf32>
      %add3A_607 = arith.constant 5.000000e-01 : f32
      %add3A_608 = vector.broadcast %add3A_607 : f32 to vector<32x512xf32>
      %add3A_609 = arith.addf %mul3A_606, %add3A_608 : vector<32x512xf32>
      %tanh3A_610 = math.tanh %slice3A_587 : vector<32x512xf32>
      %mul3A_611 = arith.mulf %add3A_609, %tanh3A_610 : vector<32x512xf32>
      %add3A_612 = arith.addf %mul3A_599, %mul3A_611 : vector<32x512xf32>
      %mul3A_613 = arith.constant 5.000000e-01 : f32
      %mul3A_614 = vector.broadcast %mul3A_613 : f32 to vector<32x512xf32>
      %mul3A_615 = arith.mulf %mul3A_614, %slice3A_588 : vector<32x512xf32>
      %tanh3A_616 = math.tanh %mul3A_615 : vector<32x512xf32>
      %mul3A_617 = arith.constant 5.000000e-01 : f32
      %mul3A_618 = vector.broadcast %mul3A_617 : f32 to vector<32x512xf32>
      %mul3A_619 = arith.mulf %mul3A_618, %tanh3A_616 : vector<32x512xf32>
      %add3A_620 = arith.constant 5.000000e-01 : f32
      %add3A_621 = vector.broadcast %add3A_620 : f32 to vector<32x512xf32>
      %add3A_622 = arith.addf %mul3A_619, %add3A_621 : vector<32x512xf32>
      %tanh3A_623 = math.tanh %add3A_612 : vector<32x512xf32>
      %mul3A_624 = arith.mulf %add3A_622, %tanh3A_623 : vector<32x512xf32>
      %convert_element_type3A_625 = arith.truncf %mul3A_624 : vector<32x512xf32> to vector<32x512xbf16>
      %mul3A_626 = arith.constant 32 : i32
      %mul3A_627 = arith.muli %scan3A_571, %mul3A_626 : i32
      %add3A_628 = arith.addi %mul3A_38, %mul3A_627 : i32
      %swap3A_629 = arith.index_cast %add3A_628 : i32 to index
      %swap3A_630 = arith.constant 0 : index
      %swap3A_631 = vector.load %arg7[%swap3A_629, %swap3A_630] : memref<4096x512xbf16, #tpu.memory_space<vmem>>, vector<32x512xbf16>
      tpu.vector_store %arg7[%swap3A_629, %swap3A_630], %convert_element_type3A_625 {strides = array<i32>} : memref<4096x512xbf16, #tpu.memory_space<vmem>>, vector<32x512xbf16>,
      %scan3A_632 = arith.constant 9 : i32
      %scan3A_633 = arith.addi %scan3A_75, %scan3A_632 : i32
      %mul3A_634 = arith.constant 32 : i32
      %mul3A_635 = arith.muli %scan3A_633, %mul3A_634 : i32
      %get3A_636 = arith.index_cast %mul3A_635 : i32 to index
      %get3A_637 = arith.constant 0 : index
      %get3A_638 = vector.load %arg10[%get3A_636, %get3A_637] : memref<4096x2048xbf16, #tpu.memory_space<vmem>>, vector<32x2048xbf16>
      %get3A_639 = arith.constant 0 : index
      %get3A_640 = arith.constant 0 : index
      %get3A_641 = vector.load %arg5[%get3A_639, %get3A_640] : memref<512x2048xbf16, #tpu.memory_space<vmem>>, vector<512x2048xbf16>
      %convert_element_type3A_642 = arith.truncf %mul3A_624 : vector<32x512xf32> to vector<32x512xbf16>
      %dot_general3A_643 = arith.constant dense<0.000000e+00> : vector<32x2048xf32>
      %dot_general3A_644 = tpu.matmul %convert_element_type3A_642, %get3A_641, %dot_general3A_643 {dimension_numbers = #tpu.dot_dimension_numbers<[1], [0], [0], [1], [0, 0, 1, 1], [], []>, transpose_lhs_hint = false} : vector<32x512xbf16>, vector<512x2048xbf16>, vector<32x2048xf32> -> vector<32x2048xf32>
      %convert_element_type3A_645 = arith.extf %get3A_638 : vector<32x2048xbf16> to vector<32x2048xf32>
      %add3A_646 = arith.addf %convert_element_type3A_645, %dot_general3A_644 : vector<32x2048xf32>
      %slice3A_647 = vector.extract_strided_slice %add3A_646 {offsets = [0, 0], sizes = [32, 512], strides = [1, 1]} : vector<32x2048xf32> to vector<32x512xf32>
      %slice3A_648 = vector.extract_strided_slice %add3A_646 {offsets = [0, 512], sizes = [32, 512], strides = [1, 1]} : vector<32x2048xf32> to vector<32x512xf32>
      %slice3A_649 = vector.extract_strided_slice %add3A_646 {offsets = [0, 1024], sizes = [32, 512], strides = [1, 1]} : vector<32x2048xf32> to vector<32x512xf32>
      %slice3A_650 = vector.extract_strided_slice %add3A_646 {offsets = [0, 1536], sizes = [32, 512], strides = [1, 1]} : vector<32x2048xf32> to vector<32x512xf32>
      %mul3A_651 = arith.constant 5.000000e-01 : f32
      %mul3A_652 = vector.broadcast %mul3A_651 : f32 to vector<32x512xf32>
      %mul3A_653 = arith.mulf %mul3A_652, %slice3A_648 : vector<32x512xf32>
      %tanh3A_654 = math.tanh %mul3A_653 : vector<32x512xf32>
      %mul3A_655 = arith.constant 5.000000e-01 : f32
      %mul3A_656 = vector.broadcast %mul3A_655 : f32 to vector<32x512xf32>
      %mul3A_657 = arith.mulf %mul3A_656, %tanh3A_654 : vector<32x512xf32>
      %add3A_658 = arith.constant 5.000000e-01 : f32
      %add3A_659 = vector.broadcast %add3A_658 : f32 to vector<32x512xf32>
      %add3A_660 = arith.addf %mul3A_657, %add3A_659 : vector<32x512xf32>
      %mul3A_661 = arith.mulf %add3A_660, %add3A_612 : vector<32x512xf32>
      %mul3A_662 = arith.constant 5.000000e-01 : f32
      %mul3A_663 = vector.broadcast %mul3A_662 : f32 to vector<32x512xf32>
      %mul3A_664 = arith.mulf %mul3A_663, %slice3A_647 : vector<32x512xf32>
      %tanh3A_665 = math.tanh %mul3A_664 : vector<32x512xf32>
      %mul3A_666 = arith.constant 5.000000e-01 : f32
      %mul3A_667 = vector.broadcast %mul3A_666 : f32 to vector<32x512xf32>
      %mul3A_668 = arith.mulf %mul3A_667, %tanh3A_665 : vector<32x512xf32>
      %add3A_669 = arith.constant 5.000000e-01 : f32
      %add3A_670 = vector.broadcast %add3A_669 : f32 to vector<32x512xf32>
      %add3A_671 = arith.addf %mul3A_668, %add3A_670 : vector<32x512xf32>
      %tanh3A_672 = math.tanh %slice3A_649 : vector<32x512xf32>
      %mul3A_673 = arith.mulf %add3A_671, %tanh3A_672 : vector<32x512xf32>
      %add3A_674 = arith.addf %mul3A_661, %mul3A_673 : vector<32x512xf32>
      %mul3A_675 = arith.constant 5.000000e-01 : f32
      %mul3A_676 = vector.broadcast %mul3A_675 : f32 to vector<32x512xf32>
      %mul3A_677 = arith.mulf %mul3A_676, %slice3A_650 : vector<32x512xf32>
      %tanh3A_678 = math.tanh %mul3A_677 : vector<32x512xf32>
      %mul3A_679 = arith.constant 5.000000e-01 : f32
      %mul3A_680 = vector.broadcast %mul3A_679 : f32 to vector<32x512xf32>
      %mul3A_681 = arith.mulf %mul3A_680, %tanh3A_678 : vector<32x512xf32>
      %add3A_682 = arith.constant 5.000000e-01 : f32
      %add3A_683 = vector.broadcast %add3A_682 : f32 to vector<32x512xf32>
      %add3A_684 = arith.addf %mul3A_681, %add3A_683 : vector<32x512xf32>
      %tanh3A_685 = math.tanh %add3A_674 : vector<32x512xf32>
      %mul3A_686 = arith.mulf %add3A_684, %tanh3A_685 : vector<32x512xf32>
      %convert_element_type3A_687 = arith.truncf %mul3A_686 : vector<32x512xf32> to vector<32x512xbf16>
      %mul3A_688 = arith.constant 32 : i32
      %mul3A_689 = arith.muli %scan3A_633, %mul3A_688 : i32
      %add3A_690 = arith.addi %mul3A_38, %mul3A_689 : i32
      %swap3A_691 = arith.index_cast %add3A_690 : i32 to index
      %swap3A_692 = arith.constant 0 : index
      %swap3A_693 = vector.load %arg7[%swap3A_691, %swap3A_692] : memref<4096x512xbf16, #tpu.memory_space<vmem>>, vector<32x512xbf16>
      tpu.vector_store %arg7[%swap3A_691, %swap3A_692], %convert_element_type3A_687 {strides = array<i32>} : memref<4096x512xbf16, #tpu.memory_space<vmem>>, vector<32x512xbf16>,
      %scan3A_694 = arith.constant 10 : i32
      %scan3A_695 = arith.addi %scan3A_75, %scan3A_694 : i32
      %mul3A_696 = arith.constant 32 : i32
      %mul3A_697 = arith.muli %scan3A_695, %mul3A_696 : i32
      %get3A_698 = arith.index_cast %mul3A_697 : i32 to index
      %get3A_699 = arith.constant 0 : index
      %get3A_700 = vector.load %arg10[%get3A_698, %get3A_699] : memref<4096x2048xbf16, #tpu.memory_space<vmem>>, vector<32x2048xbf16>
      %get3A_701 = arith.constant 0 : index
      %get3A_702 = arith.constant 0 : index
      %get3A_703 = vector.load %arg5[%get3A_701, %get3A_702] : memref<512x2048xbf16, #tpu.memory_space<vmem>>, vector<512x2048xbf16>
      %convert_element_type3A_704 = arith.truncf %mul3A_686 : vector<32x512xf32> to vector<32x512xbf16>
      %dot_general3A_705 = arith.constant dense<0.000000e+00> : vector<32x2048xf32>
      %dot_general3A_706 = tpu.matmul %convert_element_type3A_704, %get3A_703, %dot_general3A_705 {dimension_numbers = #tpu.dot_dimension_numbers<[1], [0], [0], [1], [0, 0, 1, 1], [], []>, transpose_lhs_hint = false} : vector<32x512xbf16>, vector<512x2048xbf16>, vector<32x2048xf32> -> vector<32x2048xf32>
      %convert_element_type3A_707 = arith.extf %get3A_700 : vector<32x2048xbf16> to vector<32x2048xf32>
      %add3A_708 = arith.addf %convert_element_type3A_707, %dot_general3A_706 : vector<32x2048xf32>
      %slice3A_709 = vector.extract_strided_slice %add3A_708 {offsets = [0, 0], sizes = [32, 512], strides = [1, 1]} : vector<32x2048xf32> to vector<32x512xf32>
      %slice3A_710 = vector.extract_strided_slice %add3A_708 {offsets = [0, 512], sizes = [32, 512], strides = [1, 1]} : vector<32x2048xf32> to vector<32x512xf32>
      %slice3A_711 = vector.extract_strided_slice %add3A_708 {offsets = [0, 1024], sizes = [32, 512], strides = [1, 1]} : vector<32x2048xf32> to vector<32x512xf32>
      %slice3A_712 = vector.extract_strided_slice %add3A_708 {offsets = [0, 1536], sizes = [32, 512], strides = [1, 1]} : vector<32x2048xf32> to vector<32x512xf32>
      %mul3A_713 = arith.constant 5.000000e-01 : f32
      %mul3A_714 = vector.broadcast %mul3A_713 : f32 to vector<32x512xf32>
      %mul3A_715 = arith.mulf %mul3A_714, %slice3A_710 : vector<32x512xf32>
      %tanh3A_716 = math.tanh %mul3A_715 : vector<32x512xf32>
      %mul3A_717 = arith.constant 5.000000e-01 : f32
      %mul3A_718 = vector.broadcast %mul3A_717 : f32 to vector<32x512xf32>
      %mul3A_719 = arith.mulf %mul3A_718, %tanh3A_716 : vector<32x512xf32>
      %add3A_720 = arith.constant 5.000000e-01 : f32
      %add3A_721 = vector.broadcast %add3A_720 : f32 to vector<32x512xf32>
      %add3A_722 = arith.addf %mul3A_719, %add3A_721 : vector<32x512xf32>
      %mul3A_723 = arith.mulf %add3A_722, %add3A_674 : vector<32x512xf32>
      %mul3A_724 = arith.constant 5.000000e-01 : f32
      %mul3A_725 = vector.broadcast %mul3A_724 : f32 to vector<32x512xf32>
      %mul3A_726 = arith.mulf %mul3A_725, %slice3A_709 : vector<32x512xf32>
      %tanh3A_727 = math.tanh %mul3A_726 : vector<32x512xf32>
      %mul3A_728 = arith.constant 5.000000e-01 : f32
      %mul3A_729 = vector.broadcast %mul3A_728 : f32 to vector<32x512xf32>
      %mul3A_730 = arith.mulf %mul3A_729, %tanh3A_727 : vector<32x512xf32>
      %add3A_731 = arith.constant 5.000000e-01 : f32
      %add3A_732 = vector.broadcast %add3A_731 : f32 to vector<32x512xf32>
      %add3A_733 = arith.addf %mul3A_730, %add3A_732 : vector<32x512xf32>
      %tanh3A_734 = math.tanh %slice3A_711 : vector<32x512xf32>
      %mul3A_735 = arith.mulf %add3A_733, %tanh3A_734 : vector<32x512xf32>
      %add3A_736 = arith.addf %mul3A_723, %mul3A_735 : vector<32x512xf32>
      %mul3A_737 = arith.constant 5.000000e-01 : f32
      %mul3A_738 = vector.broadcast %mul3A_737 : f32 to vector<32x512xf32>
      %mul3A_739 = arith.mulf %mul3A_738, %slice3A_712 : vector<32x512xf32>
      %tanh3A_740 = math.tanh %mul3A_739 : vector<32x512xf32>
      %mul3A_741 = arith.constant 5.000000e-01 : f32
      %mul3A_742 = vector.broadcast %mul3A_741 : f32 to vector<32x512xf32>
      %mul3A_743 = arith.mulf %mul3A_742, %tanh3A_740 : vector<32x512xf32>
      %add3A_744 = arith.constant 5.000000e-01 : f32
      %add3A_745 = vector.broadcast %add3A_744 : f32 to vector<32x512xf32>
      %add3A_746 = arith.addf %mul3A_743, %add3A_745 : vector<32x512xf32>
      %tanh3A_747 = math.tanh %add3A_736 : vector<32x512xf32>
      %mul3A_748 = arith.mulf %add3A_746, %tanh3A_747 : vector<32x512xf32>
      %convert_element_type3A_749 = arith.truncf %mul3A_748 : vector<32x512xf32> to vector<32x512xbf16>
      %mul3A_750 = arith.constant 32 : i32
      %mul3A_751 = arith.muli %scan3A_695, %mul3A_750 : i32
      %add3A_752 = arith.addi %mul3A_38, %mul3A_751 : i32
      %swap3A_753 = arith.index_cast %add3A_752 : i32 to index
      %swap3A_754 = arith.constant 0 : index
      %swap3A_755 = vector.load %arg7[%swap3A_753, %swap3A_754] : memref<4096x512xbf16, #tpu.memory_space<vmem>>, vector<32x512xbf16>
      tpu.vector_store %arg7[%swap3A_753, %swap3A_754], %convert_element_type3A_749 {strides = array<i32>} : memref<4096x512xbf16, #tpu.memory_space<vmem>>, vector<32x512xbf16>,
      %scan3A_756 = arith.constant 11 : i32
      %scan3A_757 = arith.addi %scan3A_75, %scan3A_756 : i32
      %mul3A_758 = arith.constant 32 : i32
      %mul3A_759 = arith.muli %scan3A_757, %mul3A_758 : i32
      %get3A_760 = arith.index_cast %mul3A_759 : i32 to index
      %get3A_761 = arith.constant 0 : index
      %get3A_762 = vector.load %arg10[%get3A_760, %get3A_761] : memref<4096x2048xbf16, #tpu.memory_space<vmem>>, vector<32x2048xbf16>
      %get3A_763 = arith.constant 0 : index
      %get3A_764 = arith.constant 0 : index
      %get3A_765 = vector.load %arg5[%get3A_763, %get3A_764] : memref<512x2048xbf16, #tpu.memory_space<vmem>>, vector<512x2048xbf16>
      %convert_element_type3A_766 = arith.truncf %mul3A_748 : vector<32x512xf32> to vector<32x512xbf16>
      %dot_general3A_767 = arith.constant dense<0.000000e+00> : vector<32x2048xf32>
      %dot_general3A_768 = tpu.matmul %convert_element_type3A_766, %get3A_765, %dot_general3A_767 {dimension_numbers = #tpu.dot_dimension_numbers<[1], [0], [0], [1], [0, 0, 1, 1], [], []>, transpose_lhs_hint = false} : vector<32x512xbf16>, vector<512x2048xbf16>, vector<32x2048xf32> -> vector<32x2048xf32>
      %convert_element_type3A_769 = arith.extf %get3A_762 : vector<32x2048xbf16> to vector<32x2048xf32>
      %add3A_770 = arith.addf %convert_element_type3A_769, %dot_general3A_768 : vector<32x2048xf32>
      %slice3A_771 = vector.extract_strided_slice %add3A_770 {offsets = [0, 0], sizes = [32, 512], strides = [1, 1]} : vector<32x2048xf32> to vector<32x512xf32>
      %slice3A_772 = vector.extract_strided_slice %add3A_770 {offsets = [0, 512], sizes = [32, 512], strides = [1, 1]} : vector<32x2048xf32> to vector<32x512xf32>
      %slice3A_773 = vector.extract_strided_slice %add3A_770 {offsets = [0, 1024], sizes = [32, 512], strides = [1, 1]} : vector<32x2048xf32> to vector<32x512xf32>
      %slice3A_774 = vector.extract_strided_slice %add3A_770 {offsets = [0, 1536], sizes = [32, 512], strides = [1, 1]} : vector<32x2048xf32> to vector<32x512xf32>
      %mul3A_775 = arith.constant 5.000000e-01 : f32
      %mul3A_776 = vector.broadcast %mul3A_775 : f32 to vector<32x512xf32>
      %mul3A_777 = arith.mulf %mul3A_776, %slice3A_772 : vector<32x512xf32>
      %tanh3A_778 = math.tanh %mul3A_777 : vector<32x512xf32>
      %mul3A_779 = arith.constant 5.000000e-01 : f32
      %mul3A_780 = vector.broadcast %mul3A_779 : f32 to vector<32x512xf32>
      %mul3A_781 = arith.mulf %mul3A_780, %tanh3A_778 : vector<32x512xf32>
      %add3A_782 = arith.constant 5.000000e-01 : f32
      %add3A_783 = vector.broadcast %add3A_782 : f32 to vector<32x512xf32>
      %add3A_784 = arith.addf %mul3A_781, %add3A_783 : vector<32x512xf32>
      %mul3A_785 = arith.mulf %add3A_784, %add3A_736 : vector<32x512xf32>
      %mul3A_786 = arith.constant 5.000000e-01 : f32
      %mul3A_787 = vector.broadcast %mul3A_786 : f32 to vector<32x512xf32>
      %mul3A_788 = arith.mulf %mul3A_787, %slice3A_771 : vector<32x512xf32>
      %tanh3A_789 = math.tanh %mul3A_788 : vector<32x512xf32>
      %mul3A_790 = arith.constant 5.000000e-01 : f32
      %mul3A_791 = vector.broadcast %mul3A_790 : f32 to vector<32x512xf32>
      %mul3A_792 = arith.mulf %mul3A_791, %tanh3A_789 : vector<32x512xf32>
      %add3A_793 = arith.constant 5.000000e-01 : f32
      %add3A_794 = vector.broadcast %add3A_793 : f32 to vector<32x512xf32>
      %add3A_795 = arith.addf %mul3A_792, %add3A_794 : vector<32x512xf32>
      %tanh3A_796 = math.tanh %slice3A_773 : vector<32x512xf32>
      %mul3A_797 = arith.mulf %add3A_795, %tanh3A_796 : vector<32x512xf32>
      %add3A_798 = arith.addf %mul3A_785, %mul3A_797 : vector<32x512xf32>
      %mul3A_799 = arith.constant 5.000000e-01 : f32
      %mul3A_800 = vector.broadcast %mul3A_799 : f32 to vector<32x512xf32>
      %mul3A_801 = arith.mulf %mul3A_800, %slice3A_774 : vector<32x512xf32>
      %tanh3A_802 = math.tanh %mul3A_801 : vector<32x512xf32>
      %mul3A_803 = arith.constant 5.000000e-01 : f32
      %mul3A_804 = vector.broadcast %mul3A_803 : f32 to vector<32x512xf32>
      %mul3A_805 = arith.mulf %mul3A_804, %tanh3A_802 : vector<32x512xf32>
      %add3A_806 = arith.constant 5.000000e-01 : f32
      %add3A_807 = vector.broadcast %add3A_806 : f32 to vector<32x512xf32>
      %add3A_808 = arith.addf %mul3A_805, %add3A_807 : vector<32x512xf32>
      %tanh3A_809 = math.tanh %add3A_798 : vector<32x512xf32>
      %mul3A_810 = arith.mulf %add3A_808, %tanh3A_809 : vector<32x512xf32>
      %convert_element_type3A_811 = arith.truncf %mul3A_810 : vector<32x512xf32> to vector<32x512xbf16>
      %mul3A_812 = arith.constant 32 : i32
      %mul3A_813 = arith.muli %scan3A_757, %mul3A_812 : i32
      %add3A_814 = arith.addi %mul3A_38, %mul3A_813 : i32
      %swap3A_815 = arith.index_cast %add3A_814 : i32 to index
      %swap3A_816 = arith.constant 0 : index
      %swap3A_817 = vector.load %arg7[%swap3A_815, %swap3A_816] : memref<4096x512xbf16, #tpu.memory_space<vmem>>, vector<32x512xbf16>
      tpu.vector_store %arg7[%swap3A_815, %swap3A_816], %convert_element_type3A_811 {strides = array<i32>} : memref<4096x512xbf16, #tpu.memory_space<vmem>>, vector<32x512xbf16>,
      %scan3A_818 = arith.constant 12 : i32
      %scan3A_819 = arith.addi %scan3A_75, %scan3A_818 : i32
      %mul3A_820 = arith.constant 32 : i32
      %mul3A_821 = arith.muli %scan3A_819, %mul3A_820 : i32
      %get3A_822 = arith.index_cast %mul3A_821 : i32 to index
      %get3A_823 = arith.constant 0 : index
      %get3A_824 = vector.load %arg10[%get3A_822, %get3A_823] : memref<4096x2048xbf16, #tpu.memory_space<vmem>>, vector<32x2048xbf16>
      %get3A_825 = arith.constant 0 : index
      %get3A_826 = arith.constant 0 : index
      %get3A_827 = vector.load %arg5[%get3A_825, %get3A_826] : memref<512x2048xbf16, #tpu.memory_space<vmem>>, vector<512x2048xbf16>
      %convert_element_type3A_828 = arith.truncf %mul3A_810 : vector<32x512xf32> to vector<32x512xbf16>
      %dot_general3A_829 = arith.constant dense<0.000000e+00> : vector<32x2048xf32>
      %dot_general3A_830 = tpu.matmul %convert_element_type3A_828, %get3A_827, %dot_general3A_829 {dimension_numbers = #tpu.dot_dimension_numbers<[1], [0], [0], [1], [0, 0, 1, 1], [], []>, transpose_lhs_hint = false} : vector<32x512xbf16>, vector<512x2048xbf16>, vector<32x2048xf32> -> vector<32x2048xf32>
      %convert_element_type3A_831 = arith.extf %get3A_824 : vector<32x2048xbf16> to vector<32x2048xf32>
      %add3A_832 = arith.addf %convert_element_type3A_831, %dot_general3A_830 : vector<32x2048xf32>
      %slice3A_833 = vector.extract_strided_slice %add3A_832 {offsets = [0, 0], sizes = [32, 512], strides = [1, 1]} : vector<32x2048xf32> to vector<32x512xf32>
      %slice3A_834 = vector.extract_strided_slice %add3A_832 {offsets = [0, 512], sizes = [32, 512], strides = [1, 1]} : vector<32x2048xf32> to vector<32x512xf32>
      %slice3A_835 = vector.extract_strided_slice %add3A_832 {offsets = [0, 1024], sizes = [32, 512], strides = [1, 1]} : vector<32x2048xf32> to vector<32x512xf32>
      %slice3A_836 = vector.extract_strided_slice %add3A_832 {offsets = [0, 1536], sizes = [32, 512], strides = [1, 1]} : vector<32x2048xf32> to vector<32x512xf32>
      %mul3A_837 = arith.constant 5.000000e-01 : f32
      %mul3A_838 = vector.broadcast %mul3A_837 : f32 to vector<32x512xf32>
      %mul3A_839 = arith.mulf %mul3A_838, %slice3A_834 : vector<32x512xf32>
      %tanh3A_840 = math.tanh %mul3A_839 : vector<32x512xf32>
      %mul3A_841 = arith.constant 5.000000e-01 : f32
      %mul3A_842 = vector.broadcast %mul3A_841 : f32 to vector<32x512xf32>
      %mul3A_843 = arith.mulf %mul3A_842, %tanh3A_840 : vector<32x512xf32>
      %add3A_844 = arith.constant 5.000000e-01 : f32
      %add3A_845 = vector.broadcast %add3A_844 : f32 to vector<32x512xf32>
      %add3A_846 = arith.addf %mul3A_843, %add3A_845 : vector<32x512xf32>
      %mul3A_847 = arith.mulf %add3A_846, %add3A_798 : vector<32x512xf32>
      %mul3A_848 = arith.constant 5.000000e-01 : f32
      %mul3A_849 = vector.broadcast %mul3A_848 : f32 to vector<32x512xf32>
      %mul3A_850 = arith.mulf %mul3A_849, %slice3A_833 : vector<32x512xf32>
      %tanh3A_851 = math.tanh %mul3A_850 : vector<32x512xf32>
      %mul3A_852 = arith.constant 5.000000e-01 : f32
      %mul3A_853 = vector.broadcast %mul3A_852 : f32 to vector<32x512xf32>
      %mul3A_854 = arith.mulf %mul3A_853, %tanh3A_851 : vector<32x512xf32>
      %add3A_855 = arith.constant 5.000000e-01 : f32
      %add3A_856 = vector.broadcast %add3A_855 : f32 to vector<32x512xf32>
      %add3A_857 = arith.addf %mul3A_854, %add3A_856 : vector<32x512xf32>
      %tanh3A_858 = math.tanh %slice3A_835 : vector<32x512xf32>
      %mul3A_859 = arith.mulf %add3A_857, %tanh3A_858 : vector<32x512xf32>
      %add3A_860 = arith.addf %mul3A_847, %mul3A_859 : vector<32x512xf32>
      %mul3A_861 = arith.constant 5.000000e-01 : f32
      %mul3A_862 = vector.broadcast %mul3A_861 : f32 to vector<32x512xf32>
      %mul3A_863 = arith.mulf %mul3A_862, %slice3A_836 : vector<32x512xf32>
      %tanh3A_864 = math.tanh %mul3A_863 : vector<32x512xf32>
      %mul3A_865 = arith.constant 5.000000e-01 : f32
      %mul3A_866 = vector.broadcast %mul3A_865 : f32 to vector<32x512xf32>
      %mul3A_867 = arith.mulf %mul3A_866, %tanh3A_864 : vector<32x512xf32>
      %add3A_868 = arith.constant 5.000000e-01 : f32
      %add3A_869 = vector.broadcast %add3A_868 : f32 to vector<32x512xf32>
      %add3A_870 = arith.addf %mul3A_867, %add3A_869 : vector<32x512xf32>
      %tanh3A_871 = math.tanh %add3A_860 : vector<32x512xf32>
      %mul3A_872 = arith.mulf %add3A_870, %tanh3A_871 : vector<32x512xf32>
      %convert_element_type3A_873 = arith.truncf %mul3A_872 : vector<32x512xf32> to vector<32x512xbf16>
      %mul3A_874 = arith.constant 32 : i32
      %mul3A_875 = arith.muli %scan3A_819, %mul3A_874 : i32
      %add3A_876 = arith.addi %mul3A_38, %mul3A_875 : i32
      %swap3A_877 = arith.index_cast %add3A_876 : i32 to index
      %swap3A_878 = arith.constant 0 : index
      %swap3A_879 = vector.load %arg7[%swap3A_877, %swap3A_878] : memref<4096x512xbf16, #tpu.memory_space<vmem>>, vector<32x512xbf16>
      tpu.vector_store %arg7[%swap3A_877, %swap3A_878], %convert_element_type3A_873 {strides = array<i32>} : memref<4096x512xbf16, #tpu.memory_space<vmem>>, vector<32x512xbf16>,
      %scan3A_880 = arith.constant 13 : i32
      %scan3A_881 = arith.addi %scan3A_75, %scan3A_880 : i32
      %mul3A_882 = arith.constant 32 : i32
      %mul3A_883 = arith.muli %scan3A_881, %mul3A_882 : i32
      %get3A_884 = arith.index_cast %mul3A_883 : i32 to index
      %get3A_885 = arith.constant 0 : index
      %get3A_886 = vector.load %arg10[%get3A_884, %get3A_885] : memref<4096x2048xbf16, #tpu.memory_space<vmem>>, vector<32x2048xbf16>
      %get3A_887 = arith.constant 0 : index
      %get3A_888 = arith.constant 0 : index
      %get3A_889 = vector.load %arg5[%get3A_887, %get3A_888] : memref<512x2048xbf16, #tpu.memory_space<vmem>>, vector<512x2048xbf16>
      %convert_element_type3A_890 = arith.truncf %mul3A_872 : vector<32x512xf32> to vector<32x512xbf16>
      %dot_general3A_891 = arith.constant dense<0.000000e+00> : vector<32x2048xf32>
      %dot_general3A_892 = tpu.matmul %convert_element_type3A_890, %get3A_889, %dot_general3A_891 {dimension_numbers = #tpu.dot_dimension_numbers<[1], [0], [0], [1], [0, 0, 1, 1], [], []>, transpose_lhs_hint = false} : vector<32x512xbf16>, vector<512x2048xbf16>, vector<32x2048xf32> -> vector<32x2048xf32>
      %convert_element_type3A_893 = arith.extf %get3A_886 : vector<32x2048xbf16> to vector<32x2048xf32>
      %add3A_894 = arith.addf %convert_element_type3A_893, %dot_general3A_892 : vector<32x2048xf32>
      %slice3A_895 = vector.extract_strided_slice %add3A_894 {offsets = [0, 0], sizes = [32, 512], strides = [1, 1]} : vector<32x2048xf32> to vector<32x512xf32>
      %slice3A_896 = vector.extract_strided_slice %add3A_894 {offsets = [0, 512], sizes = [32, 512], strides = [1, 1]} : vector<32x2048xf32> to vector<32x512xf32>
      %slice3A_897 = vector.extract_strided_slice %add3A_894 {offsets = [0, 1024], sizes = [32, 512], strides = [1, 1]} : vector<32x2048xf32> to vector<32x512xf32>
      %slice3A_898 = vector.extract_strided_slice %add3A_894 {offsets = [0, 1536], sizes = [32, 512], strides = [1, 1]} : vector<32x2048xf32> to vector<32x512xf32>
      %mul3A_899 = arith.constant 5.000000e-01 : f32
      %mul3A_900 = vector.broadcast %mul3A_899 : f32 to vector<32x512xf32>
      %mul3A_901 = arith.mulf %mul3A_900, %slice3A_896 : vector<32x512xf32>
      %tanh3A_902 = math.tanh %mul3A_901 : vector<32x512xf32>
      %mul3A_903 = arith.constant 5.000000e-01 : f32
      %mul3A_904 = vector.broadcast %mul3A_903 : f32 to vector<32x512xf32>
      %mul3A_905 = arith.mulf %mul3A_904, %tanh3A_902 : vector<32x512xf32>
      %add3A_906 = arith.constant 5.000000e-01 : f32
      %add3A_907 = vector.broadcast %add3A_906 : f32 to vector<32x512xf32>
      %add3A_908 = arith.addf %mul3A_905, %add3A_907 : vector<32x512xf32>
      %mul3A_909 = arith.mulf %add3A_908, %add3A_860 : vector<32x512xf32>
      %mul3A_910 = arith.constant 5.000000e-01 : f32
      %mul3A_911 = vector.broadcast %mul3A_910 : f32 to vector<32x512xf32>
      %mul3A_912 = arith.mulf %mul3A_911, %slice3A_895 : vector<32x512xf32>
      %tanh3A_913 = math.tanh %mul3A_912 : vector<32x512xf32>
      %mul3A_914 = arith.constant 5.000000e-01 : f32
      %mul3A_915 = vector.broadcast %mul3A_914 : f32 to vector<32x512xf32>
      %mul3A_916 = arith.mulf %mul3A_915, %tanh3A_913 : vector<32x512xf32>
      %add3A_917 = arith.constant 5.000000e-01 : f32
      %add3A_918 = vector.broadcast %add3A_917 : f32 to vector<32x512xf32>
      %add3A_919 = arith.addf %mul3A_916, %add3A_918 : vector<32x512xf32>
      %tanh3A_920 = math.tanh %slice3A_897 : vector<32x512xf32>
      %mul3A_921 = arith.mulf %add3A_919, %tanh3A_920 : vector<32x512xf32>
      %add3A_922 = arith.addf %mul3A_909, %mul3A_921 : vector<32x512xf32>
      %mul3A_923 = arith.constant 5.000000e-01 : f32
      %mul3A_924 = vector.broadcast %mul3A_923 : f32 to vector<32x512xf32>
      %mul3A_925 = arith.mulf %mul3A_924, %slice3A_898 : vector<32x512xf32>
      %tanh3A_926 = math.tanh %mul3A_925 : vector<32x512xf32>
      %mul3A_927 = arith.constant 5.000000e-01 : f32
      %mul3A_928 = vector.broadcast %mul3A_927 : f32 to vector<32x512xf32>
      %mul3A_929 = arith.mulf %mul3A_928, %tanh3A_926 : vector<32x512xf32>
      %add3A_930 = arith.constant 5.000000e-01 : f32
      %add3A_931 = vector.broadcast %add3A_930 : f32 to vector<32x512xf32>
      %add3A_932 = arith.addf %mul3A_929, %add3A_931 : vector<32x512xf32>
      %tanh3A_933 = math.tanh %add3A_922 : vector<32x512xf32>
      %mul3A_934 = arith.mulf %add3A_932, %tanh3A_933 : vector<32x512xf32>
      %convert_element_type3A_935 = arith.truncf %mul3A_934 : vector<32x512xf32> to vector<32x512xbf16>
      %mul3A_936 = arith.constant 32 : i32
      %mul3A_937 = arith.muli %scan3A_881, %mul3A_936 : i32
      %add3A_938 = arith.addi %mul3A_38, %mul3A_937 : i32
      %swap3A_939 = arith.index_cast %add3A_938 : i32 to index
      %swap3A_940 = arith.constant 0 : index
      %swap3A_941 = vector.load %arg7[%swap3A_939, %swap3A_940] : memref<4096x512xbf16, #tpu.memory_space<vmem>>, vector<32x512xbf16>
      tpu.vector_store %arg7[%swap3A_939, %swap3A_940], %convert_element_type3A_935 {strides = array<i32>} : memref<4096x512xbf16, #tpu.memory_space<vmem>>, vector<32x512xbf16>,
      %scan3A_942 = arith.constant 14 : i32
      %scan3A_943 = arith.addi %scan3A_75, %scan3A_942 : i32
      %mul3A_944 = arith.constant 32 : i32
      %mul3A_945 = arith.muli %scan3A_943, %mul3A_944 : i32
      %get3A_946 = arith.index_cast %mul3A_945 : i32 to index
      %get3A_947 = arith.constant 0 : index
      %get3A_948 = vector.load %arg10[%get3A_946, %get3A_947] : memref<4096x2048xbf16, #tpu.memory_space<vmem>>, vector<32x2048xbf16>
      %get3A_949 = arith.constant 0 : index
      %get3A_950 = arith.constant 0 : index
      %get3A_951 = vector.load %arg5[%get3A_949, %get3A_950] : memref<512x2048xbf16, #tpu.memory_space<vmem>>, vector<512x2048xbf16>
      %convert_element_type3A_952 = arith.truncf %mul3A_934 : vector<32x512xf32> to vector<32x512xbf16>
      %dot_general3A_953 = arith.constant dense<0.000000e+00> : vector<32x2048xf32>
      %dot_general3A_954 = tpu.matmul %convert_element_type3A_952, %get3A_951, %dot_general3A_953 {dimension_numbers = #tpu.dot_dimension_numbers<[1], [0], [0], [1], [0, 0, 1, 1], [], []>, transpose_lhs_hint = false} : vector<32x512xbf16>, vector<512x2048xbf16>, vector<32x2048xf32> -> vector<32x2048xf32>
      %convert_element_type3A_955 = arith.extf %get3A_948 : vector<32x2048xbf16> to vector<32x2048xf32>
      %add3A_956 = arith.addf %convert_element_type3A_955, %dot_general3A_954 : vector<32x2048xf32>
      %slice3A_957 = vector.extract_strided_slice %add3A_956 {offsets = [0, 0], sizes = [32, 512], strides = [1, 1]} : vector<32x2048xf32> to vector<32x512xf32>
      %slice3A_958 = vector.extract_strided_slice %add3A_956 {offsets = [0, 512], sizes = [32, 512], strides = [1, 1]} : vector<32x2048xf32> to vector<32x512xf32>
      %slice3A_959 = vector.extract_strided_slice %add3A_956 {offsets = [0, 1024], sizes = [32, 512], strides = [1, 1]} : vector<32x2048xf32> to vector<32x512xf32>
      %slice3A_960 = vector.extract_strided_slice %add3A_956 {offsets = [0, 1536], sizes = [32, 512], strides = [1, 1]} : vector<32x2048xf32> to vector<32x512xf32>
      %mul3A_961 = arith.constant 5.000000e-01 : f32
      %mul3A_962 = vector.broadcast %mul3A_961 : f32 to vector<32x512xf32>
      %mul3A_963 = arith.mulf %mul3A_962, %slice3A_958 : vector<32x512xf32>
      %tanh3A_964 = math.tanh %mul3A_963 : vector<32x512xf32>
      %mul3A_965 = arith.constant 5.000000e-01 : f32
      %mul3A_966 = vector.broadcast %mul3A_965 : f32 to vector<32x512xf32>
      %mul3A_967 = arith.mulf %mul3A_966, %tanh3A_964 : vector<32x512xf32>
      %add3A_968 = arith.constant 5.000000e-01 : f32
      %add3A_969 = vector.broadcast %add3A_968 : f32 to vector<32x512xf32>
      %add3A_970 = arith.addf %mul3A_967, %add3A_969 : vector<32x512xf32>
      %mul3A_971 = arith.mulf %add3A_970, %add3A_922 : vector<32x512xf32>
      %mul3A_972 = arith.constant 5.000000e-01 : f32
      %mul3A_973 = vector.broadcast %mul3A_972 : f32 to vector<32x512xf32>
      %mul3A_974 = arith.mulf %mul3A_973, %slice3A_957 : vector<32x512xf32>
      %tanh3A_975 = math.tanh %mul3A_974 : vector<32x512xf32>
      %mul3A_976 = arith.constant 5.000000e-01 : f32
      %mul3A_977 = vector.broadcast %mul3A_976 : f32 to vector<32x512xf32>
      %mul3A_978 = arith.mulf %mul3A_977, %tanh3A_975 : vector<32x512xf32>
      %add3A_979 = arith.constant 5.000000e-01 : f32
      %add3A_980 = vector.broadcast %add3A_979 : f32 to vector<32x512xf32>
      %add3A_981 = arith.addf %mul3A_978, %add3A_980 : vector<32x512xf32>
      %tanh3A_982 = math.tanh %slice3A_959 : vector<32x512xf32>
      %mul3A_983 = arith.mulf %add3A_981, %tanh3A_982 : vector<32x512xf32>
      %add3A_984 = arith.addf %mul3A_971, %mul3A_983 : vector<32x512xf32>
      %mul3A_985 = arith.constant 5.000000e-01 : f32
      %mul3A_986 = vector.broadcast %mul3A_985 : f32 to vector<32x512xf32>
      %mul3A_987 = arith.mulf %mul3A_986, %slice3A_960 : vector<32x512xf32>
      %tanh3A_988 = math.tanh %mul3A_987 : vector<32x512xf32>
      %mul3A_989 = arith.constant 5.000000e-01 : f32
      %mul3A_990 = vector.broadcast %mul3A_989 : f32 to vector<32x512xf32>
      %mul3A_991 = arith.mulf %mul3A_990, %tanh3A_988 : vector<32x512xf32>
      %add3A_992 = arith.constant 5.000000e-01 : f32
      %add3A_993 = vector.broadcast %add3A_992 : f32 to vector<32x512xf32>
      %add3A_994 = arith.addf %mul3A_991, %add3A_993 : vector<32x512xf32>
      %tanh3A_995 = math.tanh %add3A_984 : vector<32x512xf32>
      %mul3A_996 = arith.mulf %add3A_994, %tanh3A_995 : vector<32x512xf32>
      %convert_element_type3A_997 = arith.truncf %mul3A_996 : vector<32x512xf32> to vector<32x512xbf16>
      %mul3A_998 = arith.constant 32 : i32
      %mul3A_999 = arith.muli %scan3A_943, %mul3A_998 : i32
      %add3A_1000 = arith.addi %mul3A_38, %mul3A_999 : i32
      %swap3A_1001 = arith.index_cast %add3A_1000 : i32 to index
      %swap3A_1002 = arith.constant 0 : index
      %swap3A_1003 = vector.load %arg7[%swap3A_1001, %swap3A_1002] : memref<4096x512xbf16, #tpu.memory_space<vmem>>, vector<32x512xbf16>
      tpu.vector_store %arg7[%swap3A_1001, %swap3A_1002], %convert_element_type3A_997 {strides = array<i32>} : memref<4096x512xbf16, #tpu.memory_space<vmem>>, vector<32x512xbf16>,
      %scan3A_1004 = arith.constant 15 : i32
      %scan3A_1005 = arith.addi %scan3A_75, %scan3A_1004 : i32
      %mul3A_1006 = arith.constant 32 : i32
      %mul3A_1007 = arith.muli %scan3A_1005, %mul3A_1006 : i32
      %get3A_1008 = arith.index_cast %mul3A_1007 : i32 to index
      %get3A_1009 = arith.constant 0 : index
      %get3A_1010 = vector.load %arg10[%get3A_1008, %get3A_1009] : memref<4096x2048xbf16, #tpu.memory_space<vmem>>, vector<32x2048xbf16>
      %get3A_1011 = arith.constant 0 : index
      %get3A_1012 = arith.constant 0 : index
      %get3A_1013 = vector.load %arg5[%get3A_1011, %get3A_1012] : memref<512x2048xbf16, #tpu.memory_space<vmem>>, vector<512x2048xbf16>
      %convert_element_type3A_1014 = arith.truncf %mul3A_996 : vector<32x512xf32> to vector<32x512xbf16>
      %dot_general3A_1015 = arith.constant dense<0.000000e+00> : vector<32x2048xf32>
      %dot_general3A_1016 = tpu.matmul %convert_element_type3A_1014, %get3A_1013, %dot_general3A_1015 {dimension_numbers = #tpu.dot_dimension_numbers<[1], [0], [0], [1], [0, 0, 1, 1], [], []>, transpose_lhs_hint = false} : vector<32x512xbf16>, vector<512x2048xbf16>, vector<32x2048xf32> -> vector<32x2048xf32>
      %convert_element_type3A_1017 = arith.extf %get3A_1010 : vector<32x2048xbf16> to vector<32x2048xf32>
      %add3A_1018 = arith.addf %convert_element_type3A_1017, %dot_general3A_1016 : vector<32x2048xf32>
      %slice3A_1019 = vector.extract_strided_slice %add3A_1018 {offsets = [0, 0], sizes = [32, 512], strides = [1, 1]} : vector<32x2048xf32> to vector<32x512xf32>
      %slice3A_1020 = vector.extract_strided_slice %add3A_1018 {offsets = [0, 512], sizes = [32, 512], strides = [1, 1]} : vector<32x2048xf32> to vector<32x512xf32>
      %slice3A_1021 = vector.extract_strided_slice %add3A_1018 {offsets = [0, 1024], sizes = [32, 512], strides = [1, 1]} : vector<32x2048xf32> to vector<32x512xf32>
      %slice3A_1022 = vector.extract_strided_slice %add3A_1018 {offsets = [0, 1536], sizes = [32, 512], strides = [1, 1]} : vector<32x2048xf32> to vector<32x512xf32>
      %mul3A_1023 = arith.constant 5.000000e-01 : f32
      %mul3A_1024 = vector.broadcast %mul3A_1023 : f32 to vector<32x512xf32>
      %mul3A_1025 = arith.mulf %mul3A_1024, %slice3A_1020 : vector<32x512xf32>
      %tanh3A_1026 = math.tanh %mul3A_1025 : vector<32x512xf32>
      %mul3A_1027 = arith.constant 5.000000e-01 : f32
      %mul3A_1028 = vector.broadcast %mul3A_1027 : f32 to vector<32x512xf32>
      %mul3A_1029 = arith.mulf %mul3A_1028, %tanh3A_1026 : vector<32x512xf32>
      %add3A_1030 = arith.constant 5.000000e-01 : f32
      %add3A_1031 = vector.broadcast %add3A_1030 : f32 to vector<32x512xf32>
      %add3A_1032 = arith.addf %mul3A_1029, %add3A_1031 : vector<32x512xf32>
      %mul3A_1033 = arith.mulf %add3A_1032, %add3A_984 : vector<32x512xf32>
      %mul3A_1034 = arith.constant 5.000000e-01 : f32
      %mul3A_1035 = vector.broadcast %mul3A_1034 : f32 to vector<32x512xf32>
      %mul3A_1036 = arith.mulf %mul3A_1035, %slice3A_1019 : vector<32x512xf32>
      %tanh3A_1037 = math.tanh %mul3A_1036 : vector<32x512xf32>
      %mul3A_1038 = arith.constant 5.000000e-01 : f32
      %mul3A_1039 = vector.broadcast %mul3A_1038 : f32 to vector<32x512xf32>
      %mul3A_1040 = arith.mulf %mul3A_1039, %tanh3A_1037 : vector<32x512xf32>
      %add3A_1041 = arith.constant 5.000000e-01 : f32
      %add3A_1042 = vector.broadcast %add3A_1041 : f32 to vector<32x512xf32>
      %add3A_1043 = arith.addf %mul3A_1040, %add3A_1042 : vector<32x512xf32>
      %tanh3A_1044 = math.tanh %slice3A_1021 : vector<32x512xf32>
      %mul3A_1045 = arith.mulf %add3A_1043, %tanh3A_1044 : vector<32x512xf32>
      %add3A_1046 = arith.addf %mul3A_1033, %mul3A_1045 : vector<32x512xf32>
      %mul3A_1047 = arith.constant 5.000000e-01 : f32
      %mul3A_1048 = vector.broadcast %mul3A_1047 : f32 to vector<32x512xf32>
      %mul3A_1049 = arith.mulf %mul3A_1048, %slice3A_1022 : vector<32x512xf32>
      %tanh3A_1050 = math.tanh %mul3A_1049 : vector<32x512xf32>
      %mul3A_1051 = arith.constant 5.000000e-01 : f32
      %mul3A_1052 = vector.broadcast %mul3A_1051 : f32 to vector<32x512xf32>
      %mul3A_1053 = arith.mulf %mul3A_1052, %tanh3A_1050 : vector<32x512xf32>
      %add3A_1054 = arith.constant 5.000000e-01 : f32
      %add3A_1055 = vector.broadcast %add3A_1054 : f32 to vector<32x512xf32>
      %add3A_1056 = arith.addf %mul3A_1053, %add3A_1055 : vector<32x512xf32>
      %tanh3A_1057 = math.tanh %add3A_1046 : vector<32x512xf32>
      %mul3A_1058 = arith.mulf %add3A_1056, %tanh3A_1057 : vector<32x512xf32>
      %convert_element_type3A_1059 = arith.truncf %mul3A_1058 : vector<32x512xf32> to vector<32x512xbf16>
      %mul3A_1060 = arith.constant 32 : i32
      %mul3A_1061 = arith.muli %scan3A_1005, %mul3A_1060 : i32
      %add3A_1062 = arith.addi %mul3A_38, %mul3A_1061 : i32
      %swap3A_1063 = arith.index_cast %add3A_1062 : i32 to index
      %swap3A_1064 = arith.constant 0 : index
      %swap3A_1065 = vector.load %arg7[%swap3A_1063, %swap3A_1064] : memref<4096x512xbf16, #tpu.memory_space<vmem>>, vector<32x512xbf16>
      tpu.vector_store %arg7[%swap3A_1063, %swap3A_1064], %convert_element_type3A_1059 {strides = array<i32>} : memref<4096x512xbf16, #tpu.memory_space<vmem>>, vector<32x512xbf16>,
      scf.yield %mul3A_1058, %add3A_1046 : vector<32x512xf32>, vector<32x512xf32>
    }
    %scan3A_61 = arith.constant 128 : i32
    %scan3A_62 = arith.constant 1 : i32
    %swap3A_63 = arith.constant 1 : index
    %swap3A_64 = arith.constant 0 : index
    %swap3A_65 = arith.constant 0 : index
    %swap3A_66 = vector.load %arg8[%swap3A_63, %swap3A_64, %swap3A_65] : memref<2x32x512xf32, #tpu.memory_space<vmem>>, vector<1x32x512xf32>
    %swap3A_67 = vector.shape_cast %swap3A_66 : vector<1x32x512xf32> to vector<32x512xf32>
    %swap3A_68 = vector.shape_cast %scan3A_60#0 : vector<32x512xf32> to vector<1x32x512xf32>
    tpu.vector_store %arg8[%swap3A_63, %swap3A_64, %swap3A_65], %swap3A_68 {strides = array<i32>} : memref<2x32x512xf32, #tpu.memory_space<vmem>>, vector<1x32x512xf32>,
    %swap3A_69 = arith.constant 1 : index
    %swap3A_70 = arith.constant 0 : index
    %swap3A_71 = arith.constant 0 : index
    %swap3A_72 = vector.load %arg9[%swap3A_69, %swap3A_70, %swap3A_71] : memref<2x32x512xf32, #tpu.memory_space<vmem>>, vector<1x32x512xf32>
    %swap3A_73 = vector.shape_cast %swap3A_72 : vector<1x32x512xf32> to vector<32x512xf32>
    %swap3A_74 = vector.shape_cast %scan3A_60#1 : vector<32x512xf32> to vector<1x32x512xf32>
    tpu.vector_store %arg9[%swap3A_69, %swap3A_70, %swap3A_71], %swap3A_74 {strides = array<i32>} : memref<2x32x512xf32, #tpu.memory_space<vmem>>, vector<1x32x512xf32>,
    return
  }
}

</mosaic_0001>

<sc_bundles>
// kernel: kernel.5.cloned.1.call-start
scs
__scs_entry_jumppad:
0x0: {  	(pc) =	sbr.rel $0x88, $3  }
0x1: {  	(tag) =	ssettag $0x0;
	lr =	simm.s32 $0x1  }
0x2: {  	[smem:$0x3F93] =	sst lr;
	_ =	strace $0xD0000000  }
0x3: {  	_ = 	snop  }
0x4: {  	_ = 	snop  }
0x5: {  	_ = 	snop  }
0x6: {  	_ = 	snop  }
0x7: {  	_ = 	snop  }
__scs_overlays_trampoline_lowered:
0x8: {  	[smem:$0x3FA2] =	sst s0  }
0x9: {  	[smem:$0x3FA3] =	sst s1  }
0xa: {  	[smem:$0x3FA4] =	sst s2  }
0xb: {  	[smem:$0x3FA5] =	sst s3  }
0xc: {  	[smem:$0x3FA6] =	sst s4  }
0xd: {  	[smem:$0x3FA7] =	sst s5  }
0xe: {  	[smem:$0x3FA8] =	sst s6  }
0xf: {  	[smem:$0x3FA9] =	sst s7  }
0x10: {  	[smem:$0x3FAA] =	sst s8  }
0x11: {  	[smem:$0x3FAB] =	sst s9;
	s0 =	simm.s32 @!p0 $0x0  }
0x12: {  	s1 =	sld [smem:$0x3F91];
	s0 =	simm.s32 @p0 $0x1  }
0x13: {  	[smem:$0x3FAC] =	sst s0;
	s0 =	simm.s32 @!p1 $0x0  }
0x14: {  	s2 =	sld [smem:$0x3F90];
	s0 =	simm.s32 @p1 $0x1  }
0x15: {  	[smem:$0x3FAD] =	sst s0;
	s0 =	simm.s32 @!p2 $0x0  }
0x16: {  	s3 =	sld [smem:$0x3FDB];
	s0 =	simm.s32 @p2 $0x1  }
0x17: {  	s4 =	simm.s32 $0x1BF5;
	[smem:$0x3FAF] =	sst s0  }
0x18: {  	s0 =	sld [smem:$0x3F92];
	_ =	swait.ge [sflag:s4], $0x0  }
0x19: {  	s7 =	sld [smem:$0x3F93]  }
0x1a: {  	s8 =	sadd.s32 $0xFFFFE003, lr  }
0x1b: {  	s9 =	sadd.s32 $0xFFFFFEF7, lr;
	s5 =	simm.s32 $0xFFFFFFFF;
	p2 =	slt.u32 s8, $0xFFFFF086  }
0x1c: {  	p1 =	slt.u32 s9, $0xF7A;
	s5 =	simm.s32 @!p2 $0x0  }
0x1d: {  	s5 =	simm.s32 @p1 $0x1;
	p0 =	seq.s32 s7, s2  }
0x1e: {  	s7 =	smul.u32 @!p0 $0xF7A, s2;
	p2 =	seq.s32 @!p0 s5, $0x0  }
0x1f: {  	s9 =	smul.u32 $0xF7A, s1;
	s8 =	simm.s32 @!p0 $0x1BF5;
	p2 =	por !p2, p0  }
0x20: {  	[sflag:s8] =	ssyncset.s32 @!p0 $0xFFFFF086;
	s6 =	sadd.s32 @!p0 s3, s7;
	s7 =	simm.s32 @!p0 $0x108  }
0x21: {  	s3 =	sadd.s32 s3, s9;
	s6 =	sadd.s32 @!p0 $0x88, s6;
	s7 =	simm.s32 @p2 $0x1082  }
0x22: {  	[simem:s7], [sflag:s8] =	dma.local @!p0 [hbm:s6], $0xF7A  }
0x23: {  	s9 =	sor.u32 $0xD0000000, s2;
	s6 =	simm.s32 $0x108;
	_ =	swait.ge @!p0 [sflag:s8], $0x0  }
0x24: {  	s3 =	sadd.s32 $0x88, s3;
	s6 =	simm.s32 @!p1 $0x1082;
	[sflag:s4] =	ssyncset.s32 $0xFFFFF086  }
0x25: {  	[simem:s6], [sflag:s4] =	dma.local [hbm:s3], $0xF7A  }
0x26: {  	[smem:$0x3F93] =	sst s1;
	(tag) =	ssettag s2;
	_ =	strace s9  }
0x27: {  	s1 =	sld [smem:$0x3FA3]  }
0x28: {  	s2 =	sld [smem:$0x3FA4]  }
0x29: {  	s4 =	sld [smem:$0x3FA6]  }
0x2a: {  	p0 =	seq.s32 s5, $0x0;
	s5 =	sld [smem:$0x3FA7]  }
0x2b: {  	s6 =	sld [smem:$0x3FA8]  }
0x2c: {  	s7 =	sld [smem:$0x3FA9]  }
0x2d: {  	s3 =	simm.s32 $0x108;
	s8 =	sld [smem:$0x3FAA]  }
0x2e: {  	s3 =	simm.s32 @!p0 $0x1082;
	s9 =	sld [smem:$0x3FAB]  }
0x2f: {  	lr =	sadd.s32 s0, s3;
	s0 =	sld [smem:$0x3FA2]  }
0x30: {  	s3 =	sld [smem:$0x3FA5]  }
0x31: {  	[smem:$0x3FAE] =	sst s10  }
0x32: {  	s10 =	sld [smem:$0x3FAC];
	_ =	sdelay $0x3  }
0x33: {  	p0 =	seq.s32 s10, $0x1;
	s10 =	sld [smem:$0x3FAE];
	_ =	sdelay $0x3  }
0x34: {  	[smem:$0x3FAE] =	sst s10  }
0x35: {  	s10 =	sld [smem:$0x3FAD];
	_ =	sdelay $0x3  }
0x36: {  	p1 =	seq.s32 s10, $0x1;
	s10 =	sld [smem:$0x3FAE];
	_ =	sdelay $0x3  }
0x37: {  	[smem:$0x3FAE] =	sst s10  }
0x38: {  	s10 =	sld [smem:$0x3FAF]  }
0x39: {  	_ = 	snop;
	(pc) =	sbr.ind lr, $3  }
0x3a: {  	_ = 	snop  }
0x3b: {  	_ = 	snop  }
0x3c: {  	p2 =	seq.s32 s10, $0x1;
	s10 =	sld [smem:$0x3FAE]  }
0x3d: {  	_ =	shalt  }
0x3e: {  	_ =	shalt  }
0x3f: {  	_ =	shalt  }
0x40: {  	_ =	shalt  }
0x41: {  	_ =	shalt  }
0x42: {  	_ =	shalt  }
0x43: {  	_ =	shalt  }
0x44: {  	_ =	shalt  }
0x45: {  	_ =	shalt  }
0x46: {  	_ =	shalt  }
0x47: {  	_ =	shalt  }
0x48: {  	_ =	shalt  }
0x49: {  	_ =	shalt  }
0x4a: {  	_ =	shalt  }
0x4b: {  	_ =	shalt  }
0x4c: {  	_ =	shalt  }
0x4d: {  	_ =	shalt  }
0x4e: {  	_ =	shalt  }
0x4f: {  	_ =	shalt  }
0x50: {  	_ =	shalt  }
0x51: {  	_ =	shalt  }
0x52: {  	_ =	shalt  }
0x53: {  	_ =	shalt  }
0x54: {  	_ =	shalt  }
0x55: {  	_ =	shalt  }
0x56: {  	_ =	shalt  }
0x57: {  	_ =	shalt  }
0x58: {  	_ =	shalt  }
0x59: {  	_ =	shalt  }
0x5a: {  	_ =	shalt  }
0x5b: {  	_ =	shalt  }
0x5c: {  	_ =	shalt  }
0x5d: {  	_ =	shalt  }
0x5e: {  	_ =	shalt  }
0x5f: {  	_ =	shalt  }
0x60: {  	_ =	shalt  }
0x61: {  	_ =	shalt  }
0x62: {  	_ =	shalt  }
0x63: {  	_ =	shalt  }
0x64: {  	_ =	shalt  }
0x65: {  	_ =	shalt  }
0x66: {  	_ =	shalt  }
0x67: {  	_ =	shalt  }
0x68: {  	_ =	shalt  }
0x69: {  	_ =	shalt  }
0x6a: {  	_ =	shalt  }
0x6b: {  	_ =	shalt  }
0x6c: {  	_ =	shalt  }
0x6d: {  	_ =	shalt  }
0x6e: {  	_ =	shalt  }
0x6f: {  	_ =	shalt  }
0x70: {  	_ =	shalt  }
0x71: {  	_ =	shalt  }
0x72: {  	_ =	shalt  }
0x73: {  	_ =	shalt  }
0x74: {  	_ =	shalt  }
0x75: {  	_ =	shalt  }
0x76: {  	_ =	shalt  }
0x77: {  	_ =	shalt  }
0x78: {  	_ =	shalt  }
0x79: {  	_ =	shalt  }
0x7a: {  	_ =	shalt  }
0x7b: {  	_ =	shalt  }
0x7c: {  	_ =	shalt  }
0x7d: {  	_ =	shalt  }
0x7e: {  	_ =	shalt  }
0x7f: {  	_ =	shalt  }
0x80: {  	_ =	shalt  }
0x81: {  	_ =	shalt  }
0x82: {  	_ =	shalt  }
0x83: {  	_ =	shalt  }
0x84: {  	_ =	shalt  }
0x85: {  	_ =	shalt  }
0x86: {  	_ =	shalt  }
0x87: {  	_ =	shalt  }
.Lfunc_end0:
.L_simem_size_0:
called_computation_lowered:
.L_overlay_start_0:
0x88: {  	s2 =	sld [smem:$0x3FD9]  }
0x89: {  	s3 =	sld [smem:$0x3FFE];
	_ =	sdelay $0x1  }
0x8a: {  	s1 =	srdreg.scid  }
0x8b: {  	s0 =	sand.u32 $0x1, s1  }
0x8c: {  	s15 =	sshll.u32 s0, $0xA;
	s2 =	sadd.s32 s3, s2  }
0x8d: {  	s2 =	sadd.s32 s2, s15  }
0x8e: {  	[smem:$0x3FBA] =	sst s2  }
0x8f: {  	_ = 	snop  }
0x90: {  	s2 =	sld [smem:$0x3FD0];
	_ =	sdelay $0x2  }
0x91: {  	s4 =	simm.s32 $0xA;
	s5 =	simm.s32 $0x10;
	s16 =	sld [smem:$0x3FC8]  }
0x92: {  	[smem:s5], [sflag:s4] =	dma.local [hbm:s2], $0x1  }
0x93: {  	_ =	swait.eq [sflag:s4], $0x1  }
0x94: {  	[sflag:s4] =	ssyncset.done $0x0  }
0x95: {  	s17 =	sld [smem:$0x10];
	[sflag:s4] =	ssyncadd.s32 $0xFFFFFFFF  }
0x96: {  	s18 =	sld [smem:$0x12];
	(tm) =	ssettm $0x1  }
0x97: {  	s19 =	sld [smem:$0x3FFB];
	_ =	sdelay $0x3  }
0x98: {  	_ =	strace s19  }
0x99: {  	s5 =	sld [smem:$0x3FFC];
	_ =	sdelay $0x3  }
0x9a: {  	_ =	strace s5  }
0x9b: {  	s5 =	sld [smem:$0x3FFD];
	_ =	sdelay $0x3  }
0x9c: {  	_ =	strace s5  }
0x9d: {  	_ =	strace $0x8FFFFFFF  }
0x9e: {  	s20 =	sld [smem:$0x3FDB];
	_ =	sdelay $0x1  }
0x9f: {  	s6 =	simm.s32 $_scs_section_size  }
0xa0: {  	s7 =	simm.s32 $_size__tile_overlayer_lowered;
	s8 =	simm.s32 $_tile_overlayer_lowered  }
0xa1: {  	s23 =	simm.s32 $0x1BFF;
	s22 =	sshll.u32 s8, $0x1;
	s5 =	sadd.s32 s6, s20  }
0xa2: {  	s9 =	simm.s32 $0x0;
	s21 =	sshll.u32 s7, $0x1;
	s7 =	sadd.s32 s22, s5  }
0xa3: {  	[timem:s9], [sflag:s23] =	dma.local [hbm:s7], s21  }
0xa4: {  	_ =	swait.ge [sflag:s23], s21  }
0xa5: {  	s6 =	ssub.s32 $0x0, s21;
	[sflag:s23] =	ssyncset.done $0x0  }
0xa6: {  	[sflag:s23] =	ssyncadd.s32 s6;
	_ =	sdelay $0x1  }
0xa7: {  	s24 =	simm.s32 $0x1B8B  }
0xa8: {  	_ =	swait.ge [sflag:s24], $0x1  }
0xa9: {  	[sflag:s24] =	ssyncset.done $0x0  }
0xaa: {  	s25 =	simm.s32 $0x1B8E;
	[sflag:s24] =	ssyncadd.s32 $0xFFFFFFFF  }
0xab: {  	s26 =	simm.s32 $execute0_lowered;
	[smem:$0x3FD2] =	sst s25  }
0xac: {  	s6 =	sshll.u32 s26, $0x1;
	_ =	strace $0x80000046;
	[dreg:$0x1] =	wrdreg $0xFFFFFFFF  }
0xad: {  	s28 =	simm.s32 $_size_execute0_lowered;
	s5 =	sadd.s32 s5, s6;
	[dreg:$0x0] =	wrdreg $0x0  }
0xae: {  	s6 =	sshll.u32 s28, $0x1;
	[dreg:$0x2] =	wrdreg s5  }
0xaf: {  	[dreg:$0x3] =	wrdreg s6  }
0xb0: {  	[dreg:$0x4] =	wrdreg $0xC0  }
0xb1: {  	_ =	task [dreg:s9], $0x5FFFF  }
0xb2: {  	[dreg:$0x1] =	wrdreg $0xFFFFFFFF  }
0xb3: {  	[dreg:$0x0] =	wrdreg $0x60  }
0xb4: {  	[dreg:$0x2] =	wrdreg s16  }
0xb5: {  	[dreg:$0x3] =	wrdreg s18  }
0xb6: {  	[dreg:$0x4] =	wrdreg s17  }
0xb7: {  	[dreg:$0x5] =	wrdreg $0x9  }
0xb8: {  	_ =	task.clear_ibuf [dreg:s9], $0x6FFFF;
	_ =	strace $0x90000046  }
0xb9: {  	s29 =	simm.s32 $0x9;
	_ =	strace $0x8000004D  }
0xba: {  	_ =	swait.ge [sflag:s29], $0x1  }
0xbb: {  	[sflag:s29] =	ssyncadd.s32 $0xFFFFFFFF  }
0xbc: {  	_ =	strace $0x9000004D  }
0xbd: {  	_ =	sfence  }
0xbe: {  	s30 =	sld [smem:$0x0];
	_ =	sdelay $0x2  }
0xbf: {  	s31 =	sshll.u32 s1, $0xD;
	s1 =	sshrl.u32 s1, $0x2  }
0xc0: {  	s3 =	sand.u32 $0x4000, s31;
	s1 =	sadd.s32 s1, s30  }
0xc1: {  	s0 =	sor.u32 s3, s0;
	s1 =	sshll.u32 s1, $0x11  }
0xc2: {  	s0 =	sor.u32 s1, s0  }
0xc3: {  	s0 =	sadd.s32 $0x8F2B, s0  }
0xc4: {  	[sflag:s0] =	ssyncadd.remote.s32 $0x1  }
0xc5: {  	_ =	sfence.sel $0xFFFF  }
0xc6: {  	[dreg:$0x0] =	wrdreg $0xFFFFFFFF;
	(pc) =	sbr.abs _section_cstart, $3  }
0xc7: {  	[dreg:$0x1] =	wrdreg $0xFFFFFFFF  }
0xc8: {  	_ =	task.clear_ibuf [dreg:s9], $0x2FFFF;
	_ =	strace $0x9FFFFFFF  }
0xc9: {  	(tm) =	ssettm $0x7FFFFFFF  }
tec
execute0_lowered:
.L_overlay_start_1:
0x0: {  	(tag) =	ssettag $0x1  }
0x1: {  	s1 =	rddreg [dreg:$0x0]  }
0x2: {  	s4 =	rddreg [dreg:$0x1]  }
0x3: {  	s5 =	rddreg [dreg:$0x2];
	s3 =	srdreg.scid  }
0x4: {  	s0 =	rddreg [dreg:$0x3];
	s2 =	stileid.u32;
	s10 =	simm.s32 $0x1100  }
0x5: {  	s11 =	simm.s32 $0x1900;
	s12 =	simm.s32 $0x2100;
	s13 =	simm.s32 $0x2900  }
0x6: {  	s14 =	simm.s32 $0x3100;
	s15 =	simm.s32 $0x3900;
	s16 =	simm.s32 $0x4100  }
0x7: {  	s17 =	simm.s32 $0x4900;
	s18 =	simm.s32 $0x5100;
	s19 =	simm.s32 $0x5900  }
0x8: {  	s20 =	simm.s32 $0x6100;
	s21 =	simm.s32 $0x6900;
	s22 =	simm.s32 $0x7100  }
0x9: {  	s23 =	simm.s32 $0x7900;
	s24 =	simm.s32 $0x5;
	s25 =	simm.s32 $0x3  }
0xa: {  	s6 =	sand.u32 $0x1, s3;
	s3 =	simm.s32 $0x0;
	s8 =	sshll.u32 s2, $0x7  }
0xb: {  	s7 =	sshll.u32 s6, $0xB;
	[smem:$0x7FF] =	sst s3;
	s6 =	ssub.s32 $0x2, s6  }
0xc: {  	s7 =	sor.u32 s8, s7;
	_ =	strace $0x80000047;
	s31 =	sshrl.u32 s6, $0x1  }
0xd: {  	v2 =	vlaneseq.u32;
	s8 =	simm.s32 $0x100;
	s9 =	sshrl.u32 s7, $0x3;
	s7 =	sshll.u32 s7, $0x5  }
0xe: {  	vm0 =	vmmov $0xffff;
	v1 =	vshrl.u32 v2, $0x3;
	s6 =	ssub.s32 s6, s31;
	s4 =	sadd.s32 s4, s9;
	s5 =	sadd.s32 s5, s7  }
0xf: {  	v0 =	vand.u32 $0x7, v2;
	v2 =	vor.u32 $0x8, v2;
	v1 =	vmul.u32 $0x8, v1;
	s6 =	smax.u32 s6, $0x1;
	s7 =	simm.s32 $0x1;
	s9 =	simm.s32 $0x900  }
.LBB2_1:
0x10: {  	_ =	strace $0x80000048  }
0x11: {  	[tilespmem:s3], [sflag:$0x1] =	stream.linear.gather [hbm4b:s4+s3], $0x80, $0x200038;
	[tilespmem:$0x10100] =	vst v63  }
0x12: {  	_ =	strace $0x90000048  }
0x13: {  	_ =	strace $0x80000049  }
0x14: {  	_ =	swait.ge [sflag:s7], $0x80  }
0x15: {  	[sflag:s7] =	ssyncset.done $0x0  }
0x16: {  	[sflag:s7] =	ssyncadd.s32 $0xFFFFFF80  }
0x17: {  	_ =	strace $0x90000049  }
0x18: {  	_ =	strace $0x8000004A  }
0x19: {  	v3 =	vld [tilespmem:$0x0];
	_ =	sdelay $0x4  }
0x1a: {  	v4 =	vshll.u32 v3, $0x1  }
0x1b: {  	v3 =	vand.u32 $0x7, v3;
	v4 =	vand.u32 $0xFFFFFFF0, v4  }
0x1c: {  	v3 =	vor.u32 v3, v4  }
0x1d: {  	v4 =	vperm.xlane v3, v0;
	_ =	sdelay $0x1  }
0x1e: {  	v3 =	vperm.xlane v3, v2;
	v4 =	vadd.s32 v1, v4;
	_ =	sdelay $0x1  }
0x1f: {  	v3 =	vadd.s32 v1, v3;
	_ =	sdelay $0x2  }
0x20: {  	[tilespmem:s8], [sflag:$0x5] =	stream.indirect_vreg.gather [hbm4b:s1+s3], $0x80, v4, vm0, $0x2000b8;
	[tilespmem:$0x10100] =	vst v63  }
0x21: {  	_ = 	snop  }
0x22: {  	[tilespmem:s9], [sflag:$0x5] =	stream.indirect_vreg.gather [hbm4b:s1+s3], $0x80, v3, vm0, $0x2000b8;
	[tilespmem:$0x10100] =	vst v63  }
0x23: {  	v3 =	vld [tilespmem:$0x10];
	_ =	sdelay $0x4  }
0x24: {  	v57 =	vshll.u32 v3, $0x1  }
0x25: {  	v3 =	vand.u32 $0x7, v3;
	v4 =	vand.u32 $0xFFFFFFF0, v57  }
0x26: {  	v3 =	vor.u32 v3, v4  }
0x27: {  	v4 =	vperm.xlane v3, v0;
	_ =	sdelay $0x1  }
0x28: {  	v3 =	vperm.xlane v3, v2;
	v4 =	vadd.s32 v1, v4;
	_ =	sdelay $0x1  }
0x29: {  	v3 =	vadd.s32 v1, v3;
	_ =	sdelay $0x2  }
0x2a: {  	[tilespmem:s10], [sflag:$0x5] =	stream.indirect_vreg.gather [hbm4b:s1+s3], $0x80, v4, vm0, $0x2000b8;
	[tilespmem:$0x10100] =	vst v63  }
0x2b: {  	_ = 	snop  }
0x2c: {  	[tilespmem:s11], [sflag:$0x5] =	stream.indirect_vreg.gather [hbm4b:s1+s3], $0x80, v3, vm0, $0x2000b8;
	[tilespmem:$0x10100] =	vst v63  }
0x2d: {  	v3 =	vld [tilespmem:$0x20];
	_ =	sdelay $0x4  }
0x2e: {  	v58 =	vshll.u32 v3, $0x1  }
0x2f: {  	v3 =	vand.u32 $0x7, v3;
	v4 =	vand.u32 $0xFFFFFFF0, v58  }
0x30: {  	v3 =	vor.u32 v3, v4  }
0x31: {  	v4 =	vperm.xlane v3, v0;
	_ =	sdelay $0x1  }
0x32: {  	v3 =	vperm.xlane v3, v2;
	v4 =	vadd.s32 v1, v4;
	_ =	sdelay $0x1  }
0x33: {  	v3 =	vadd.s32 v1, v3;
	_ =	sdelay $0x2  }
0x34: {  	[tilespmem:s12], [sflag:$0x5] =	stream.indirect_vreg.gather [hbm4b:s1+s3], $0x80, v4, vm0, $0x2000b8;
	[tilespmem:$0x10100] =	vst v63  }
0x35: {  	_ = 	snop  }
0x36: {  	[tilespmem:s13], [sflag:$0x5] =	stream.indirect_vreg.gather [hbm4b:s1+s3], $0x80, v3, vm0, $0x2000b8;
	[tilespmem:$0x10100] =	vst v63  }
0x37: {  	v3 =	vld [tilespmem:$0x30];
	_ =	sdelay $0x4  }
0x38: {  	v59 =	vshll.u32 v3, $0x1  }
0x39: {  	v3 =	vand.u32 $0x7, v3;
	v4 =	vand.u32 $0xFFFFFFF0, v59  }
0x3a: {  	v3 =	vor.u32 v3, v4  }
0x3b: {  	v4 =	vperm.xlane v3, v0;
	_ =	sdelay $0x1  }
0x3c: {  	v3 =	vperm.xlane v3, v2;
	v4 =	vadd.s32 v1, v4;
	_ =	sdelay $0x1  }
0x3d: {  	v3 =	vadd.s32 v1, v3;
	_ =	sdelay $0x2  }
0x3e: {  	[tilespmem:s14], [sflag:$0x5] =	stream.indirect_vreg.gather [hbm4b:s1+s3], $0x80, v4, vm0, $0x2000b8;
	[tilespmem:$0x10100] =	vst v63  }
0x3f: {  	_ = 	snop  }
0x40: {  	[tilespmem:s15], [sflag:$0x5] =	stream.indirect_vreg.gather [hbm4b:s1+s3], $0x80, v3, vm0, $0x2000b8;
	[tilespmem:$0x10100] =	vst v63  }
0x41: {  	v3 =	vld [tilespmem:$0x40];
	_ =	sdelay $0x4  }
0x42: {  	v60 =	vshll.u32 v3, $0x1  }
0x43: {  	v3 =	vand.u32 $0x7, v3;
	v4 =	vand.u32 $0xFFFFFFF0, v60  }
0x44: {  	v3 =	vor.u32 v3, v4  }
0x45: {  	v4 =	vperm.xlane v3, v0;
	_ =	sdelay $0x1  }
0x46: {  	v3 =	vperm.xlane v3, v2;
	v4 =	vadd.s32 v1, v4;
	_ =	sdelay $0x1  }
0x47: {  	v3 =	vadd.s32 v1, v3;
	_ =	sdelay $0x2  }
0x48: {  	[tilespmem:s16], [sflag:$0x5] =	stream.indirect_vreg.gather [hbm4b:s1+s3], $0x80, v4, vm0, $0x2000b8;
	[tilespmem:$0x10100] =	vst v63  }
0x49: {  	_ = 	snop  }
0x4a: {  	[tilespmem:s17], [sflag:$0x5] =	stream.indirect_vreg.gather [hbm4b:s1+s3], $0x80, v3, vm0, $0x2000b8;
	[tilespmem:$0x10100] =	vst v63  }
0x4b: {  	v3 =	vld [tilespmem:$0x50];
	_ =	sdelay $0x4  }
0x4c: {  	v61 =	vshll.u32 v3, $0x1  }
0x4d: {  	v3 =	vand.u32 $0x7, v3;
	v4 =	vand.u32 $0xFFFFFFF0, v61  }
0x4e: {  	v3 =	vor.u32 v3, v4  }
0x4f: {  	v4 =	vperm.xlane v3, v0;
	_ =	sdelay $0x1  }
0x50: {  	v3 =	vperm.xlane v3, v2;
	v4 =	vadd.s32 v1, v4;
	_ =	sdelay $0x1  }
0x51: {  	v3 =	vadd.s32 v1, v3;
	_ =	sdelay $0x2  }
0x52: {  	[tilespmem:s18], [sflag:$0x5] =	stream.indirect_vreg.gather [hbm4b:s1+s3], $0x80, v4, vm0, $0x2000b8;
	[tilespmem:$0x10100] =	vst v63  }
0x53: {  	_ = 	snop  }
0x54: {  	[tilespmem:s19], [sflag:$0x5] =	stream.indirect_vreg.gather [hbm4b:s1+s3], $0x80, v3, vm0, $0x2000b8;
	[tilespmem:$0x10100] =	vst v63  }
0x55: {  	v3 =	vld [tilespmem:$0x60];
	_ =	sdelay $0x4  }
0x56: {  	v62 =	vshll.u32 v3, $0x1  }
0x57: {  	v3 =	vand.u32 $0x7, v3;
	v4 =	vand.u32 $0xFFFFFFF0, v62  }
0x58: {  	v3 =	vor.u32 v3, v4  }
0x59: {  	v4 =	vperm.xlane v3, v0;
	_ =	sdelay $0x1  }
0x5a: {  	v3 =	vperm.xlane v3, v2;
	v4 =	vadd.s32 v1, v4;
	_ =	sdelay $0x1  }
0x5b: {  	v3 =	vadd.s32 v1, v3;
	_ =	sdelay $0x2  }
0x5c: {  	[tilespmem:s20], [sflag:$0x5] =	stream.indirect_vreg.gather [hbm4b:s1+s3], $0x80, v4, vm0, $0x2000b8;
	[tilespmem:$0x10100] =	vst v63  }
0x5d: {  	_ = 	snop  }
0x5e: {  	[tilespmem:s21], [sflag:$0x5] =	stream.indirect_vreg.gather [hbm4b:s1+s3], $0x80, v3, vm0, $0x2000b8;
	[tilespmem:$0x10100] =	vst v63  }
0x5f: {  	v3 =	vld [tilespmem:$0x70];
	_ =	sdelay $0x4  }
0x60: {  	v63 =	vshll.u32 v3, $0x1  }
0x61: {  	v3 =	vand.u32 $0x7, v3;
	v4 =	vand.u32 $0xFFFFFFF0, v63  }
0x62: {  	v3 =	vor.u32 v3, v4  }
0x63: {  	v4 =	vperm.xlane v3, v0;
	_ =	sdelay $0x1  }
0x64: {  	v3 =	vperm.xlane v3, v2;
	v4 =	vadd.s32 v1, v4;
	_ =	sdelay $0x1  }
0x65: {  	v3 =	vadd.s32 v1, v3;
	_ =	sdelay $0x2  }
0x66: {  	[tilespmem:s22], [sflag:$0x5] =	stream.indirect_vreg.gather [hbm4b:s1+s3], $0x80, v4, vm0, $0x2000b8;
	[tilespmem:$0x10100] =	vst v63  }
0x67: {  	_ = 	snop  }
0x68: {  	[tilespmem:s23], [sflag:$0x5] =	stream.indirect_vreg.gather [hbm4b:s1+s3], $0x80, v3, vm0, $0x2000b8;
	[tilespmem:$0x10100] =	vst v63  }
0x69: {  	_ =	swait.ge [sflag:s24], $0x8000  }
0x6a: {  	[sflag:s24] =	ssyncset.done $0x0  }
0x6b: {  	[sflag:s24] =	ssyncadd.s32 $0xFFFF8000  }
0x6c: {  	_ =	strace $0x9000004A  }
0x6d: {  	_ =	strace $0x8000004B  }
0x6e: {  	[hbm4b:s5+s3] =	stream.linear.scatter [tilespmem:s8], [sflag:$0x3], $0x8000, $0x200038;
	[tilespmem:$0x10100] =	vst v63  }
0x6f: {  	p0 =	sne.s32 s6, $0x1;
	_ =	strace $0x9000004B  }
.Ltmp0:
0x70: {  	_ =	strace $0x8000004C;
	(pc) =	sbr.rel @p0 .LBB2_1-.Ltmp0, $4  }
0x71: {  	_ =	swait.ge [sflag:s25], $0x8000  }
0x72: {  	[sflag:s25] =	ssyncset.done $0x0  }
0x73: {  	[sflag:s25] =	ssyncadd.s32 $0xFFFF8000  }
0x74: {  	s6 =	sadd.s32 $0xFFFFFFFF, s6;
	_ =	strace $0x9000004C  }
0x75: {  	_ =	sfence.sel $0x180000  }
0x76: {  	[bflag:$0x0] =	sbarrier.arrive $0xFFFF  }
0x77: {  	p0 =	sne.s32 s2, $0x0;
	_ =	strace $0x90000047  }
0x78: {  	s0 =	sadd.s32 @!p0 $0x100000, s0;
	[bflag:$0x2] =	sbarrier.arrive $0xFFFF  }
0x79: {  	[sflag:s0] =	ssyncadd.tile.s32 @!p0 $0x1;
	_ =	shalt  }
.Lfunc_end2:
_tile_overlayer_lowered:
.L_overlay_start_2:
0x7a: {  	(tag) =	ssettag $0x2  }
0x7b: {  	s0 =	rddreg [dreg:$0x0];
	s2 =	stileid.u32  }
0x7c: {  	s1 =	rddreg [dreg:$0x1];
	p0 =	sne.s32 s2, $0x0  }
0x7d: {  	s3 =	rddreg [dreg:$0x2];
	[bflag:$0x3] =	sbarrier.arrive $0xFFFF;
	s2 =	simm.s32 @!p0 $0x1C01  }
0x7e: {  	[timem:s3], [sflag:s2] =	dma.local @!p0 [hbm:s0], s1  }
0x7f: {  	s0 =	simm.s32 @!p0 $0x1  }
0x80: {  	_ =	swait.ge @!p0 [sflag:s0], s1  }
0x81: {  	s1 =	ssub.s32 @!p0 $0x0, s1;
	[sflag:s0] =	ssyncset.done @!p0 $0x0  }
0x82: {  	[sflag:s0] =	ssyncadd.s32 @!p0 s1  }
0x83: {  	[bflag:$0x3] =	sbarrier.arrive $0xFFFF  }
0x84: {  	_ =	shalt  }

</sc_bundles>
